<compile_context>
chip_gen: v7x
topology: tpu7x:2x2x1
jax: 0.10.2.dev20260603
libtpu: 0.0.44.dev20260713+nightly
codegen_flags: <defaults>
</compile_context>

<pallas_src>
import functools

import jax
import jax.numpy as jnp
from jax import lax
from jax.experimental import pallas as pl
from jax.experimental.pallas import tpu as pltpu
from jax.experimental.pallas import tpu_sc as plsc

_EMB = 1024
_E = 8
_TOP = 2
_W_IMP = 0.01
_N = 2048
_BK = 512
_MAXB = _N // _BK
_NBC = 15
_NBT = _NBC * _BK
_NW = 32
_GR = _NBT // _NW
_GC = 48
_CT = _N // _NW
_CC = 16


def _gate_body(q_ref, wv_ref, bv_ref, wo_ref, bo_ref, gw_ref, gb_ref,
               prob_ref, wcomb_ref, cnt_ref, imp_ref, loss_ref):
    i = pl.program_id(0)
    v = jnp.dot(q_ref[...], wv_ref[...], preferred_element_type=jnp.float32)
    v = v + bv_ref[...]
    att = jnp.dot(v, wo_ref[...], preferred_element_type=jnp.float32)
    att = att + bo_ref[...]
    logits = jnp.dot(att, gw_ref[...], preferred_element_type=jnp.float32)
    logits = logits + gb_ref[...]
    m = jnp.max(logits, axis=-1, keepdims=True)
    ex = jnp.exp(logits - m)
    probs = ex / jnp.sum(ex, axis=-1, keepdims=True)
    prob_ref[...] = probs

    lane = jax.lax.broadcasted_iota(jnp.int32, probs.shape, 1)
    p1 = jnp.max(probs, axis=-1, keepdims=True)
    i1 = jnp.argmax(probs, axis=-1)
    oh1 = lane == i1[:, None]
    masked = jnp.where(oh1, -jnp.inf, probs)
    p2 = jnp.max(masked, axis=-1, keepdims=True)
    i2 = jnp.argmax(masked, axis=-1)
    oh2 = lane == i2[:, None]
    ed = jnp.exp(p2 - p1)
    w1 = 1.0 / (1.0 + ed)
    w2 = ed / (1.0 + ed)
    wcomb_ref[...] = jnp.where(oh1, w1, 0.0) + jnp.where(oh2, w2, 0.0)

    @pl.when(i == 0)
    def _init():
        cnt_ref[...] = jnp.zeros_like(cnt_ref)
        imp_ref[...] = jnp.zeros_like(imp_ref)

    cnt_ref[...] += jnp.sum((oh1 | oh2).astype(jnp.float32), axis=0, keepdims=True)
    imp_ref[...] += jnp.sum(probs, axis=0, keepdims=True)

    @pl.when(i == pl.num_programs(0) - 1)
    def _fin():
        imp = imp_ref[0, :]
        mean = jnp.mean(imp)
        var = jnp.sum((imp - mean) ** 2) / (_E - 1)
        loss_ref[...] = jnp.broadcast_to(_W_IMP * var / (mean * mean), (1, 1))


def _route_body(cnt_ref, wc_ref, xf_ref, pos2_ref, ws2_ref, nblk_ref, coff_ref,
                xfc_ref, carry_ref):
    xfc_ref[...] = xf_ref[...]
    c = pl.program_id(0)
    counts = cnt_ref[...]
    padded = jnp.ceil(counts / _BK) * _BK
    erow = jax.lax.broadcasted_iota(jnp.int32, (_E, _E), 0)
    ecol = jax.lax.broadcasted_iota(jnp.int32, (_E, _E), 1)
    offs = jnp.dot(padded, (erow < ecol).astype(jnp.float32),
                   preferred_element_type=jnp.float32)

    wc = wc_ref[...]
    msk = (wc > 0).astype(jnp.float32)
    rrow = jax.lax.broadcasted_iota(jnp.int32, (128, 128), 0)
    rcol = jax.lax.broadcasted_iota(jnp.int32, (128, 128), 1)
    tri = (rrow >= rcol).astype(jnp.float32)
    incl = jnp.dot(tri, msk, preferred_element_type=jnp.float32)
    carry = jnp.where(c == 0, jnp.zeros_like(carry_ref[...]), carry_ref[...])
    rank = incl - msk + carry
    carry_ref[...] = carry + jnp.sum(msk, axis=0, keepdims=True)

    dest = offs + rank
    dmin = jnp.where(msk > 0, dest, 1e9)
    pos_a = jnp.min(dmin, axis=1, keepdims=True)
    dmax = jnp.where(msk > 0, dest, -1.0)
    pos_b = jnp.max(dmax, axis=1, keepdims=True)
    pos2_ref[...] = jnp.concatenate([pos_a, pos_b], axis=1).astype(jnp.int32)
    w_a = jnp.sum(jnp.where(dmin == pos_a, wc, 0.0), axis=1, keepdims=True)
    w_b = jnp.sum(jnp.where(dmax == pos_b, wc, 0.0), axis=1, keepdims=True)
    ws2_ref[...] = jnp.concatenate([w_a, w_b], axis=1)

    @pl.when(c == 0)
    def _blk():
        nblk_ref[...] = (padded / _BK).astype(jnp.int32)
        coff_ref[...] = (offs / _BK).astype(jnp.int32)


def _gmm_body(nb_ref, co_ref, xs_ref, ew1_ref, eb1_ref, ew2_ref, eb2_ref,
              ws_ref, z_ref):
    e = pl.program_id(0)
    j = pl.program_id(1)

    @pl.when(j < nb_ref[e])
    def _():
        h = jnp.dot(xs_ref[...], ew1_ref[0], preferred_element_type=jnp.float32)
        h = jnp.maximum(h + eb1_ref[0], 0.0)
        out = jnp.dot(h, ew2_ref[0], preferred_element_type=jnp.float32)
        z_ref[...] = (out + eb2_ref[0]) * ws_ref[...]


def _wid():
    return lax.axis_index("s") * 2 + lax.axis_index("c")


@functools.cache
def _sc_kernels():
    mesh = plsc.VectorSubcoreMesh(core_axis_name="c", subcore_axis_name="s")
    params = pltpu.CompilerParams(needs_layout_passes=False)

    @functools.partial(
        pl.kernel,
        out_type=(jax.ShapeDtypeStruct((_NBT,), jnp.int32),
                  jax.ShapeDtypeStruct((_NBT,), jnp.float32)),
        mesh=mesh,
        scratch_types=[
            pltpu.VMEM((_N,), jnp.int32),
            pltpu.VMEM((_N,), jnp.int32),
            pltpu.VMEM((_N,), jnp.float32),
            pltpu.VMEM((_N,), jnp.float32),
            pltpu.VMEM((_NBT,), jnp.int32),
            pltpu.VMEM((_NBT,), jnp.float32),
        ],
        compiler_params=params,
    )
    def sc_scatter(pa_hbm, pb_hbm, wa_hbm, wb_hbm, idx_hbm, wso_hbm,
                   pa_v, pb_v, wa_v, wb_v, idx_v, w_v):
        @pl.when(_wid() == 0)
        def _():
            pltpu.sync_copy(pa_hbm, pa_v)
            pltpu.sync_copy(pb_hbm, pb_v)
            pltpu.sync_copy(wa_hbm, wa_v)
            pltpu.sync_copy(wb_hbm, wb_v)

            def zero_body(i, _):
                idx_v[pl.ds(i * 16, 16)] = jnp.zeros((16,), jnp.int32)
                w_v[pl.ds(i * 16, 16)] = jnp.zeros((16,), jnp.float32)
                return 0

            lax.fori_loop(0, _NBT // 16, zero_body, 0)

            def scat_body(i, _):
                t = i * 16 + lax.iota(jnp.int32, 16)
                pa = pa_v[pl.ds(i * 16, 16)]
                plsc.store_scatter(idx_v, [pa], t)
                plsc.store_scatter(w_v, [pa], wa_v[pl.ds(i * 16, 16)])
                pb = pb_v[pl.ds(i * 16, 16)]
                plsc.store_scatter(idx_v, [pb], t)
                plsc.store_scatter(w_v, [pb], wb_v[pl.ds(i * 16, 16)])
                return 0

            lax.fori_loop(0, _N // 16, scat_body, 0)
            pltpu.sync_copy(idx_v, idx_hbm)
            pltpu.sync_copy(w_v, wso_hbm)

    @functools.partial(
        pl.kernel,
        out_type=jax.ShapeDtypeStruct((_NBT, _EMB), jnp.float32),
        mesh=mesh,
        scratch_types=(
            [pltpu.VMEM((_GR,), jnp.int32)]
            + [pltpu.VMEM((16, _EMB), jnp.float32)] * 2
            + [pltpu.SemaphoreType.DMA] * 4
        ),
        compiler_params=params,
    )
    def sc_gather(idx_hbm, xf_hbm, xs_hbm, idx_v, b0, b1, *sems):
        base = _wid() * _GR
        nch = _GR // 16
        bufs = (b0, b1)
        gsems = sems[:2]
        wsems = sems[2:]
        pltpu.sync_copy(idx_hbm.at[pl.ds(base, _GR)], idx_v)
        g = [None] * nch
        w = [None] * 2

        def fire(c):
            b = c % 2
            if w[b] is not None:
                w[b].wait()
                w[b] = None
            g[c] = pltpu.async_copy(
                xf_hbm.at[idx_v.at[pl.ds(c * 16, 16)]], bufs[b], gsems[b])

        for c in range(2):
            fire(c)
        for c in range(nch):
            b = c % 2
            g[c].wait()
            w[b] = pltpu.async_copy(
                bufs[b], xs_hbm.at[pl.ds(base + c * 16, 16)], wsems[b])
            if c + 2 < nch:
                fire(c + 2)
        for b in range(2):
            if w[b] is not None:
                w[b].wait()

    @functools.partial(
        pl.kernel,
        out_type=jax.ShapeDtypeStruct((_N, _EMB), jnp.float32),
        mesh=mesh,
        scratch_types=[
            pltpu.VMEM((_CT,), jnp.int32),
            pltpu.VMEM((_CT,), jnp.int32),
            pltpu.VMEM((_CC, _EMB), jnp.float32),
            pltpu.VMEM((_CC, _EMB), jnp.float32),
            pltpu.VMEM((_CC, _EMB), jnp.float32),
            pltpu.VMEM((_CC, _EMB), jnp.float32),
            pltpu.VMEM((_CC, _EMB), jnp.float32),
            pltpu.VMEM((_CC, _EMB), jnp.float32),
            pltpu.SemaphoreType.DMA,
            pltpu.SemaphoreType.DMA,
            pltpu.SemaphoreType.DMA,
            pltpu.SemaphoreType.DMA,
            pltpu.SemaphoreType.DMA,
            pltpu.SemaphoreType.DMA,
        ],
        compiler_params=params,
    )
    def sc_combine(pa_hbm, pb_hbm, z_hbm, y_hbm,
                   pa_v, pb_v, a0, a1, b0, b1, o0, o1,
                   sa0, sa1, sb0, sb1, so0, so1):
        base = _wid() * _CT
        pltpu.sync_copy(pa_hbm.at[pl.ds(base, _CT)], pa_v)
        pltpu.sync_copy(pb_hbm.at[pl.ds(base, _CT)], pb_v)
        abufs = (a0, a1)
        bbufs = (b0, b1)
        obufs = (o0, o1)
        sas = (sa0, sa1)
        sbs = (sb0, sb1)
        sos = (so0, so1)
        nch = _CT // _CC
        ga = [None] * nch
        gb = [None] * nch
        wout = [None, None]
        ga[0] = pltpu.async_copy(z_hbm.at[pa_v.at[pl.ds(0, _CC)]], abufs[0], sas[0])
        gb[0] = pltpu.async_copy(z_hbm.at[pb_v.at[pl.ds(0, _CC)]], bbufs[0], sbs[0])
        for c in range(nch):
            b = c & 1
            ga[c].wait()
            gb[c].wait()
            if c + 1 < nch:
                nb = (c + 1) & 1
                ga[c + 1] = pltpu.async_copy(
                    z_hbm.at[pa_v.at[pl.ds((c + 1) * _CC, _CC)]], abufs[nb], sas[nb])
                gb[c + 1] = pltpu.async_copy(
                    z_hbm.at[pb_v.at[pl.ds((c + 1) * _CC, _CC)]], bbufs[nb], sbs[nb])
            if wout[b] is not None:
                wout[b].wait()
            ra, rb, ro = abufs[b], bbufs[b], obufs[b]

            @plsc.parallel_loop(0, _CC * (_EMB // 16), unroll=8)
            def _add(i):
                j = i // (_EMB // 16)
                k = (i % (_EMB // 16)) * 16
                ro[j, pl.ds(k, 16)] = ra[j, pl.ds(k, 16)] + rb[j, pl.ds(k, 16)]

            wout[b] = pltpu.async_copy(
                obufs[b], y_hbm.at[pl.ds(base + c * _CC, _CC)], sos[b])
        for b in range(2):
            if wout[b] is not None:
                wout[b].wait()

    return sc_scatter, sc_gather, sc_combine


def kernel(x, q, Wq, bq, Wk, bk, Wv, bv, Wo, bo, gate_W, gate_b, ew1, eb1, ew2, eb2):
    x_shape = x.shape
    xf = x.reshape(-1, x_shape[-1])
    tb = 512
    grid_t = _N // tb

    probs, wcomb, counts, _imp, loss = pl.pallas_call(
        _gate_body,
        grid=(grid_t,),
        in_specs=[
            pl.BlockSpec((tb, _EMB), lambda i: (i, 0)),
            pl.BlockSpec((_EMB, _EMB), lambda i: (0, 0)),
            pl.BlockSpec((1, _EMB), lambda i: (0, 0)),
            pl.BlockSpec((_EMB, _EMB), lambda i: (0, 0)),
            pl.BlockSpec((1, _EMB), lambda i: (0, 0)),
            pl.BlockSpec((_EMB, _E), lambda i: (0, 0)),
            pl.BlockSpec((1, _E), lambda i: (0, 0)),
        ],
        out_specs=[
            pl.BlockSpec((tb, _E), lambda i: (i, 0)),
            pl.BlockSpec((tb, _E), lambda i: (i, 0)),
            pl.BlockSpec((1, _E), lambda i: (0, 0)),
            pl.BlockSpec((1, _E), lambda i: (0, 0)),
            pl.BlockSpec((1, 1), lambda i: (0, 0)),
        ],
        out_shape=[
            jax.ShapeDtypeStruct((_N, _E), jnp.float32),
            jax.ShapeDtypeStruct((_N, _E), jnp.float32),
            jax.ShapeDtypeStruct((1, _E), jnp.float32),
            jax.ShapeDtypeStruct((1, _E), jnp.float32),
            jax.ShapeDtypeStruct((1, 1), jnp.float32),
        ],
    )(q, Wv, bv.reshape(1, _EMB), Wo, bo.reshape(1, _EMB),
      gate_W, gate_b.reshape(1, _E))

    pos2, ws2, nblk, coff, xfc = pl.pallas_call(
        _route_body,
        grid=(_N // 128,),
        in_specs=[
            pl.BlockSpec((1, _E), lambda c: (0, 0)),
            pl.BlockSpec((128, _E), lambda c: (c, 0)),
            pl.BlockSpec((128, _EMB), lambda c: (c, 0)),
        ],
        out_specs=[
            pl.BlockSpec((128, 2), lambda c: (c, 0)),
            pl.BlockSpec((128, 2), lambda c: (c, 0)),
            pl.BlockSpec((1, _E), lambda c: (0, 0)),
            pl.BlockSpec((1, _E), lambda c: (0, 0)),
            pl.BlockSpec((128, _EMB), lambda c: (c, 0)),
        ],
        out_shape=[
            jax.ShapeDtypeStruct((_N, 2), jnp.int32),
            jax.ShapeDtypeStruct((_N, 2), jnp.float32),
            jax.ShapeDtypeStruct((1, _E), jnp.int32),
            jax.ShapeDtypeStruct((1, _E), jnp.int32),
            jax.ShapeDtypeStruct((_N, _EMB), jnp.float32),
        ],
        scratch_shapes=[pltpu.VMEM((1, _E), jnp.float32)],
    )(counts, wcomb, xf)

    sc_scatter, sc_gather, sc_combine = _sc_kernels()

    pos_a = pos2[:, 0]
    pos_b = pos2[:, 1]
    idx_sorted, w_sorted = sc_scatter(pos_a, pos_b, ws2[:, 0], ws2[:, 1])
    xs = sc_gather(idx_sorted, xfc)

    def _blk(j, nb, co):
        return co + jnp.maximum(jnp.minimum(j, nb - 1), 0)

    grid_spec = pltpu.PrefetchScalarGridSpec(
        num_scalar_prefetch=2,
        grid=(_E, _MAXB),
        in_specs=[
            pl.BlockSpec((_BK, _EMB), lambda e, j, nb, co: (_blk(j, nb[e], co[e]), 0)),
            pl.BlockSpec((1, _EMB, _EMB), lambda e, j, nb, co: (e, 0, 0)),
            pl.BlockSpec((1, 1, _EMB), lambda e, j, nb, co: (e, 0, 0)),
            pl.BlockSpec((1, _EMB, _EMB), lambda e, j, nb, co: (e, 0, 0)),
            pl.BlockSpec((1, 1, _EMB), lambda e, j, nb, co: (e, 0, 0)),
            pl.BlockSpec((_BK, 1), lambda e, j, nb, co: (_blk(j, nb[e], co[e]), 0)),
        ],
        out_specs=pl.BlockSpec(
            (_BK, _EMB), lambda e, j, nb, co: (_blk(j, nb[e], co[e]), 0)),
    )
    z = pl.pallas_call(
        _gmm_body,
        grid_spec=grid_spec,
        out_shape=jax.ShapeDtypeStruct((_NBT, _EMB), jnp.float32),
    )(nblk.reshape(_E), coff.reshape(_E), xs, ew1, eb1.reshape(_E, 1, _EMB),
      ew2, eb2.reshape(_E, 1, _EMB), w_sorted.reshape(_NBT, 1))

    y = sc_combine(pos_a, pos_b, z)
    return (y.reshape(x_shape), probs, loss.reshape(()))

# --- scband reference (transcript-rebuilt; emitter-appended) ---
"""Pipeline reference for scband-mo-e-49967649522233 (READ-ONLY COPY).

The authoritative reference and input builder live on the scoring server;
editing this copy changes nothing except your own understanding.
"""

import jax, jax.numpy as jnp
import numpy as np

EMB = 1024
HEADS = 16
E = 8
TOP = 2
W_IMP = 0.01
B, S = 1, 2048


def setup_inputs(seed: int = 0) -> dict:
    key = jax.random.key(seed)
    ks = jax.random.split(key, 16)
    N = B * S
    s = 1.0 / np.sqrt(EMB)
    inp = {
        "x": jax.random.normal(ks[0], (B, S, EMB), dtype=jnp.float32),
        "q": jax.random.normal(ks[1], (N, EMB), dtype=jnp.float32),
        "Wq": jax.random.normal(ks[2], (EMB, EMB), dtype=jnp.float32) * s,
        "bq": jnp.zeros((EMB,), dtype=jnp.float32),
        "Wk": jax.random.normal(ks[3], (EMB, EMB), dtype=jnp.float32) * s,
        "bk": jnp.zeros((EMB,), dtype=jnp.float32),
        "Wv": jax.random.normal(ks[4], (EMB, EMB), dtype=jnp.float32) * s,
        "bv": jnp.zeros((EMB,), dtype=jnp.float32),
        "Wo": jax.random.normal(ks[5], (EMB, EMB), dtype=jnp.float32) * s,
        "bo": jnp.zeros((EMB,), dtype=jnp.float32),
        "gate_W": jax.random.normal(ks[6], (EMB, E), dtype=jnp.float32) * s,
        "gate_b": jnp.zeros((E,), dtype=jnp.float32),
        "ew1": jax.random.normal(ks[7], (E, EMB, EMB), dtype=jnp.float32) * s,
        "eb1": jnp.zeros((E, EMB), dtype=jnp.float32),
        "ew2": jax.random.normal(ks[8], (E, EMB, EMB), dtype=jnp.float32) * s,
        "eb2": jnp.zeros((E, EMB), dtype=jnp.float32),
    }
    return inp


def reference(x, q, Wq, bq, Wk, bk, Wv, bv, Wo, bo, gate_W, gate_b, ew1, eb1, ew2, eb2):
    x_shape = x.shape
    xf = x.reshape(-1, x_shape[-1])
    N = xf.shape[0]
    hd = EMB // HEADS
    # cross attention with kv sequence length 1 (x.unsqueeze(1), q.unsqueeze(1))
    qh = (xf @ Wq + bq).reshape(N, HEADS, hd)
    kh = (q @ Wk + bk).reshape(N, HEADS, hd)
    vh = (q @ Wv + bv).reshape(N, HEADS, hd)
    scores = (qh * kh).sum(axis=-1, keepdims=True) / jnp.sqrt(hd)  # [N, H, 1]
    w = jax.nn.softmax(scores, axis=-1)  # softmax over kv len 1
    attn = (w * vh).reshape(N, EMB)
    att = attn @ Wo + bo
    # gating (eval mode: no noise)
    gate_logits = att @ gate_W + gate_b
    gate_prob = jax.nn.softmax(gate_logits, axis=-1)
    top_w, top_i = jax.lax.top_k(gate_prob, TOP)
    top_w = jax.nn.softmax(top_w, axis=-1)
    tw = top_w.reshape(-1)
    ti = top_i.reshape(-1)
    xr = jnp.broadcast_to(xf[:, None, :], (N, TOP, EMB)).reshape(N * TOP, EMB)
    y = jnp.zeros_like(xr)
    for e in range(E):
        h = jax.nn.relu(xr @ ew1[e] + eb1[e]) @ ew2[e] + eb2[e]
        y = y + jnp.where((ti == e)[:, None], h, jnp.zeros_like(h))
    y = y * tw[:, None]
    y = y.reshape(N, TOP, EMB).sum(axis=1)
    importance = gate_prob.sum(axis=0)
    importance_loss = W_IMP * (jnp.std(importance, ddof=1) / jnp.mean(importance)) ** 2
    return (y.reshape(x_shape), gate_prob, importance_loss)

if __name__ == "__main__":
    import jax
    _d = setup_inputs()
    print(jax.jit(kernel)(*tuple(_d.values())))

</pallas_src>

<mosaic_0001>
#map = affine_map<(d0, d1) -> (0)>
#map1 = affine_map<(d0, d1) -> (0, 0)>
module attributes {stable_mosaic.version = 14 : i64} {
  func.func @sc_combine(%arg0: i32, %arg1: i32, %arg2: memref<2048xi32, #tpu.memory_space<hbm>>, %arg3: memref<2048xi32, #tpu.memory_space<hbm>>, %arg4: memref<7680x1024xf32, #tpu.memory_space<hbm>>, %arg5: memref<2048x1024xf32, #tpu.memory_space<hbm>>, %arg6: memref<64xi32, #tpu.memory_space<vmem>>, %arg7: memref<64xi32, #tpu.memory_space<vmem>>, %arg8: memref<16x1024xf32, #tpu.memory_space<vmem>>, %arg9: memref<16x1024xf32, #tpu.memory_space<vmem>>, %arg10: memref<16x1024xf32, #tpu.memory_space<vmem>>, %arg11: memref<16x1024xf32, #tpu.memory_space<vmem>>, %arg12: memref<16x1024xf32, #tpu.memory_space<vmem>>, %arg13: memref<16x1024xf32, #tpu.memory_space<vmem>>, %arg14: memref<!tpu.dma_semaphore, #tpu.memory_space<semaphore_mem>>, %arg15: memref<!tpu.dma_semaphore, #tpu.memory_space<semaphore_mem>>, %arg16: memref<!tpu.dma_semaphore, #tpu.memory_space<semaphore_mem>>, %arg17: memref<!tpu.dma_semaphore, #tpu.memory_space<semaphore_mem>>, %arg18: memref<!tpu.dma_semaphore, #tpu.memory_space<semaphore_mem>>, %arg19: memref<!tpu.dma_semaphore, #tpu.memory_space<semaphore_mem>>) attributes {dimension_semantics = [#tpu.dimension_semantics<core_parallel>, #tpu.dimension_semantics<subcore_parallel>], iteration_bounds = array<i64: 2, 16>, scalar_prefetch = 0 : i64, scratch_operands = 14 : i64, tpu.core_type = #tpu.core_type<sc_vector_subcore>, window_params = [{transform_indices = #map}, {transform_indices = #map}, {transform_indices = #map1}, {transform_indices = #map1}]} {
    %mul3A = arith.constant 2 : i32
    %mul3A_0 = arith.muli %arg1, %mul3A : i32
    %add3A = arith.addi %mul3A_0, %arg0 : i32
    %mul3A_1 = arith.constant 64 : i32
    %mul3A_2 = arith.muli %add3A, %mul3A_1 : i32
    "tpu.region"() ({
      %run_scoped3A = tpu.sem_alloc : memref<!tpu.dma_semaphore, #tpu.memory_space<semaphore_mem>>
      %dma_start3A_132 = tpu.memref_slice %arg2[%mul3A_2] : memref<2048xi32, #tpu.memory_space<hbm>> -> memref<64xi32, #tpu.memory_space<hbm>>
      %dma_start3A_133 = tpu.memref_slice %arg2[%mul3A_2] : memref<2048xi32, #tpu.memory_space<hbm>> -> memref<64xi32, #tpu.memory_space<hbm>>
      tpu.enqueue_dma source(%dma_start3A_133 : memref<64xi32, #tpu.memory_space<hbm>>) target(%arg6 : memref<64xi32, #tpu.memory_space<vmem>>) target_semaphore(%run_scoped3A : memref<!tpu.dma_semaphore, #tpu.memory_space<semaphore_mem>>)
      %dma_wait3A_134 = tpu.memref_slice %arg2[%mul3A_2] : memref<2048xi32, #tpu.memory_space<hbm>> -> memref<64xi32, #tpu.memory_space<hbm>>
      %dma_wait3A_135 = tpu.memref_slice %arg2[%mul3A_2] : memref<2048xi32, #tpu.memory_space<hbm>> -> memref<64xi32, #tpu.memory_space<hbm>>
      tpu.wait_dma2 semaphore(%run_scoped3A : memref<!tpu.dma_semaphore, #tpu.memory_space<semaphore_mem>>) src(%dma_wait3A_135 : memref<64xi32, #tpu.memory_space<hbm>>) dst(%arg6 : memref<64xi32, #tpu.memory_space<vmem>>)
      tpu.yield
    }) : () -> ()
    "tpu.region"() ({
      %run_scoped3A = tpu.sem_alloc : memref<!tpu.dma_semaphore, #tpu.memory_space<semaphore_mem>>
      %dma_start3A_132 = tpu.memref_slice %arg3[%mul3A_2] : memref<2048xi32, #tpu.memory_space<hbm>> -> memref<64xi32, #tpu.memory_space<hbm>>
      %dma_start3A_133 = tpu.memref_slice %arg3[%mul3A_2] : memref<2048xi32, #tpu.memory_space<hbm>> -> memref<64xi32, #tpu.memory_space<hbm>>
      tpu.enqueue_dma source(%dma_start3A_133 : memref<64xi32, #tpu.memory_space<hbm>>) target(%arg7 : memref<64xi32, #tpu.memory_space<vmem>>) target_semaphore(%run_scoped3A : memref<!tpu.dma_semaphore, #tpu.memory_space<semaphore_mem>>)
      %dma_wait3A_134 = tpu.memref_slice %arg3[%mul3A_2] : memref<2048xi32, #tpu.memory_space<hbm>> -> memref<64xi32, #tpu.memory_space<hbm>>
      %dma_wait3A_135 = tpu.memref_slice %arg3[%mul3A_2] : memref<2048xi32, #tpu.memory_space<hbm>> -> memref<64xi32, #tpu.memory_space<hbm>>
      tpu.wait_dma2 semaphore(%run_scoped3A : memref<!tpu.dma_semaphore, #tpu.memory_space<semaphore_mem>>) src(%dma_wait3A_135 : memref<64xi32, #tpu.memory_space<hbm>>) dst(%arg7 : memref<64xi32, #tpu.memory_space<vmem>>)
      tpu.yield
    }) : () -> ()
    %dma_start3A = arith.constant 0 : i32
    %dma_start3A_3 = tpu.memref_slice %arg6[%dma_start3A] : memref<64xi32, #tpu.memory_space<vmem>> -> memref<16xi32, #tpu.memory_space<vmem>>
    %dma_start3A_4 = arith.constant 0 : i32
    %dma_start3A_5 = arith.constant 0 : i32
    %dma_start3A_6 = tpu.memref_slice %arg4[%dma_start3A_4, %dma_start3A_5] : memref<7680x1024xf32, #tpu.memory_space<hbm>> -> memref<7680x1024xf32, #tpu.memory_space<hbm>>
    tpu.enqueue_indirect_dma source(%dma_start3A_6 : memref<7680x1024xf32, #tpu.memory_space<hbm>>) target(%arg8 : memref<16x1024xf32, #tpu.memory_space<vmem>>) offsets(%dma_start3A_3 : memref<16xi32, #tpu.memory_space<vmem>>) semaphore(%arg14 : memref<!tpu.dma_semaphore, #tpu.memory_space<semaphore_mem>>)
    %dma_start3A_7 = arith.constant 0 : i32
    %dma_start3A_8 = tpu.memref_slice %arg7[%dma_start3A_7] : memref<64xi32, #tpu.memory_space<vmem>> -> memref<16xi32, #tpu.memory_space<vmem>>
    %dma_start3A_9 = arith.constant 0 : i32
    %dma_start3A_10 = arith.constant 0 : i32
    %dma_start3A_11 = tpu.memref_slice %arg4[%dma_start3A_9, %dma_start3A_10] : memref<7680x1024xf32, #tpu.memory_space<hbm>> -> memref<7680x1024xf32, #tpu.memory_space<hbm>>
    tpu.enqueue_indirect_dma source(%dma_start3A_11 : memref<7680x1024xf32, #tpu.memory_space<hbm>>) target(%arg10 : memref<16x1024xf32, #tpu.memory_space<vmem>>) offsets(%dma_start3A_8 : memref<16xi32, #tpu.memory_space<vmem>>) semaphore(%arg16 : memref<!tpu.dma_semaphore, #tpu.memory_space<semaphore_mem>>)
    %dma_wait3A = arith.constant 0 : i32
    %dma_wait3A_12 = tpu.memref_slice %arg6[%dma_wait3A] : memref<64xi32, #tpu.memory_space<vmem>> -> memref<16xi32, #tpu.memory_space<vmem>>
    %dma_wait3A_13 = arith.constant 0 : i32
    %dma_wait3A_14 = arith.constant 0 : i32
    %dma_wait3A_15 = tpu.memref_slice %arg4[%dma_wait3A_13, %dma_wait3A_14] : memref<7680x1024xf32, #tpu.memory_space<hbm>> -> memref<7680x1024xf32, #tpu.memory_space<hbm>>
    tpu.wait_indirect_dma semaphore(%arg14 : memref<!tpu.dma_semaphore, #tpu.memory_space<semaphore_mem>>) src(%dma_wait3A_15 : memref<7680x1024xf32, #tpu.memory_space<hbm>>) dst(%arg8 : memref<16x1024xf32, #tpu.memory_space<vmem>>)
    %dma_wait3A_16 = arith.constant 0 : i32
    %dma_wait3A_17 = tpu.memref_slice %arg7[%dma_wait3A_16] : memref<64xi32, #tpu.memory_space<vmem>> -> memref<16xi32, #tpu.memory_space<vmem>>
    %dma_wait3A_18 = arith.constant 0 : i32
    %dma_wait3A_19 = arith.constant 0 : i32
    %dma_wait3A_20 = tpu.memref_slice %arg4[%dma_wait3A_18, %dma_wait3A_19] : memref<7680x1024xf32, #tpu.memory_space<hbm>> -> memref<7680x1024xf32, #tpu.memory_space<hbm>>
    tpu.wait_indirect_dma semaphore(%arg16 : memref<!tpu.dma_semaphore, #tpu.memory_space<semaphore_mem>>) src(%dma_wait3A_20 : memref<7680x1024xf32, #tpu.memory_space<hbm>>) dst(%arg10 : memref<16x1024xf32, #tpu.memory_space<vmem>>)
    %dma_start3A_21 = arith.constant 16 : i32
    %dma_start3A_22 = tpu.memref_slice %arg6[%dma_start3A_21] : memref<64xi32, #tpu.memory_space<vmem>> -> memref<16xi32, #tpu.memory_space<vmem>>
    %dma_start3A_23 = arith.constant 0 : i32
    %dma_start3A_24 = arith.constant 0 : i32
    %dma_start3A_25 = tpu.memref_slice %arg4[%dma_start3A_23, %dma_start3A_24] : memref<7680x1024xf32, #tpu.memory_space<hbm>> -> memref<7680x1024xf32, #tpu.memory_space<hbm>>
    tpu.enqueue_indirect_dma source(%dma_start3A_25 : memref<7680x1024xf32, #tpu.memory_space<hbm>>) target(%arg9 : memref<16x1024xf32, #tpu.memory_space<vmem>>) offsets(%dma_start3A_22 : memref<16xi32, #tpu.memory_space<vmem>>) semaphore(%arg15 : memref<!tpu.dma_semaphore, #tpu.memory_space<semaphore_mem>>)
    %dma_start3A_26 = arith.constant 16 : i32
    %dma_start3A_27 = tpu.memref_slice %arg7[%dma_start3A_26] : memref<64xi32, #tpu.memory_space<vmem>> -> memref<16xi32, #tpu.memory_space<vmem>>
    %dma_start3A_28 = arith.constant 0 : i32
    %dma_start3A_29 = arith.constant 0 : i32
    %dma_start3A_30 = tpu.memref_slice %arg4[%dma_start3A_28, %dma_start3A_29] : memref<7680x1024xf32, #tpu.memory_space<hbm>> -> memref<7680x1024xf32, #tpu.memory_space<hbm>>
    tpu.enqueue_indirect_dma source(%dma_start3A_30 : memref<7680x1024xf32, #tpu.memory_space<hbm>>) target(%arg11 : memref<16x1024xf32, #tpu.memory_space<vmem>>) offsets(%dma_start3A_27 : memref<16xi32, #tpu.memory_space<vmem>>) semaphore(%arg17 : memref<!tpu.dma_semaphore, #tpu.memory_space<semaphore_mem>>)
    %parallel_loop3A = arith.constant 0 : i32
    %parallel_loop3A_31 = arith.constant 1024 : i32
    %parallel_loop3A_32 = arith.constant 1 : i32
    scf.for %parallel_loop3A_132 = %parallel_loop3A to %parallel_loop3A_31 step %parallel_loop3A_32  : i32 {
      %parallel_loop3A_133 = arith.constant 64 : i32
      %parallel_loop3A_134 = arith.divsi %parallel_loop3A_132, %parallel_loop3A_133 : i32
      %parallel_loop3A_135 = arith.constant 0 : i32
      %parallel_loop3A_136 = arith.cmpi sgt, %parallel_loop3A_132, %parallel_loop3A_135 : i32
      %parallel_loop3A_137 = arith.extui %parallel_loop3A_136 : i1 to i32
      %parallel_loop3A_138 = arith.constant 0 : i32
      %parallel_loop3A_139 = arith.cmpi slt, %parallel_loop3A_132, %parallel_loop3A_138 : i32
      %parallel_loop3A_140 = arith.extui %parallel_loop3A_139 : i1 to i32
      %parallel_loop3A_141 = arith.subi %parallel_loop3A_137, %parallel_loop3A_140 : i32
      %parallel_loop3A_142 = arith.constant 0 : i32
      %parallel_loop3A_143 = arith.cmpi sgt, %parallel_loop3A_133, %parallel_loop3A_142 : i32
      %parallel_loop3A_144 = arith.extui %parallel_loop3A_143 : i1 to i32
      %parallel_loop3A_145 = arith.constant 0 : i32
      %parallel_loop3A_146 = arith.cmpi slt, %parallel_loop3A_133, %parallel_loop3A_145 : i32
      %parallel_loop3A_147 = arith.extui %parallel_loop3A_146 : i1 to i32
      %parallel_loop3A_148 = arith.subi %parallel_loop3A_144, %parallel_loop3A_147 : i32
      %parallel_loop3A_149 = arith.cmpi ne, %parallel_loop3A_141, %parallel_loop3A_148 : i32
      %parallel_loop3A_150 = arith.remsi %parallel_loop3A_132, %parallel_loop3A_133 : i32
      %parallel_loop3A_151 = arith.constant 0 : i32
      %parallel_loop3A_152 = arith.cmpi ne, %parallel_loop3A_150, %parallel_loop3A_151 : i32
      %parallel_loop3A_153 = arith.andi %parallel_loop3A_149, %parallel_loop3A_152 : i1
      %parallel_loop3A_154 = arith.constant 1 : i32
      %parallel_loop3A_155 = arith.subi %parallel_loop3A_134, %parallel_loop3A_154 : i32
      %parallel_loop3A_156 = arith.select %parallel_loop3A_153, %parallel_loop3A_155, %parallel_loop3A_134 : i32
      %parallel_loop3A_157 = arith.constant 64 : i32
      %parallel_loop3A_158 = arith.constant 0 : i32
      %parallel_loop3A_159 = arith.cmpi eq, %parallel_loop3A_157, %parallel_loop3A_158 : i32
      %parallel_loop3A_160 = arith.constant 1 : i32
      %parallel_loop3A_161 = arith.select %parallel_loop3A_159, %parallel_loop3A_160, %parallel_loop3A_157 : i32
      %parallel_loop3A_162 = arith.remsi %parallel_loop3A_132, %parallel_loop3A_161 : i32
      %parallel_loop3A_163 = arith.constant 0 : i32
      %parallel_loop3A_164 = arith.cmpi ne, %parallel_loop3A_162, %parallel_loop3A_163 : i32
      %parallel_loop3A_165 = arith.constant 0 : i32
      %parallel_loop3A_166 = arith.cmpi slt, %parallel_loop3A_162, %parallel_loop3A_165 : i32
      %parallel_loop3A_167 = arith.constant 0 : i32
      %parallel_loop3A_168 = arith.cmpi slt, %parallel_loop3A_161, %parallel_loop3A_167 : i32
      %parallel_loop3A_169 = arith.xori %parallel_loop3A_166, %parallel_loop3A_168 : i1
      %parallel_loop3A_170 = arith.andi %parallel_loop3A_169, %parallel_loop3A_164 : i1
      %parallel_loop3A_171 = arith.addi %parallel_loop3A_162, %parallel_loop3A_161 : i32
      %parallel_loop3A_172 = arith.select %parallel_loop3A_170, %parallel_loop3A_171, %parallel_loop3A_162 : i32
      %parallel_loop3A_173 = arith.constant 16 : i32
      %parallel_loop3A_174 = arith.muli %parallel_loop3A_172, %parallel_loop3A_173 : i32
      %parallel_loop3A_175 = arith.index_cast %parallel_loop3A_156 : i32 to index
      %parallel_loop3A_176 = arith.index_cast %parallel_loop3A_174 : i32 to index
      %parallel_loop3A_177 = tpu.vector_load %arg8[%parallel_loop3A_175, %parallel_loop3A_176] {strides = array<i32>} : memref<16x1024xf32, #tpu.memory_space<vmem>>, vector<16xf32>,
      %parallel_loop3A_178 = arith.index_cast %parallel_loop3A_156 : i32 to index
      %parallel_loop3A_179 = arith.index_cast %parallel_loop3A_174 : i32 to index
      %parallel_loop3A_180 = tpu.vector_load %arg10[%parallel_loop3A_178, %parallel_loop3A_179] {strides = array<i32>} : memref<16x1024xf32, #tpu.memory_space<vmem>>, vector<16xf32>,
      %parallel_loop3A_181 = arith.addf %parallel_loop3A_177, %parallel_loop3A_180 : vector<16xf32>
      %parallel_loop3A_182 = arith.index_cast %parallel_loop3A_156 : i32 to index
      %parallel_loop3A_183 = arith.index_cast %parallel_loop3A_174 : i32 to index
      %parallel_loop3A_184 = tpu.vector_load %arg12[%parallel_loop3A_182, %parallel_loop3A_183] {strides = array<i32>} : memref<16x1024xf32, #tpu.memory_space<vmem>>, vector<16xf32>,
      tpu.vector_store %arg12[%parallel_loop3A_182, %parallel_loop3A_183], %parallel_loop3A_181 {strides = array<i32>} : memref<16x1024xf32, #tpu.memory_space<vmem>>, vector<16xf32>,
    } {sc.loop_unroll_factor = 8 : i64, sc.parallel_access}
    %add3A_33 = arith.constant 0 : i32
    %add3A_34 = arith.addi %mul3A_2, %add3A_33 : i32
    %dma_start3A_35 = arith.constant 0 : i32
    %dma_start3A_36 = tpu.memref_slice %arg5[%add3A_34, %dma_start3A_35] : memref<2048x1024xf32, #tpu.memory_space<hbm>> -> memref<16x1024xf32, #tpu.memory_space<hbm>>
    %dma_start3A_37 = arith.constant 0 : i32
    %dma_start3A_38 = tpu.memref_slice %arg5[%add3A_34, %dma_start3A_37] : memref<2048x1024xf32, #tpu.memory_space<hbm>> -> memref<16x1024xf32, #tpu.memory_space<hbm>>
    tpu.enqueue_dma source(%arg12 : memref<16x1024xf32, #tpu.memory_space<vmem>>) target(%dma_start3A_38 : memref<16x1024xf32, #tpu.memory_space<hbm>>) target_semaphore(%arg18 : memref<!tpu.dma_semaphore, #tpu.memory_space<semaphore_mem>>)
    %dma_wait3A_39 = arith.constant 16 : i32
    %dma_wait3A_40 = tpu.memref_slice %arg6[%dma_wait3A_39] : memref<64xi32, #tpu.memory_space<vmem>> -> memref<16xi32, #tpu.memory_space<vmem>>
    %dma_wait3A_41 = arith.constant 0 : i32
    %dma_wait3A_42 = arith.constant 0 : i32
    %dma_wait3A_43 = tpu.memref_slice %arg4[%dma_wait3A_41, %dma_wait3A_42] : memref<7680x1024xf32, #tpu.memory_space<hbm>> -> memref<7680x1024xf32, #tpu.memory_space<hbm>>
    tpu.wait_indirect_dma semaphore(%arg15 : memref<!tpu.dma_semaphore, #tpu.memory_space<semaphore_mem>>) src(%dma_wait3A_43 : memref<7680x1024xf32, #tpu.memory_space<hbm>>) dst(%arg9 : memref<16x1024xf32, #tpu.memory_space<vmem>>)
    %dma_wait3A_44 = arith.constant 16 : i32
    %dma_wait3A_45 = tpu.memref_slice %arg7[%dma_wait3A_44] : memref<64xi32, #tpu.memory_space<vmem>> -> memref<16xi32, #tpu.memory_space<vmem>>
    %dma_wait3A_46 = arith.constant 0 : i32
    %dma_wait3A_47 = arith.constant 0 : i32
    %dma_wait3A_48 = tpu.memref_slice %arg4[%dma_wait3A_46, %dma_wait3A_47] : memref<7680x1024xf32, #tpu.memory_space<hbm>> -> memref<7680x1024xf32, #tpu.memory_space<hbm>>
    tpu.wait_indirect_dma semaphore(%arg17 : memref<!tpu.dma_semaphore, #tpu.memory_space<semaphore_mem>>) src(%dma_wait3A_48 : memref<7680x1024xf32, #tpu.memory_space<hbm>>) dst(%arg11 : memref<16x1024xf32, #tpu.memory_space<vmem>>)
    %dma_start3A_49 = arith.constant 32 : i32
    %dma_start3A_50 = tpu.memref_slice %arg6[%dma_start3A_49] : memref<64xi32, #tpu.memory_space<vmem>> -> memref<16xi32, #tpu.memory_space<vmem>>
    %dma_start3A_51 = arith.constant 0 : i32
    %dma_start3A_52 = arith.constant 0 : i32
    %dma_start3A_53 = tpu.memref_slice %arg4[%dma_start3A_51, %dma_start3A_52] : memref<7680x1024xf32, #tpu.memory_space<hbm>> -> memref<7680x1024xf32, #tpu.memory_space<hbm>>
    tpu.enqueue_indirect_dma source(%dma_start3A_53 : memref<7680x1024xf32, #tpu.memory_space<hbm>>) target(%arg8 : memref<16x1024xf32, #tpu.memory_space<vmem>>) offsets(%dma_start3A_50 : memref<16xi32, #tpu.memory_space<vmem>>) semaphore(%arg14 : memref<!tpu.dma_semaphore, #tpu.memory_space<semaphore_mem>>)
    %dma_start3A_54 = arith.constant 32 : i32
    %dma_start3A_55 = tpu.memref_slice %arg7[%dma_start3A_54] : memref<64xi32, #tpu.memory_space<vmem>> -> memref<16xi32, #tpu.memory_space<vmem>>
    %dma_start3A_56 = arith.constant 0 : i32
    %dma_start3A_57 = arith.constant 0 : i32
    %dma_start3A_58 = tpu.memref_slice %arg4[%dma_start3A_56, %dma_start3A_57] : memref<7680x1024xf32, #tpu.memory_space<hbm>> -> memref<7680x1024xf32, #tpu.memory_space<hbm>>
    tpu.enqueue_indirect_dma source(%dma_start3A_58 : memref<7680x1024xf32, #tpu.memory_space<hbm>>) target(%arg10 : memref<16x1024xf32, #tpu.memory_space<vmem>>) offsets(%dma_start3A_55 : memref<16xi32, #tpu.memory_space<vmem>>) semaphore(%arg16 : memref<!tpu.dma_semaphore, #tpu.memory_space<semaphore_mem>>)
    %parallel_loop3A_59 = arith.constant 0 : i32
    %parallel_loop3A_60 = arith.constant 1024 : i32
    %parallel_loop3A_61 = arith.constant 1 : i32
    scf.for %parallel_loop3A_132 = %parallel_loop3A_59 to %parallel_loop3A_60 step %parallel_loop3A_61  : i32 {
      %parallel_loop3A_133 = arith.constant 64 : i32
      %parallel_loop3A_134 = arith.divsi %parallel_loop3A_132, %parallel_loop3A_133 : i32
      %parallel_loop3A_135 = arith.constant 0 : i32
      %parallel_loop3A_136 = arith.cmpi sgt, %parallel_loop3A_132, %parallel_loop3A_135 : i32
      %parallel_loop3A_137 = arith.extui %parallel_loop3A_136 : i1 to i32
      %parallel_loop3A_138 = arith.constant 0 : i32
      %parallel_loop3A_139 = arith.cmpi slt, %parallel_loop3A_132, %parallel_loop3A_138 : i32
      %parallel_loop3A_140 = arith.extui %parallel_loop3A_139 : i1 to i32
      %parallel_loop3A_141 = arith.subi %parallel_loop3A_137, %parallel_loop3A_140 : i32
      %parallel_loop3A_142 = arith.constant 0 : i32
      %parallel_loop3A_143 = arith.cmpi sgt, %parallel_loop3A_133, %parallel_loop3A_142 : i32
      %parallel_loop3A_144 = arith.extui %parallel_loop3A_143 : i1 to i32
      %parallel_loop3A_145 = arith.constant 0 : i32
      %parallel_loop3A_146 = arith.cmpi slt, %parallel_loop3A_133, %parallel_loop3A_145 : i32
      %parallel_loop3A_147 = arith.extui %parallel_loop3A_146 : i1 to i32
      %parallel_loop3A_148 = arith.subi %parallel_loop3A_144, %parallel_loop3A_147 : i32
      %parallel_loop3A_149 = arith.cmpi ne, %parallel_loop3A_141, %parallel_loop3A_148 : i32
      %parallel_loop3A_150 = arith.remsi %parallel_loop3A_132, %parallel_loop3A_133 : i32
      %parallel_loop3A_151 = arith.constant 0 : i32
      %parallel_loop3A_152 = arith.cmpi ne, %parallel_loop3A_150, %parallel_loop3A_151 : i32
      %parallel_loop3A_153 = arith.andi %parallel_loop3A_149, %parallel_loop3A_152 : i1
      %parallel_loop3A_154 = arith.constant 1 : i32
      %parallel_loop3A_155 = arith.subi %parallel_loop3A_134, %parallel_loop3A_154 : i32
      %parallel_loop3A_156 = arith.select %parallel_loop3A_153, %parallel_loop3A_155, %parallel_loop3A_134 : i32
      %parallel_loop3A_157 = arith.constant 64 : i32
      %parallel_loop3A_158 = arith.constant 0 : i32
      %parallel_loop3A_159 = arith.cmpi eq, %parallel_loop3A_157, %parallel_loop3A_158 : i32
      %parallel_loop3A_160 = arith.constant 1 : i32
      %parallel_loop3A_161 = arith.select %parallel_loop3A_159, %parallel_loop3A_160, %parallel_loop3A_157 : i32
      %parallel_loop3A_162 = arith.remsi %parallel_loop3A_132, %parallel_loop3A_161 : i32
      %parallel_loop3A_163 = arith.constant 0 : i32
      %parallel_loop3A_164 = arith.cmpi ne, %parallel_loop3A_162, %parallel_loop3A_163 : i32
      %parallel_loop3A_165 = arith.constant 0 : i32
      %parallel_loop3A_166 = arith.cmpi slt, %parallel_loop3A_162, %parallel_loop3A_165 : i32
      %parallel_loop3A_167 = arith.constant 0 : i32
      %parallel_loop3A_168 = arith.cmpi slt, %parallel_loop3A_161, %parallel_loop3A_167 : i32
      %parallel_loop3A_169 = arith.xori %parallel_loop3A_166, %parallel_loop3A_168 : i1
      %parallel_loop3A_170 = arith.andi %parallel_loop3A_169, %parallel_loop3A_164 : i1
      %parallel_loop3A_171 = arith.addi %parallel_loop3A_162, %parallel_loop3A_161 : i32
      %parallel_loop3A_172 = arith.select %parallel_loop3A_170, %parallel_loop3A_171, %parallel_loop3A_162 : i32
      %parallel_loop3A_173 = arith.constant 16 : i32
      %parallel_loop3A_174 = arith.muli %parallel_loop3A_172, %parallel_loop3A_173 : i32
      %parallel_loop3A_175 = arith.index_cast %parallel_loop3A_156 : i32 to index
      %parallel_loop3A_176 = arith.index_cast %parallel_loop3A_174 : i32 to index
      %parallel_loop3A_177 = tpu.vector_load %arg9[%parallel_loop3A_175, %parallel_loop3A_176] {strides = array<i32>} : memref<16x1024xf32, #tpu.memory_space<vmem>>, vector<16xf32>,
      %parallel_loop3A_178 = arith.index_cast %parallel_loop3A_156 : i32 to index
      %parallel_loop3A_179 = arith.index_cast %parallel_loop3A_174 : i32 to index
      %parallel_loop3A_180 = tpu.vector_load %arg11[%parallel_loop3A_178, %parallel_loop3A_179] {strides = array<i32>} : memref<16x1024xf32, #tpu.memory_space<vmem>>, vector<16xf32>,
      %parallel_loop3A_181 = arith.addf %parallel_loop3A_177, %parallel_loop3A_180 : vector<16xf32>
      %parallel_loop3A_182 = arith.index_cast %parallel_loop3A_156 : i32 to index
      %parallel_loop3A_183 = arith.index_cast %parallel_loop3A_174 : i32 to index
      %parallel_loop3A_184 = tpu.vector_load %arg13[%parallel_loop3A_182, %parallel_loop3A_183] {strides = array<i32>} : memref<16x1024xf32, #tpu.memory_space<vmem>>, vector<16xf32>,
      tpu.vector_store %arg13[%parallel_loop3A_182, %parallel_loop3A_183], %parallel_loop3A_181 {strides = array<i32>} : memref<16x1024xf32, #tpu.memory_space<vmem>>, vector<16xf32>,
    } {sc.loop_unroll_factor = 8 : i64, sc.parallel_access}
    %add3A_62 = arith.constant 16 : i32
    %add3A_63 = arith.addi %mul3A_2, %add3A_62 : i32
    %dma_start3A_64 = arith.constant 0 : i32
    %dma_start3A_65 = tpu.memref_slice %arg5[%add3A_63, %dma_start3A_64] : memref<2048x1024xf32, #tpu.memory_space<hbm>> -> memref<16x1024xf32, #tpu.memory_space<hbm>>
    %dma_start3A_66 = arith.constant 0 : i32
    %dma_start3A_67 = tpu.memref_slice %arg5[%add3A_63, %dma_start3A_66] : memref<2048x1024xf32, #tpu.memory_space<hbm>> -> memref<16x1024xf32, #tpu.memory_space<hbm>>
    tpu.enqueue_dma source(%arg13 : memref<16x1024xf32, #tpu.memory_space<vmem>>) target(%dma_start3A_67 : memref<16x1024xf32, #tpu.memory_space<hbm>>) target_semaphore(%arg19 : memref<!tpu.dma_semaphore, #tpu.memory_space<semaphore_mem>>)
    %dma_wait3A_68 = arith.constant 32 : i32
    %dma_wait3A_69 = tpu.memref_slice %arg6[%dma_wait3A_68] : memref<64xi32, #tpu.memory_space<vmem>> -> memref<16xi32, #tpu.memory_space<vmem>>
    %dma_wait3A_70 = arith.constant 0 : i32
    %dma_wait3A_71 = arith.constant 0 : i32
    %dma_wait3A_72 = tpu.memref_slice %arg4[%dma_wait3A_70, %dma_wait3A_71] : memref<7680x1024xf32, #tpu.memory_space<hbm>> -> memref<7680x1024xf32, #tpu.memory_space<hbm>>
    tpu.wait_indirect_dma semaphore(%arg14 : memref<!tpu.dma_semaphore, #tpu.memory_space<semaphore_mem>>) src(%dma_wait3A_72 : memref<7680x1024xf32, #tpu.memory_space<hbm>>) dst(%arg8 : memref<16x1024xf32, #tpu.memory_space<vmem>>)
    %dma_wait3A_73 = arith.constant 32 : i32
    %dma_wait3A_74 = tpu.memref_slice %arg7[%dma_wait3A_73] : memref<64xi32, #tpu.memory_space<vmem>> -> memref<16xi32, #tpu.memory_space<vmem>>
    %dma_wait3A_75 = arith.constant 0 : i32
    %dma_wait3A_76 = arith.constant 0 : i32
    %dma_wait3A_77 = tpu.memref_slice %arg4[%dma_wait3A_75, %dma_wait3A_76] : memref<7680x1024xf32, #tpu.memory_space<hbm>> -> memref<7680x1024xf32, #tpu.memory_space<hbm>>
    tpu.wait_indirect_dma semaphore(%arg16 : memref<!tpu.dma_semaphore, #tpu.memory_space<semaphore_mem>>) src(%dma_wait3A_77 : memref<7680x1024xf32, #tpu.memory_space<hbm>>) dst(%arg10 : memref<16x1024xf32, #tpu.memory_space<vmem>>)
    %dma_start3A_78 = arith.constant 48 : i32
    %dma_start3A_79 = tpu.memref_slice %arg6[%dma_start3A_78] : memref<64xi32, #tpu.memory_space<vmem>> -> memref<16xi32, #tpu.memory_space<vmem>>
    %dma_start3A_80 = arith.constant 0 : i32
    %dma_start3A_81 = arith.constant 0 : i32
    %dma_start3A_82 = tpu.memref_slice %arg4[%dma_start3A_80, %dma_start3A_81] : memref<7680x1024xf32, #tpu.memory_space<hbm>> -> memref<7680x1024xf32, #tpu.memory_space<hbm>>
    tpu.enqueue_indirect_dma source(%dma_start3A_82 : memref<7680x1024xf32, #tpu.memory_space<hbm>>) target(%arg9 : memref<16x1024xf32, #tpu.memory_space<vmem>>) offsets(%dma_start3A_79 : memref<16xi32, #tpu.memory_space<vmem>>) semaphore(%arg15 : memref<!tpu.dma_semaphore, #tpu.memory_space<semaphore_mem>>)
    %dma_start3A_83 = arith.constant 48 : i32
    %dma_start3A_84 = tpu.memref_slice %arg7[%dma_start3A_83] : memref<64xi32, #tpu.memory_space<vmem>> -> memref<16xi32, #tpu.memory_space<vmem>>
    %dma_start3A_85 = arith.constant 0 : i32
    %dma_start3A_86 = arith.constant 0 : i32
    %dma_start3A_87 = tpu.memref_slice %arg4[%dma_start3A_85, %dma_start3A_86] : memref<7680x1024xf32, #tpu.memory_space<hbm>> -> memref<7680x1024xf32, #tpu.memory_space<hbm>>
    tpu.enqueue_indirect_dma source(%dma_start3A_87 : memref<7680x1024xf32, #tpu.memory_space<hbm>>) target(%arg11 : memref<16x1024xf32, #tpu.memory_space<vmem>>) offsets(%dma_start3A_84 : memref<16xi32, #tpu.memory_space<vmem>>) semaphore(%arg17 : memref<!tpu.dma_semaphore, #tpu.memory_space<semaphore_mem>>)
    %dma_wait3A_88 = arith.constant 0 : i32
    %dma_wait3A_89 = tpu.memref_slice %arg5[%add3A_34, %dma_wait3A_88] : memref<2048x1024xf32, #tpu.memory_space<hbm>> -> memref<16x1024xf32, #tpu.memory_space<hbm>>
    %dma_wait3A_90 = arith.constant 0 : i32
    %dma_wait3A_91 = tpu.memref_slice %arg5[%add3A_34, %dma_wait3A_90] : memref<2048x1024xf32, #tpu.memory_space<hbm>> -> memref<16x1024xf32, #tpu.memory_space<hbm>>
    tpu.wait_dma2 semaphore(%arg18 : memref<!tpu.dma_semaphore, #tpu.memory_space<semaphore_mem>>) src(%arg12 : memref<16x1024xf32, #tpu.memory_space<vmem>>) dst(%dma_wait3A_91 : memref<16x1024xf32, #tpu.memory_space<hbm>>)
    %parallel_loop3A_92 = arith.constant 0 : i32
    %parallel_loop3A_93 = arith.constant 1024 : i32
    %parallel_loop3A_94 = arith.constant 1 : i32
    scf.for %parallel_loop3A_132 = %parallel_loop3A_92 to %parallel_loop3A_93 step %parallel_loop3A_94  : i32 {
      %parallel_loop3A_133 = arith.constant 64 : i32
      %parallel_loop3A_134 = arith.divsi %parallel_loop3A_132, %parallel_loop3A_133 : i32
      %parallel_loop3A_135 = arith.constant 0 : i32
      %parallel_loop3A_136 = arith.cmpi sgt, %parallel_loop3A_132, %parallel_loop3A_135 : i32
      %parallel_loop3A_137 = arith.extui %parallel_loop3A_136 : i1 to i32
      %parallel_loop3A_138 = arith.constant 0 : i32
      %parallel_loop3A_139 = arith.cmpi slt, %parallel_loop3A_132, %parallel_loop3A_138 : i32
      %parallel_loop3A_140 = arith.extui %parallel_loop3A_139 : i1 to i32
      %parallel_loop3A_141 = arith.subi %parallel_loop3A_137, %parallel_loop3A_140 : i32
      %parallel_loop3A_142 = arith.constant 0 : i32
      %parallel_loop3A_143 = arith.cmpi sgt, %parallel_loop3A_133, %parallel_loop3A_142 : i32
      %parallel_loop3A_144 = arith.extui %parallel_loop3A_143 : i1 to i32
      %parallel_loop3A_145 = arith.constant 0 : i32
      %parallel_loop3A_146 = arith.cmpi slt, %parallel_loop3A_133, %parallel_loop3A_145 : i32
      %parallel_loop3A_147 = arith.extui %parallel_loop3A_146 : i1 to i32
      %parallel_loop3A_148 = arith.subi %parallel_loop3A_144, %parallel_loop3A_147 : i32
      %parallel_loop3A_149 = arith.cmpi ne, %parallel_loop3A_141, %parallel_loop3A_148 : i32
      %parallel_loop3A_150 = arith.remsi %parallel_loop3A_132, %parallel_loop3A_133 : i32
      %parallel_loop3A_151 = arith.constant 0 : i32
      %parallel_loop3A_152 = arith.cmpi ne, %parallel_loop3A_150, %parallel_loop3A_151 : i32
      %parallel_loop3A_153 = arith.andi %parallel_loop3A_149, %parallel_loop3A_152 : i1
      %parallel_loop3A_154 = arith.constant 1 : i32
      %parallel_loop3A_155 = arith.subi %parallel_loop3A_134, %parallel_loop3A_154 : i32
      %parallel_loop3A_156 = arith.select %parallel_loop3A_153, %parallel_loop3A_155, %parallel_loop3A_134 : i32
      %parallel_loop3A_157 = arith.constant 64 : i32
      %parallel_loop3A_158 = arith.constant 0 : i32
      %parallel_loop3A_159 = arith.cmpi eq, %parallel_loop3A_157, %parallel_loop3A_158 : i32
      %parallel_loop3A_160 = arith.constant 1 : i32
      %parallel_loop3A_161 = arith.select %parallel_loop3A_159, %parallel_loop3A_160, %parallel_loop3A_157 : i32
      %parallel_loop3A_162 = arith.remsi %parallel_loop3A_132, %parallel_loop3A_161 : i32
      %parallel_loop3A_163 = arith.constant 0 : i32
      %parallel_loop3A_164 = arith.cmpi ne, %parallel_loop3A_162, %parallel_loop3A_163 : i32
      %parallel_loop3A_165 = arith.constant 0 : i32
      %parallel_loop3A_166 = arith.cmpi slt, %parallel_loop3A_162, %parallel_loop3A_165 : i32
      %parallel_loop3A_167 = arith.constant 0 : i32
      %parallel_loop3A_168 = arith.cmpi slt, %parallel_loop3A_161, %parallel_loop3A_167 : i32
      %parallel_loop3A_169 = arith.xori %parallel_loop3A_166, %parallel_loop3A_168 : i1
      %parallel_loop3A_170 = arith.andi %parallel_loop3A_169, %parallel_loop3A_164 : i1
      %parallel_loop3A_171 = arith.addi %parallel_loop3A_162, %parallel_loop3A_161 : i32
      %parallel_loop3A_172 = arith.select %parallel_loop3A_170, %parallel_loop3A_171, %parallel_loop3A_162 : i32
      %parallel_loop3A_173 = arith.constant 16 : i32
      %parallel_loop3A_174 = arith.muli %parallel_loop3A_172, %parallel_loop3A_173 : i32
      %parallel_loop3A_175 = arith.index_cast %parallel_loop3A_156 : i32 to index
      %parallel_loop3A_176 = arith.index_cast %parallel_loop3A_174 : i32 to index
      %parallel_loop3A_177 = tpu.vector_load %arg8[%parallel_loop3A_175, %parallel_loop3A_176] {strides = array<i32>} : memref<16x1024xf32, #tpu.memory_space<vmem>>, vector<16xf32>,
      %parallel_loop3A_178 = arith.index_cast %parallel_loop3A_156 : i32 to index
      %parallel_loop3A_179 = arith.index_cast %parallel_loop3A_174 : i32 to index
      %parallel_loop3A_180 = tpu.vector_load %arg10[%parallel_loop3A_178, %parallel_loop3A_179] {strides = array<i32>} : memref<16x1024xf32, #tpu.memory_space<vmem>>, vector<16xf32>,
      %parallel_loop3A_181 = arith.addf %parallel_loop3A_177, %parallel_loop3A_180 : vector<16xf32>
      %parallel_loop3A_182 = arith.index_cast %parallel_loop3A_156 : i32 to index
      %parallel_loop3A_183 = arith.index_cast %parallel_loop3A_174 : i32 to index
      %parallel_loop3A_184 = tpu.vector_load %arg12[%parallel_loop3A_182, %parallel_loop3A_183] {strides = array<i32>} : memref<16x1024xf32, #tpu.memory_space<vmem>>, vector<16xf32>,
      tpu.vector_store %arg12[%parallel_loop3A_182, %parallel_loop3A_183], %parallel_loop3A_181 {strides = array<i32>} : memref<16x1024xf32, #tpu.memory_space<vmem>>, vector<16xf32>,
    } {sc.loop_unroll_factor = 8 : i64, sc.parallel_access}
    %add3A_95 = arith.constant 32 : i32
    %add3A_96 = arith.addi %mul3A_2, %add3A_95 : i32
    %dma_start3A_97 = arith.constant 0 : i32
    %dma_start3A_98 = tpu.memref_slice %arg5[%add3A_96, %dma_start3A_97] : memref<2048x1024xf32, #tpu.memory_space<hbm>> -> memref<16x1024xf32, #tpu.memory_space<hbm>>
    %dma_start3A_99 = arith.constant 0 : i32
    %dma_start3A_100 = tpu.memref_slice %arg5[%add3A_96, %dma_start3A_99] : memref<2048x1024xf32, #tpu.memory_space<hbm>> -> memref<16x1024xf32, #tpu.memory_space<hbm>>
    tpu.enqueue_dma source(%arg12 : memref<16x1024xf32, #tpu.memory_space<vmem>>) target(%dma_start3A_100 : memref<16x1024xf32, #tpu.memory_space<hbm>>) target_semaphore(%arg18 : memref<!tpu.dma_semaphore, #tpu.memory_space<semaphore_mem>>)
    %dma_wait3A_101 = arith.constant 48 : i32
    %dma_wait3A_102 = tpu.memref_slice %arg6[%dma_wait3A_101] : memref<64xi32, #tpu.memory_space<vmem>> -> memref<16xi32, #tpu.memory_space<vmem>>
    %dma_wait3A_103 = arith.constant 0 : i32
    %dma_wait3A_104 = arith.constant 0 : i32
    %dma_wait3A_105 = tpu.memref_slice %arg4[%dma_wait3A_103, %dma_wait3A_104] : memref<7680x1024xf32, #tpu.memory_space<hbm>> -> memref<7680x1024xf32, #tpu.memory_space<hbm>>
    tpu.wait_indirect_dma semaphore(%arg15 : memref<!tpu.dma_semaphore, #tpu.memory_space<semaphore_mem>>) src(%dma_wait3A_105 : memref<7680x1024xf32, #tpu.memory_space<hbm>>) dst(%arg9 : memref<16x1024xf32, #tpu.memory_space<vmem>>)
    %dma_wait3A_106 = arith.constant 48 : i32
    %dma_wait3A_107 = tpu.memref_slice %arg7[%dma_wait3A_106] : memref<64xi32, #tpu.memory_space<vmem>> -> memref<16xi32, #tpu.memory_space<vmem>>
    %dma_wait3A_108 = arith.constant 0 : i32
    %dma_wait3A_109 = arith.constant 0 : i32
    %dma_wait3A_110 = tpu.memref_slice %arg4[%dma_wait3A_108, %dma_wait3A_109] : memref<7680x1024xf32, #tpu.memory_space<hbm>> -> memref<7680x1024xf32, #tpu.memory_space<hbm>>
    tpu.wait_indirect_dma semaphore(%arg17 : memref<!tpu.dma_semaphore, #tpu.memory_space<semaphore_mem>>) src(%dma_wait3A_110 : memref<7680x1024xf32, #tpu.memory_space<hbm>>) dst(%arg11 : memref<16x1024xf32, #tpu.memory_space<vmem>>)
    %dma_wait3A_111 = arith.constant 0 : i32
    %dma_wait3A_112 = tpu.memref_slice %arg5[%add3A_63, %dma_wait3A_111] : memref<2048x1024xf32, #tpu.memory_space<hbm>> -> memref<16x1024xf32, #tpu.memory_space<hbm>>
    %dma_wait3A_113 = arith.constant 0 : i32
    %dma_wait3A_114 = tpu.memref_slice %arg5[%add3A_63, %dma_wait3A_113] : memref<2048x1024xf32, #tpu.memory_space<hbm>> -> memref<16x1024xf32, #tpu.memory_space<hbm>>
    tpu.wait_dma2 semaphore(%arg19 : memref<!tpu.dma_semaphore, #tpu.memory_space<semaphore_mem>>) src(%arg13 : memref<16x1024xf32, #tpu.memory_space<vmem>>) dst(%dma_wait3A_114 : memref<16x1024xf32, #tpu.memory_space<hbm>>)
    %parallel_loop3A_115 = arith.constant 0 : i32
    %parallel_loop3A_116 = arith.constant 1024 : i32
    %parallel_loop3A_117 = arith.constant 1 : i32
    scf.for %parallel_loop3A_132 = %parallel_loop3A_115 to %parallel_loop3A_116 step %parallel_loop3A_117  : i32 {
      %parallel_loop3A_133 = arith.constant 64 : i32
      %parallel_loop3A_134 = arith.divsi %parallel_loop3A_132, %parallel_loop3A_133 : i32
      %parallel_loop3A_135 = arith.constant 0 : i32
      %parallel_loop3A_136 = arith.cmpi sgt, %parallel_loop3A_132, %parallel_loop3A_135 : i32
      %parallel_loop3A_137 = arith.extui %parallel_loop3A_136 : i1 to i32
      %parallel_loop3A_138 = arith.constant 0 : i32
      %parallel_loop3A_139 = arith.cmpi slt, %parallel_loop3A_132, %parallel_loop3A_138 : i32
      %parallel_loop3A_140 = arith.extui %parallel_loop3A_139 : i1 to i32
      %parallel_loop3A_141 = arith.subi %parallel_loop3A_137, %parallel_loop3A_140 : i32
      %parallel_loop3A_142 = arith.constant 0 : i32
      %parallel_loop3A_143 = arith.cmpi sgt, %parallel_loop3A_133, %parallel_loop3A_142 : i32
      %parallel_loop3A_144 = arith.extui %parallel_loop3A_143 : i1 to i32
      %parallel_loop3A_145 = arith.constant 0 : i32
      %parallel_loop3A_146 = arith.cmpi slt, %parallel_loop3A_133, %parallel_loop3A_145 : i32
      %parallel_loop3A_147 = arith.extui %parallel_loop3A_146 : i1 to i32
      %parallel_loop3A_148 = arith.subi %parallel_loop3A_144, %parallel_loop3A_147 : i32
      %parallel_loop3A_149 = arith.cmpi ne, %parallel_loop3A_141, %parallel_loop3A_148 : i32
      %parallel_loop3A_150 = arith.remsi %parallel_loop3A_132, %parallel_loop3A_133 : i32
      %parallel_loop3A_151 = arith.constant 0 : i32
      %parallel_loop3A_152 = arith.cmpi ne, %parallel_loop3A_150, %parallel_loop3A_151 : i32
      %parallel_loop3A_153 = arith.andi %parallel_loop3A_149, %parallel_loop3A_152 : i1
      %parallel_loop3A_154 = arith.constant 1 : i32
      %parallel_loop3A_155 = arith.subi %parallel_loop3A_134, %parallel_loop3A_154 : i32
      %parallel_loop3A_156 = arith.select %parallel_loop3A_153, %parallel_loop3A_155, %parallel_loop3A_134 : i32
      %parallel_loop3A_157 = arith.constant 64 : i32
      %parallel_loop3A_158 = arith.constant 0 : i32
      %parallel_loop3A_159 = arith.cmpi eq, %parallel_loop3A_157, %parallel_loop3A_158 : i32
      %parallel_loop3A_160 = arith.constant 1 : i32
      %parallel_loop3A_161 = arith.select %parallel_loop3A_159, %parallel_loop3A_160, %parallel_loop3A_157 : i32
      %parallel_loop3A_162 = arith.remsi %parallel_loop3A_132, %parallel_loop3A_161 : i32
      %parallel_loop3A_163 = arith.constant 0 : i32
      %parallel_loop3A_164 = arith.cmpi ne, %parallel_loop3A_162, %parallel_loop3A_163 : i32
      %parallel_loop3A_165 = arith.constant 0 : i32
      %parallel_loop3A_166 = arith.cmpi slt, %parallel_loop3A_162, %parallel_loop3A_165 : i32
      %parallel_loop3A_167 = arith.constant 0 : i32
      %parallel_loop3A_168 = arith.cmpi slt, %parallel_loop3A_161, %parallel_loop3A_167 : i32
      %parallel_loop3A_169 = arith.xori %parallel_loop3A_166, %parallel_loop3A_168 : i1
      %parallel_loop3A_170 = arith.andi %parallel_loop3A_169, %parallel_loop3A_164 : i1
      %parallel_loop3A_171 = arith.addi %parallel_loop3A_162, %parallel_loop3A_161 : i32
      %parallel_loop3A_172 = arith.select %parallel_loop3A_170, %parallel_loop3A_171, %parallel_loop3A_162 : i32
      %parallel_loop3A_173 = arith.constant 16 : i32
      %parallel_loop3A_174 = arith.muli %parallel_loop3A_172, %parallel_loop3A_173 : i32
      %parallel_loop3A_175 = arith.index_cast %parallel_loop3A_156 : i32 to index
      %parallel_loop3A_176 = arith.index_cast %parallel_loop3A_174 : i32 to index
      %parallel_loop3A_177 = tpu.vector_load %arg9[%parallel_loop3A_175, %parallel_loop3A_176] {strides = array<i32>} : memref<16x1024xf32, #tpu.memory_space<vmem>>, vector<16xf32>,
      %parallel_loop3A_178 = arith.index_cast %parallel_loop3A_156 : i32 to index
      %parallel_loop3A_179 = arith.index_cast %parallel_loop3A_174 : i32 to index
      %parallel_loop3A_180 = tpu.vector_load %arg11[%parallel_loop3A_178, %parallel_loop3A_179] {strides = array<i32>} : memref<16x1024xf32, #tpu.memory_space<vmem>>, vector<16xf32>,
      %parallel_loop3A_181 = arith.addf %parallel_loop3A_177, %parallel_loop3A_180 : vector<16xf32>
      %parallel_loop3A_182 = arith.index_cast %parallel_loop3A_156 : i32 to index
      %parallel_loop3A_183 = arith.index_cast %parallel_loop3A_174 : i32 to index
      %parallel_loop3A_184 = tpu.vector_load %arg13[%parallel_loop3A_182, %parallel_loop3A_183] {strides = array<i32>} : memref<16x1024xf32, #tpu.memory_space<vmem>>, vector<16xf32>,
      tpu.vector_store %arg13[%parallel_loop3A_182, %parallel_loop3A_183], %parallel_loop3A_181 {strides = array<i32>} : memref<16x1024xf32, #tpu.memory_space<vmem>>, vector<16xf32>,
    } {sc.loop_unroll_factor = 8 : i64, sc.parallel_access}
    %add3A_118 = arith.constant 48 : i32
    %add3A_119 = arith.addi %mul3A_2, %add3A_118 : i32
    %dma_start3A_120 = arith.constant 0 : i32
    %dma_start3A_121 = tpu.memref_slice %arg5[%add3A_119, %dma_start3A_120] : memref<2048x1024xf32, #tpu.memory_space<hbm>> -> memref<16x1024xf32, #tpu.memory_space<hbm>>
    %dma_start3A_122 = arith.constant 0 : i32
    %dma_start3A_123 = tpu.memref_slice %arg5[%add3A_119, %dma_start3A_122] : memref<2048x1024xf32, #tpu.memory_space<hbm>> -> memref<16x1024xf32, #tpu.memory_space<hbm>>
    tpu.enqueue_dma source(%arg13 : memref<16x1024xf32, #tpu.memory_space<vmem>>) target(%dma_start3A_123 : memref<16x1024xf32, #tpu.memory_space<hbm>>) target_semaphore(%arg19 : memref<!tpu.dma_semaphore, #tpu.memory_space<semaphore_mem>>)
    %dma_wait3A_124 = arith.constant 0 : i32
    %dma_wait3A_125 = tpu.memref_slice %arg5[%add3A_96, %dma_wait3A_124] : memref<2048x1024xf32, #tpu.memory_space<hbm>> -> memref<16x1024xf32, #tpu.memory_space<hbm>>
    %dma_wait3A_126 = arith.constant 0 : i32
    %dma_wait3A_127 = tpu.memref_slice %arg5[%add3A_96, %dma_wait3A_126] : memref<2048x1024xf32, #tpu.memory_space<hbm>> -> memref<16x1024xf32, #tpu.memory_space<hbm>>
    tpu.wait_dma2 semaphore(%arg18 : memref<!tpu.dma_semaphore, #tpu.memory_space<semaphore_mem>>) src(%arg12 : memref<16x1024xf32, #tpu.memory_space<vmem>>) dst(%dma_wait3A_127 : memref<16x1024xf32, #tpu.memory_space<hbm>>)
    %dma_wait3A_128 = arith.constant 0 : i32
    %dma_wait3A_129 = tpu.memref_slice %arg5[%add3A_119, %dma_wait3A_128] : memref<2048x1024xf32, #tpu.memory_space<hbm>> -> memref<16x1024xf32, #tpu.memory_space<hbm>>
    %dma_wait3A_130 = arith.constant 0 : i32
    %dma_wait3A_131 = tpu.memref_slice %arg5[%add3A_119, %dma_wait3A_130] : memref<2048x1024xf32, #tpu.memory_space<hbm>> -> memref<16x1024xf32, #tpu.memory_space<hbm>>
    tpu.wait_dma2 semaphore(%arg19 : memref<!tpu.dma_semaphore, #tpu.memory_space<semaphore_mem>>) src(%arg13 : memref<16x1024xf32, #tpu.memory_space<vmem>>) dst(%dma_wait3A_131 : memref<16x1024xf32, #tpu.memory_space<hbm>>)
    return
  }
}

#map = affine_map<(d0, d1) -> (0)>
#map1 = affine_map<(d0, d1) -> (0, 0)>
module attributes {stable_mosaic.version = 14 : i64} {
  func.func @sc_gather(%arg0: i32, %arg1: i32, %arg2: memref<7680xi32, #tpu.memory_space<hbm>>, %arg3: memref<2048x1024xf32, #tpu.memory_space<hbm>>, %arg4: memref<7680x1024xf32, #tpu.memory_space<hbm>>, %arg5: memref<240xi32, #tpu.memory_space<vmem>>, %arg6: memref<16x1024xf32, #tpu.memory_space<vmem>>, %arg7: memref<16x1024xf32, #tpu.memory_space<vmem>>, %arg8: memref<!tpu.dma_semaphore, #tpu.memory_space<semaphore_mem>>, %arg9: memref<!tpu.dma_semaphore, #tpu.memory_space<semaphore_mem>>, %arg10: memref<!tpu.dma_semaphore, #tpu.memory_space<semaphore_mem>>, %arg11: memref<!tpu.dma_semaphore, #tpu.memory_space<semaphore_mem>>) attributes {dimension_semantics = [#tpu.dimension_semantics<core_parallel>, #tpu.dimension_semantics<subcore_parallel>], iteration_bounds = array<i64: 2, 16>, scalar_prefetch = 0 : i64, scratch_operands = 7 : i64, tpu.core_type = #tpu.core_type<sc_vector_subcore>, window_params = [{transform_indices = #map}, {transform_indices = #map1}, {transform_indices = #map1}]} {
    %mul3A = arith.constant 2 : i32
    %mul3A_0 = arith.muli %arg1, %mul3A : i32
    %add3A = arith.addi %mul3A_0, %arg0 : i32
    %mul3A_1 = arith.constant 240 : i32
    %mul3A_2 = arith.muli %add3A, %mul3A_1 : i32
    "tpu.region"() ({
      %run_scoped3A = tpu.sem_alloc : memref<!tpu.dma_semaphore, #tpu.memory_space<semaphore_mem>>
      %dma_start3A_301 = tpu.memref_slice %arg2[%mul3A_2] : memref<7680xi32, #tpu.memory_space<hbm>> -> memref<240xi32, #tpu.memory_space<hbm>>
      %dma_start3A_302 = tpu.memref_slice %arg2[%mul3A_2] : memref<7680xi32, #tpu.memory_space<hbm>> -> memref<240xi32, #tpu.memory_space<hbm>>
      tpu.enqueue_dma source(%dma_start3A_302 : memref<240xi32, #tpu.memory_space<hbm>>) target(%arg5 : memref<240xi32, #tpu.memory_space<vmem>>) target_semaphore(%run_scoped3A : memref<!tpu.dma_semaphore, #tpu.memory_space<semaphore_mem>>)
      %dma_wait3A_303 = tpu.memref_slice %arg2[%mul3A_2] : memref<7680xi32, #tpu.memory_space<hbm>> -> memref<240xi32, #tpu.memory_space<hbm>>
      %dma_wait3A_304 = tpu.memref_slice %arg2[%mul3A_2] : memref<7680xi32, #tpu.memory_space<hbm>> -> memref<240xi32, #tpu.memory_space<hbm>>
      tpu.wait_dma2 semaphore(%run_scoped3A : memref<!tpu.dma_semaphore, #tpu.memory_space<semaphore_mem>>) src(%dma_wait3A_304 : memref<240xi32, #tpu.memory_space<hbm>>) dst(%arg5 : memref<240xi32, #tpu.memory_space<vmem>>)
      tpu.yield
    }) : () -> ()
    %dma_start3A = arith.constant 0 : i32
    %dma_start3A_3 = tpu.memref_slice %arg5[%dma_start3A] : memref<240xi32, #tpu.memory_space<vmem>> -> memref<16xi32, #tpu.memory_space<vmem>>
    %dma_start3A_4 = arith.constant 0 : i32
    %dma_start3A_5 = arith.constant 0 : i32
    %dma_start3A_6 = tpu.memref_slice %arg3[%dma_start3A_4, %dma_start3A_5] : memref<2048x1024xf32, #tpu.memory_space<hbm>> -> memref<2048x1024xf32, #tpu.memory_space<hbm>>
    tpu.enqueue_indirect_dma source(%dma_start3A_6 : memref<2048x1024xf32, #tpu.memory_space<hbm>>) target(%arg6 : memref<16x1024xf32, #tpu.memory_space<vmem>>) offsets(%dma_start3A_3 : memref<16xi32, #tpu.memory_space<vmem>>) semaphore(%arg8 : memref<!tpu.dma_semaphore, #tpu.memory_space<semaphore_mem>>)
    %dma_start3A_7 = arith.constant 16 : i32
    %dma_start3A_8 = tpu.memref_slice %arg5[%dma_start3A_7] : memref<240xi32, #tpu.memory_space<vmem>> -> memref<16xi32, #tpu.memory_space<vmem>>
    %dma_start3A_9 = arith.constant 0 : i32
    %dma_start3A_10 = arith.constant 0 : i32
    %dma_start3A_11 = tpu.memref_slice %arg3[%dma_start3A_9, %dma_start3A_10] : memref<2048x1024xf32, #tpu.memory_space<hbm>> -> memref<2048x1024xf32, #tpu.memory_space<hbm>>
    tpu.enqueue_indirect_dma source(%dma_start3A_11 : memref<2048x1024xf32, #tpu.memory_space<hbm>>) target(%arg7 : memref<16x1024xf32, #tpu.memory_space<vmem>>) offsets(%dma_start3A_8 : memref<16xi32, #tpu.memory_space<vmem>>) semaphore(%arg9 : memref<!tpu.dma_semaphore, #tpu.memory_space<semaphore_mem>>)
    %dma_wait3A = arith.constant 0 : i32
    %dma_wait3A_12 = tpu.memref_slice %arg5[%dma_wait3A] : memref<240xi32, #tpu.memory_space<vmem>> -> memref<16xi32, #tpu.memory_space<vmem>>
    %dma_wait3A_13 = arith.constant 0 : i32
    %dma_wait3A_14 = arith.constant 0 : i32
    %dma_wait3A_15 = tpu.memref_slice %arg3[%dma_wait3A_13, %dma_wait3A_14] : memref<2048x1024xf32, #tpu.memory_space<hbm>> -> memref<2048x1024xf32, #tpu.memory_space<hbm>>
    tpu.wait_indirect_dma semaphore(%arg8 : memref<!tpu.dma_semaphore, #tpu.memory_space<semaphore_mem>>) src(%dma_wait3A_15 : memref<2048x1024xf32, #tpu.memory_space<hbm>>) dst(%arg6 : memref<16x1024xf32, #tpu.memory_space<vmem>>)
    %add3A_16 = arith.constant 0 : i32
    %add3A_17 = arith.addi %mul3A_2, %add3A_16 : i32
    %dma_start3A_18 = arith.constant 0 : i32
    %dma_start3A_19 = tpu.memref_slice %arg4[%add3A_17, %dma_start3A_18] : memref<7680x1024xf32, #tpu.memory_space<hbm>> -> memref<16x1024xf32, #tpu.memory_space<hbm>>
    %dma_start3A_20 = arith.constant 0 : i32
    %dma_start3A_21 = tpu.memref_slice %arg4[%add3A_17, %dma_start3A_20] : memref<7680x1024xf32, #tpu.memory_space<hbm>> -> memref<16x1024xf32, #tpu.memory_space<hbm>>
    tpu.enqueue_dma source(%arg6 : memref<16x1024xf32, #tpu.memory_space<vmem>>) target(%dma_start3A_21 : memref<16x1024xf32, #tpu.memory_space<hbm>>) target_semaphore(%arg10 : memref<!tpu.dma_semaphore, #tpu.memory_space<semaphore_mem>>)
    %dma_wait3A_22 = arith.constant 0 : i32
    %dma_wait3A_23 = tpu.memref_slice %arg4[%add3A_17, %dma_wait3A_22] : memref<7680x1024xf32, #tpu.memory_space<hbm>> -> memref<16x1024xf32, #tpu.memory_space<hbm>>
    %dma_wait3A_24 = arith.constant 0 : i32
    %dma_wait3A_25 = tpu.memref_slice %arg4[%add3A_17, %dma_wait3A_24] : memref<7680x1024xf32, #tpu.memory_space<hbm>> -> memref<16x1024xf32, #tpu.memory_space<hbm>>
    tpu.wait_dma2 semaphore(%arg10 : memref<!tpu.dma_semaphore, #tpu.memory_space<semaphore_mem>>) src(%arg6 : memref<16x1024xf32, #tpu.memory_space<vmem>>) dst(%dma_wait3A_25 : memref<16x1024xf32, #tpu.memory_space<hbm>>)
    %dma_start3A_26 = arith.constant 32 : i32
    %dma_start3A_27 = tpu.memref_slice %arg5[%dma_start3A_26] : memref<240xi32, #tpu.memory_space<vmem>> -> memref<16xi32, #tpu.memory_space<vmem>>
    %dma_start3A_28 = arith.constant 0 : i32
    %dma_start3A_29 = arith.constant 0 : i32
    %dma_start3A_30 = tpu.memref_slice %arg3[%dma_start3A_28, %dma_start3A_29] : memref<2048x1024xf32, #tpu.memory_space<hbm>> -> memref<2048x1024xf32, #tpu.memory_space<hbm>>
    tpu.enqueue_indirect_dma source(%dma_start3A_30 : memref<2048x1024xf32, #tpu.memory_space<hbm>>) target(%arg6 : memref<16x1024xf32, #tpu.memory_space<vmem>>) offsets(%dma_start3A_27 : memref<16xi32, #tpu.memory_space<vmem>>) semaphore(%arg8 : memref<!tpu.dma_semaphore, #tpu.memory_space<semaphore_mem>>)
    %dma_wait3A_31 = arith.constant 16 : i32
    %dma_wait3A_32 = tpu.memref_slice %arg5[%dma_wait3A_31] : memref<240xi32, #tpu.memory_space<vmem>> -> memref<16xi32, #tpu.memory_space<vmem>>
    %dma_wait3A_33 = arith.constant 0 : i32
    %dma_wait3A_34 = arith.constant 0 : i32
    %dma_wait3A_35 = tpu.memref_slice %arg3[%dma_wait3A_33, %dma_wait3A_34] : memref<2048x1024xf32, #tpu.memory_space<hbm>> -> memref<2048x1024xf32, #tpu.memory_space<hbm>>
    tpu.wait_indirect_dma semaphore(%arg9 : memref<!tpu.dma_semaphore, #tpu.memory_space<semaphore_mem>>) src(%dma_wait3A_35 : memref<2048x1024xf32, #tpu.memory_space<hbm>>) dst(%arg7 : memref<16x1024xf32, #tpu.memory_space<vmem>>)
    %add3A_36 = arith.constant 16 : i32
    %add3A_37 = arith.addi %mul3A_2, %add3A_36 : i32
    %dma_start3A_38 = arith.constant 0 : i32
    %dma_start3A_39 = tpu.memref_slice %arg4[%add3A_37, %dma_start3A_38] : memref<7680x1024xf32, #tpu.memory_space<hbm>> -> memref<16x1024xf32, #tpu.memory_space<hbm>>
    %dma_start3A_40 = arith.constant 0 : i32
    %dma_start3A_41 = tpu.memref_slice %arg4[%add3A_37, %dma_start3A_40] : memref<7680x1024xf32, #tpu.memory_space<hbm>> -> memref<16x1024xf32, #tpu.memory_space<hbm>>
    tpu.enqueue_dma source(%arg7 : memref<16x1024xf32, #tpu.memory_space<vmem>>) target(%dma_start3A_41 : memref<16x1024xf32, #tpu.memory_space<hbm>>) target_semaphore(%arg11 : memref<!tpu.dma_semaphore, #tpu.memory_space<semaphore_mem>>)
    %dma_wait3A_42 = arith.constant 0 : i32
    %dma_wait3A_43 = tpu.memref_slice %arg4[%add3A_37, %dma_wait3A_42] : memref<7680x1024xf32, #tpu.memory_space<hbm>> -> memref<16x1024xf32, #tpu.memory_space<hbm>>
    %dma_wait3A_44 = arith.constant 0 : i32
    %dma_wait3A_45 = tpu.memref_slice %arg4[%add3A_37, %dma_wait3A_44] : memref<7680x1024xf32, #tpu.memory_space<hbm>> -> memref<16x1024xf32, #tpu.memory_space<hbm>>
    tpu.wait_dma2 semaphore(%arg11 : memref<!tpu.dma_semaphore, #tpu.memory_space<semaphore_mem>>) src(%arg7 : memref<16x1024xf32, #tpu.memory_space<vmem>>) dst(%dma_wait3A_45 : memref<16x1024xf32, #tpu.memory_space<hbm>>)
    %dma_start3A_46 = arith.constant 48 : i32
    %dma_start3A_47 = tpu.memref_slice %arg5[%dma_start3A_46] : memref<240xi32, #tpu.memory_space<vmem>> -> memref<16xi32, #tpu.memory_space<vmem>>
    %dma_start3A_48 = arith.constant 0 : i32
    %dma_start3A_49 = arith.constant 0 : i32
    %dma_start3A_50 = tpu.memref_slice %arg3[%dma_start3A_48, %dma_start3A_49] : memref<2048x1024xf32, #tpu.memory_space<hbm>> -> memref<2048x1024xf32, #tpu.memory_space<hbm>>
    tpu.enqueue_indirect_dma source(%dma_start3A_50 : memref<2048x1024xf32, #tpu.memory_space<hbm>>) target(%arg7 : memref<16x1024xf32, #tpu.memory_space<vmem>>) offsets(%dma_start3A_47 : memref<16xi32, #tpu.memory_space<vmem>>) semaphore(%arg9 : memref<!tpu.dma_semaphore, #tpu.memory_space<semaphore_mem>>)
    %dma_wait3A_51 = arith.constant 32 : i32
    %dma_wait3A_52 = tpu.memref_slice %arg5[%dma_wait3A_51] : memref<240xi32, #tpu.memory_space<vmem>> -> memref<16xi32, #tpu.memory_space<vmem>>
    %dma_wait3A_53 = arith.constant 0 : i32
    %dma_wait3A_54 = arith.constant 0 : i32
    %dma_wait3A_55 = tpu.memref_slice %arg3[%dma_wait3A_53, %dma_wait3A_54] : memref<2048x1024xf32, #tpu.memory_space<hbm>> -> memref<2048x1024xf32, #tpu.memory_space<hbm>>
    tpu.wait_indirect_dma semaphore(%arg8 : memref<!tpu.dma_semaphore, #tpu.memory_space<semaphore_mem>>) src(%dma_wait3A_55 : memref<2048x1024xf32, #tpu.memory_space<hbm>>) dst(%arg6 : memref<16x1024xf32, #tpu.memory_space<vmem>>)
    %add3A_56 = arith.constant 32 : i32
    %add3A_57 = arith.addi %mul3A_2, %add3A_56 : i32
    %dma_start3A_58 = arith.constant 0 : i32
    %dma_start3A_59 = tpu.memref_slice %arg4[%add3A_57, %dma_start3A_58] : memref<7680x1024xf32, #tpu.memory_space<hbm>> -> memref<16x1024xf32, #tpu.memory_space<hbm>>
    %dma_start3A_60 = arith.constant 0 : i32
    %dma_start3A_61 = tpu.memref_slice %arg4[%add3A_57, %dma_start3A_60] : memref<7680x1024xf32, #tpu.memory_space<hbm>> -> memref<16x1024xf32, #tpu.memory_space<hbm>>
    tpu.enqueue_dma source(%arg6 : memref<16x1024xf32, #tpu.memory_space<vmem>>) target(%dma_start3A_61 : memref<16x1024xf32, #tpu.memory_space<hbm>>) target_semaphore(%arg10 : memref<!tpu.dma_semaphore, #tpu.memory_space<semaphore_mem>>)
    %dma_wait3A_62 = arith.constant 0 : i32
    %dma_wait3A_63 = tpu.memref_slice %arg4[%add3A_57, %dma_wait3A_62] : memref<7680x1024xf32, #tpu.memory_space<hbm>> -> memref<16x1024xf32, #tpu.memory_space<hbm>>
    %dma_wait3A_64 = arith.constant 0 : i32
    %dma_wait3A_65 = tpu.memref_slice %arg4[%add3A_57, %dma_wait3A_64] : memref<7680x1024xf32, #tpu.memory_space<hbm>> -> memref<16x1024xf32, #tpu.memory_space<hbm>>
    tpu.wait_dma2 semaphore(%arg10 : memref<!tpu.dma_semaphore, #tpu.memory_space<semaphore_mem>>) src(%arg6 : memref<16x1024xf32, #tpu.memory_space<vmem>>) dst(%dma_wait3A_65 : memref<16x1024xf32, #tpu.memory_space<hbm>>)
    %dma_start3A_66 = arith.constant 64 : i32
    %dma_start3A_67 = tpu.memref_slice %arg5[%dma_start3A_66] : memref<240xi32, #tpu.memory_space<vmem>> -> memref<16xi32, #tpu.memory_space<vmem>>
    %dma_start3A_68 = arith.constant 0 : i32
    %dma_start3A_69 = arith.constant 0 : i32
    %dma_start3A_70 = tpu.memref_slice %arg3[%dma_start3A_68, %dma_start3A_69] : memref<2048x1024xf32, #tpu.memory_space<hbm>> -> memref<2048x1024xf32, #tpu.memory_space<hbm>>
    tpu.enqueue_indirect_dma source(%dma_start3A_70 : memref<2048x1024xf32, #tpu.memory_space<hbm>>) target(%arg6 : memref<16x1024xf32, #tpu.memory_space<vmem>>) offsets(%dma_start3A_67 : memref<16xi32, #tpu.memory_space<vmem>>) semaphore(%arg8 : memref<!tpu.dma_semaphore, #tpu.memory_space<semaphore_mem>>)
    %dma_wait3A_71 = arith.constant 48 : i32
    %dma_wait3A_72 = tpu.memref_slice %arg5[%dma_wait3A_71] : memref<240xi32, #tpu.memory_space<vmem>> -> memref<16xi32, #tpu.memory_space<vmem>>
    %dma_wait3A_73 = arith.constant 0 : i32
    %dma_wait3A_74 = arith.constant 0 : i32
    %dma_wait3A_75 = tpu.memref_slice %arg3[%dma_wait3A_73, %dma_wait3A_74] : memref<2048x1024xf32, #tpu.memory_space<hbm>> -> memref<2048x1024xf32, #tpu.memory_space<hbm>>
    tpu.wait_indirect_dma semaphore(%arg9 : memref<!tpu.dma_semaphore, #tpu.memory_space<semaphore_mem>>) src(%dma_wait3A_75 : memref<2048x1024xf32, #tpu.memory_space<hbm>>) dst(%arg7 : memref<16x1024xf32, #tpu.memory_space<vmem>>)
    %add3A_76 = arith.constant 48 : i32
    %add3A_77 = arith.addi %mul3A_2, %add3A_76 : i32
    %dma_start3A_78 = arith.constant 0 : i32
    %dma_start3A_79 = tpu.memref_slice %arg4[%add3A_77, %dma_start3A_78] : memref<7680x1024xf32, #tpu.memory_space<hbm>> -> memref<16x1024xf32, #tpu.memory_space<hbm>>
    %dma_start3A_80 = arith.constant 0 : i32
    %dma_start3A_81 = tpu.memref_slice %arg4[%add3A_77, %dma_start3A_80] : memref<7680x1024xf32, #tpu.memory_space<hbm>> -> memref<16x1024xf32, #tpu.memory_space<hbm>>
    tpu.enqueue_dma source(%arg7 : memref<16x1024xf32, #tpu.memory_space<vmem>>) target(%dma_start3A_81 : memref<16x1024xf32, #tpu.memory_space<hbm>>) target_semaphore(%arg11 : memref<!tpu.dma_semaphore, #tpu.memory_space<semaphore_mem>>)
    %dma_wait3A_82 = arith.constant 0 : i32
    %dma_wait3A_83 = tpu.memref_slice %arg4[%add3A_77, %dma_wait3A_82] : memref<7680x1024xf32, #tpu.memory_space<hbm>> -> memref<16x1024xf32, #tpu.memory_space<hbm>>
    %dma_wait3A_84 = arith.constant 0 : i32
    %dma_wait3A_85 = tpu.memref_slice %arg4[%add3A_77, %dma_wait3A_84] : memref<7680x1024xf32, #tpu.memory_space<hbm>> -> memref<16x1024xf32, #tpu.memory_space<hbm>>
    tpu.wait_dma2 semaphore(%arg11 : memref<!tpu.dma_semaphore, #tpu.memory_space<semaphore_mem>>) src(%arg7 : memref<16x1024xf32, #tpu.memory_space<vmem>>) dst(%dma_wait3A_85 : memref<16x1024xf32, #tpu.memory_space<hbm>>)
    %dma_start3A_86 = arith.constant 80 : i32
    %dma_start3A_87 = tpu.memref_slice %arg5[%dma_start3A_86] : memref<240xi32, #tpu.memory_space<vmem>> -> memref<16xi32, #tpu.memory_space<vmem>>
    %dma_start3A_88 = arith.constant 0 : i32
    %dma_start3A_89 = arith.constant 0 : i32
    %dma_start3A_90 = tpu.memref_slice %arg3[%dma_start3A_88, %dma_start3A_89] : memref<2048x1024xf32, #tpu.memory_space<hbm>> -> memref<2048x1024xf32, #tpu.memory_space<hbm>>
    tpu.enqueue_indirect_dma source(%dma_start3A_90 : memref<2048x1024xf32, #tpu.memory_space<hbm>>) target(%arg7 : memref<16x1024xf32, #tpu.memory_space<vmem>>) offsets(%dma_start3A_87 : memref<16xi32, #tpu.memory_space<vmem>>) semaphore(%arg9 : memref<!tpu.dma_semaphore, #tpu.memory_space<semaphore_mem>>)
    %dma_wait3A_91 = arith.constant 64 : i32
    %dma_wait3A_92 = tpu.memref_slice %arg5[%dma_wait3A_91] : memref<240xi32, #tpu.memory_space<vmem>> -> memref<16xi32, #tpu.memory_space<vmem>>
    %dma_wait3A_93 = arith.constant 0 : i32
    %dma_wait3A_94 = arith.constant 0 : i32
    %dma_wait3A_95 = tpu.memref_slice %arg3[%dma_wait3A_93, %dma_wait3A_94] : memref<2048x1024xf32, #tpu.memory_space<hbm>> -> memref<2048x1024xf32, #tpu.memory_space<hbm>>
    tpu.wait_indirect_dma semaphore(%arg8 : memref<!tpu.dma_semaphore, #tpu.memory_space<semaphore_mem>>) src(%dma_wait3A_95 : memref<2048x1024xf32, #tpu.memory_space<hbm>>) dst(%arg6 : memref<16x1024xf32, #tpu.memory_space<vmem>>)
    %add3A_96 = arith.constant 64 : i32
    %add3A_97 = arith.addi %mul3A_2, %add3A_96 : i32
    %dma_start3A_98 = arith.constant 0 : i32
    %dma_start3A_99 = tpu.memref_slice %arg4[%add3A_97, %dma_start3A_98] : memref<7680x1024xf32, #tpu.memory_space<hbm>> -> memref<16x1024xf32, #tpu.memory_space<hbm>>
    %dma_start3A_100 = arith.constant 0 : i32
    %dma_start3A_101 = tpu.memref_slice %arg4[%add3A_97, %dma_start3A_100] : memref<7680x1024xf32, #tpu.memory_space<hbm>> -> memref<16x1024xf32, #tpu.memory_space<hbm>>
    tpu.enqueue_dma source(%arg6 : memref<16x1024xf32, #tpu.memory_space<vmem>>) target(%dma_start3A_101 : memref<16x1024xf32, #tpu.memory_space<hbm>>) target_semaphore(%arg10 : memref<!tpu.dma_semaphore, #tpu.memory_space<semaphore_mem>>)
    %dma_wait3A_102 = arith.constant 0 : i32
    %dma_wait3A_103 = tpu.memref_slice %arg4[%add3A_97, %dma_wait3A_102] : memref<7680x1024xf32, #tpu.memory_space<hbm>> -> memref<16x1024xf32, #tpu.memory_space<hbm>>
    %dma_wait3A_104 = arith.constant 0 : i32
    %dma_wait3A_105 = tpu.memref_slice %arg4[%add3A_97, %dma_wait3A_104] : memref<7680x1024xf32, #tpu.memory_space<hbm>> -> memref<16x1024xf32, #tpu.memory_space<hbm>>
    tpu.wait_dma2 semaphore(%arg10 : memref<!tpu.dma_semaphore, #tpu.memory_space<semaphore_mem>>) src(%arg6 : memref<16x1024xf32, #tpu.memory_space<vmem>>) dst(%dma_wait3A_105 : memref<16x1024xf32, #tpu.memory_space<hbm>>)
    %dma_start3A_106 = arith.constant 96 : i32
    %dma_start3A_107 = tpu.memref_slice %arg5[%dma_start3A_106] : memref<240xi32, #tpu.memory_space<vmem>> -> memref<16xi32, #tpu.memory_space<vmem>>
    %dma_start3A_108 = arith.constant 0 : i32
    %dma_start3A_109 = arith.constant 0 : i32
    %dma_start3A_110 = tpu.memref_slice %arg3[%dma_start3A_108, %dma_start3A_109] : memref<2048x1024xf32, #tpu.memory_space<hbm>> -> memref<2048x1024xf32, #tpu.memory_space<hbm>>
    tpu.enqueue_indirect_dma source(%dma_start3A_110 : memref<2048x1024xf32, #tpu.memory_space<hbm>>) target(%arg6 : memref<16x1024xf32, #tpu.memory_space<vmem>>) offsets(%dma_start3A_107 : memref<16xi32, #tpu.memory_space<vmem>>) semaphore(%arg8 : memref<!tpu.dma_semaphore, #tpu.memory_space<semaphore_mem>>)
    %dma_wait3A_111 = arith.constant 80 : i32
    %dma_wait3A_112 = tpu.memref_slice %arg5[%dma_wait3A_111] : memref<240xi32, #tpu.memory_space<vmem>> -> memref<16xi32, #tpu.memory_space<vmem>>
    %dma_wait3A_113 = arith.constant 0 : i32
    %dma_wait3A_114 = arith.constant 0 : i32
    %dma_wait3A_115 = tpu.memref_slice %arg3[%dma_wait3A_113, %dma_wait3A_114] : memref<2048x1024xf32, #tpu.memory_space<hbm>> -> memref<2048x1024xf32, #tpu.memory_space<hbm>>
    tpu.wait_indirect_dma semaphore(%arg9 : memref<!tpu.dma_semaphore, #tpu.memory_space<semaphore_mem>>) src(%dma_wait3A_115 : memref<2048x1024xf32, #tpu.memory_space<hbm>>) dst(%arg7 : memref<16x1024xf32, #tpu.memory_space<vmem>>)
    %add3A_116 = arith.constant 80 : i32
    %add3A_117 = arith.addi %mul3A_2, %add3A_116 : i32
    %dma_start3A_118 = arith.constant 0 : i32
    %dma_start3A_119 = tpu.memref_slice %arg4[%add3A_117, %dma_start3A_118] : memref<7680x1024xf32, #tpu.memory_space<hbm>> -> memref<16x1024xf32, #tpu.memory_space<hbm>>
    %dma_start3A_120 = arith.constant 0 : i32
    %dma_start3A_121 = tpu.memref_slice %arg4[%add3A_117, %dma_start3A_120] : memref<7680x1024xf32, #tpu.memory_space<hbm>> -> memref<16x1024xf32, #tpu.memory_space<hbm>>
    tpu.enqueue_dma source(%arg7 : memref<16x1024xf32, #tpu.memory_space<vmem>>) target(%dma_start3A_121 : memref<16x1024xf32, #tpu.memory_space<hbm>>) target_semaphore(%arg11 : memref<!tpu.dma_semaphore, #tpu.memory_space<semaphore_mem>>)
    %dma_wait3A_122 = arith.constant 0 : i32
    %dma_wait3A_123 = tpu.memref_slice %arg4[%add3A_117, %dma_wait3A_122] : memref<7680x1024xf32, #tpu.memory_space<hbm>> -> memref<16x1024xf32, #tpu.memory_space<hbm>>
    %dma_wait3A_124 = arith.constant 0 : i32
    %dma_wait3A_125 = tpu.memref_slice %arg4[%add3A_117, %dma_wait3A_124] : memref<7680x1024xf32, #tpu.memory_space<hbm>> -> memref<16x1024xf32, #tpu.memory_space<hbm>>
    tpu.wait_dma2 semaphore(%arg11 : memref<!tpu.dma_semaphore, #tpu.memory_space<semaphore_mem>>) src(%arg7 : memref<16x1024xf32, #tpu.memory_space<vmem>>) dst(%dma_wait3A_125 : memref<16x1024xf32, #tpu.memory_space<hbm>>)
    %dma_start3A_126 = arith.constant 112 : i32
    %dma_start3A_127 = tpu.memref_slice %arg5[%dma_start3A_126] : memref<240xi32, #tpu.memory_space<vmem>> -> memref<16xi32, #tpu.memory_space<vmem>>
    %dma_start3A_128 = arith.constant 0 : i32
    %dma_start3A_129 = arith.constant 0 : i32
    %dma_start3A_130 = tpu.memref_slice %arg3[%dma_start3A_128, %dma_start3A_129] : memref<2048x1024xf32, #tpu.memory_space<hbm>> -> memref<2048x1024xf32, #tpu.memory_space<hbm>>
    tpu.enqueue_indirect_dma source(%dma_start3A_130 : memref<2048x1024xf32, #tpu.memory_space<hbm>>) target(%arg7 : memref<16x1024xf32, #tpu.memory_space<vmem>>) offsets(%dma_start3A_127 : memref<16xi32, #tpu.memory_space<vmem>>) semaphore(%arg9 : memref<!tpu.dma_semaphore, #tpu.memory_space<semaphore_mem>>)
    %dma_wait3A_131 = arith.constant 96 : i32
    %dma_wait3A_132 = tpu.memref_slice %arg5[%dma_wait3A_131] : memref<240xi32, #tpu.memory_space<vmem>> -> memref<16xi32, #tpu.memory_space<vmem>>
    %dma_wait3A_133 = arith.constant 0 : i32
    %dma_wait3A_134 = arith.constant 0 : i32
    %dma_wait3A_135 = tpu.memref_slice %arg3[%dma_wait3A_133, %dma_wait3A_134] : memref<2048x1024xf32, #tpu.memory_space<hbm>> -> memref<2048x1024xf32, #tpu.memory_space<hbm>>
    tpu.wait_indirect_dma semaphore(%arg8 : memref<!tpu.dma_semaphore, #tpu.memory_space<semaphore_mem>>) src(%dma_wait3A_135 : memref<2048x1024xf32, #tpu.memory_space<hbm>>) dst(%arg6 : memref<16x1024xf32, #tpu.memory_space<vmem>>)
    %add3A_136 = arith.constant 96 : i32
    %add3A_137 = arith.addi %mul3A_2, %add3A_136 : i32
    %dma_start3A_138 = arith.constant 0 : i32
    %dma_start3A_139 = tpu.memref_slice %arg4[%add3A_137, %dma_start3A_138] : memref<7680x1024xf32, #tpu.memory_space<hbm>> -> memref<16x1024xf32, #tpu.memory_space<hbm>>
    %dma_start3A_140 = arith.constant 0 : i32
    %dma_start3A_141 = tpu.memref_slice %arg4[%add3A_137, %dma_start3A_140] : memref<7680x1024xf32, #tpu.memory_space<hbm>> -> memref<16x1024xf32, #tpu.memory_space<hbm>>
    tpu.enqueue_dma source(%arg6 : memref<16x1024xf32, #tpu.memory_space<vmem>>) target(%dma_start3A_141 : memref<16x1024xf32, #tpu.memory_space<hbm>>) target_semaphore(%arg10 : memref<!tpu.dma_semaphore, #tpu.memory_space<semaphore_mem>>)
    %dma_wait3A_142 = arith.constant 0 : i32
    %dma_wait3A_143 = tpu.memref_slice %arg4[%add3A_137, %dma_wait3A_142] : memref<7680x1024xf32, #tpu.memory_space<hbm>> -> memref<16x1024xf32, #tpu.memory_space<hbm>>
    %dma_wait3A_144 = arith.constant 0 : i32
    %dma_wait3A_145 = tpu.memref_slice %arg4[%add3A_137, %dma_wait3A_144] : memref<7680x1024xf32, #tpu.memory_space<hbm>> -> memref<16x1024xf32, #tpu.memory_space<hbm>>
    tpu.wait_dma2 semaphore(%arg10 : memref<!tpu.dma_semaphore, #tpu.memory_space<semaphore_mem>>) src(%arg6 : memref<16x1024xf32, #tpu.memory_space<vmem>>) dst(%dma_wait3A_145 : memref<16x1024xf32, #tpu.memory_space<hbm>>)
    %dma_start3A_146 = arith.constant 128 : i32
    %dma_start3A_147 = tpu.memref_slice %arg5[%dma_start3A_146] : memref<240xi32, #tpu.memory_space<vmem>> -> memref<16xi32, #tpu.memory_space<vmem>>
    %dma_start3A_148 = arith.constant 0 : i32
    %dma_start3A_149 = arith.constant 0 : i32
    %dma_start3A_150 = tpu.memref_slice %arg3[%dma_start3A_148, %dma_start3A_149] : memref<2048x1024xf32, #tpu.memory_space<hbm>> -> memref<2048x1024xf32, #tpu.memory_space<hbm>>
    tpu.enqueue_indirect_dma source(%dma_start3A_150 : memref<2048x1024xf32, #tpu.memory_space<hbm>>) target(%arg6 : memref<16x1024xf32, #tpu.memory_space<vmem>>) offsets(%dma_start3A_147 : memref<16xi32, #tpu.memory_space<vmem>>) semaphore(%arg8 : memref<!tpu.dma_semaphore, #tpu.memory_space<semaphore_mem>>)
    %dma_wait3A_151 = arith.constant 112 : i32
    %dma_wait3A_152 = tpu.memref_slice %arg5[%dma_wait3A_151] : memref<240xi32, #tpu.memory_space<vmem>> -> memref<16xi32, #tpu.memory_space<vmem>>
    %dma_wait3A_153 = arith.constant 0 : i32
    %dma_wait3A_154 = arith.constant 0 : i32
    %dma_wait3A_155 = tpu.memref_slice %arg3[%dma_wait3A_153, %dma_wait3A_154] : memref<2048x1024xf32, #tpu.memory_space<hbm>> -> memref<2048x1024xf32, #tpu.memory_space<hbm>>
    tpu.wait_indirect_dma semaphore(%arg9 : memref<!tpu.dma_semaphore, #tpu.memory_space<semaphore_mem>>) src(%dma_wait3A_155 : memref<2048x1024xf32, #tpu.memory_space<hbm>>) dst(%arg7 : memref<16x1024xf32, #tpu.memory_space<vmem>>)
    %add3A_156 = arith.constant 112 : i32
    %add3A_157 = arith.addi %mul3A_2, %add3A_156 : i32
    %dma_start3A_158 = arith.constant 0 : i32
    %dma_start3A_159 = tpu.memref_slice %arg4[%add3A_157, %dma_start3A_158] : memref<7680x1024xf32, #tpu.memory_space<hbm>> -> memref<16x1024xf32, #tpu.memory_space<hbm>>
    %dma_start3A_160 = arith.constant 0 : i32
    %dma_start3A_161 = tpu.memref_slice %arg4[%add3A_157, %dma_start3A_160] : memref<7680x1024xf32, #tpu.memory_space<hbm>> -> memref<16x1024xf32, #tpu.memory_space<hbm>>
    tpu.enqueue_dma source(%arg7 : memref<16x1024xf32, #tpu.memory_space<vmem>>) target(%dma_start3A_161 : memref<16x1024xf32, #tpu.memory_space<hbm>>) target_semaphore(%arg11 : memref<!tpu.dma_semaphore, #tpu.memory_space<semaphore_mem>>)
    %dma_wait3A_162 = arith.constant 0 : i32
    %dma_wait3A_163 = tpu.memref_slice %arg4[%add3A_157, %dma_wait3A_162] : memref<7680x1024xf32, #tpu.memory_space<hbm>> -> memref<16x1024xf32, #tpu.memory_space<hbm>>
    %dma_wait3A_164 = arith.constant 0 : i32
    %dma_wait3A_165 = tpu.memref_slice %arg4[%add3A_157, %dma_wait3A_164] : memref<7680x1024xf32, #tpu.memory_space<hbm>> -> memref<16x1024xf32, #tpu.memory_space<hbm>>
    tpu.wait_dma2 semaphore(%arg11 : memref<!tpu.dma_semaphore, #tpu.memory_space<semaphore_mem>>) src(%arg7 : memref<16x1024xf32, #tpu.memory_space<vmem>>) dst(%dma_wait3A_165 : memref<16x1024xf32, #tpu.memory_space<hbm>>)
    %dma_start3A_166 = arith.constant 144 : i32
    %dma_start3A_167 = tpu.memref_slice %arg5[%dma_start3A_166] : memref<240xi32, #tpu.memory_space<vmem>> -> memref<16xi32, #tpu.memory_space<vmem>>
    %dma_start3A_168 = arith.constant 0 : i32
    %dma_start3A_169 = arith.constant 0 : i32
    %dma_start3A_170 = tpu.memref_slice %arg3[%dma_start3A_168, %dma_start3A_169] : memref<2048x1024xf32, #tpu.memory_space<hbm>> -> memref<2048x1024xf32, #tpu.memory_space<hbm>>
    tpu.enqueue_indirect_dma source(%dma_start3A_170 : memref<2048x1024xf32, #tpu.memory_space<hbm>>) target(%arg7 : memref<16x1024xf32, #tpu.memory_space<vmem>>) offsets(%dma_start3A_167 : memref<16xi32, #tpu.memory_space<vmem>>) semaphore(%arg9 : memref<!tpu.dma_semaphore, #tpu.memory_space<semaphore_mem>>)
    %dma_wait3A_171 = arith.constant 128 : i32
    %dma_wait3A_172 = tpu.memref_slice %arg5[%dma_wait3A_171] : memref<240xi32, #tpu.memory_space<vmem>> -> memref<16xi32, #tpu.memory_space<vmem>>
    %dma_wait3A_173 = arith.constant 0 : i32
    %dma_wait3A_174 = arith.constant 0 : i32
    %dma_wait3A_175 = tpu.memref_slice %arg3[%dma_wait3A_173, %dma_wait3A_174] : memref<2048x1024xf32, #tpu.memory_space<hbm>> -> memref<2048x1024xf32, #tpu.memory_space<hbm>>
    tpu.wait_indirect_dma semaphore(%arg8 : memref<!tpu.dma_semaphore, #tpu.memory_space<semaphore_mem>>) src(%dma_wait3A_175 : memref<2048x1024xf32, #tpu.memory_space<hbm>>) dst(%arg6 : memref<16x1024xf32, #tpu.memory_space<vmem>>)
    %add3A_176 = arith.constant 128 : i32
    %add3A_177 = arith.addi %mul3A_2, %add3A_176 : i32
    %dma_start3A_178 = arith.constant 0 : i32
    %dma_start3A_179 = tpu.memref_slice %arg4[%add3A_177, %dma_start3A_178] : memref<7680x1024xf32, #tpu.memory_space<hbm>> -> memref<16x1024xf32, #tpu.memory_space<hbm>>
    %dma_start3A_180 = arith.constant 0 : i32
    %dma_start3A_181 = tpu.memref_slice %arg4[%add3A_177, %dma_start3A_180] : memref<7680x1024xf32, #tpu.memory_space<hbm>> -> memref<16x1024xf32, #tpu.memory_space<hbm>>
    tpu.enqueue_dma source(%arg6 : memref<16x1024xf32, #tpu.memory_space<vmem>>) target(%dma_start3A_181 : memref<16x1024xf32, #tpu.memory_space<hbm>>) target_semaphore(%arg10 : memref<!tpu.dma_semaphore, #tpu.memory_space<semaphore_mem>>)
    %dma_wait3A_182 = arith.constant 0 : i32
    %dma_wait3A_183 = tpu.memref_slice %arg4[%add3A_177, %dma_wait3A_182] : memref<7680x1024xf32, #tpu.memory_space<hbm>> -> memref<16x1024xf32, #tpu.memory_space<hbm>>
    %dma_wait3A_184 = arith.constant 0 : i32
    %dma_wait3A_185 = tpu.memref_slice %arg4[%add3A_177, %dma_wait3A_184] : memref<7680x1024xf32, #tpu.memory_space<hbm>> -> memref<16x1024xf32, #tpu.memory_space<hbm>>
    tpu.wait_dma2 semaphore(%arg10 : memref<!tpu.dma_semaphore, #tpu.memory_space<semaphore_mem>>) src(%arg6 : memref<16x1024xf32, #tpu.memory_space<vmem>>) dst(%dma_wait3A_185 : memref<16x1024xf32, #tpu.memory_space<hbm>>)
    %dma_start3A_186 = arith.constant 160 : i32
    %dma_start3A_187 = tpu.memref_slice %arg5[%dma_start3A_186] : memref<240xi32, #tpu.memory_space<vmem>> -> memref<16xi32, #tpu.memory_space<vmem>>
    %dma_start3A_188 = arith.constant 0 : i32
    %dma_start3A_189 = arith.constant 0 : i32
    %dma_start3A_190 = tpu.memref_slice %arg3[%dma_start3A_188, %dma_start3A_189] : memref<2048x1024xf32, #tpu.memory_space<hbm>> -> memref<2048x1024xf32, #tpu.memory_space<hbm>>
    tpu.enqueue_indirect_dma source(%dma_start3A_190 : memref<2048x1024xf32, #tpu.memory_space<hbm>>) target(%arg6 : memref<16x1024xf32, #tpu.memory_space<vmem>>) offsets(%dma_start3A_187 : memref<16xi32, #tpu.memory_space<vmem>>) semaphore(%arg8 : memref<!tpu.dma_semaphore, #tpu.memory_space<semaphore_mem>>)
    %dma_wait3A_191 = arith.constant 144 : i32
    %dma_wait3A_192 = tpu.memref_slice %arg5[%dma_wait3A_191] : memref<240xi32, #tpu.memory_space<vmem>> -> memref<16xi32, #tpu.memory_space<vmem>>
    %dma_wait3A_193 = arith.constant 0 : i32
    %dma_wait3A_194 = arith.constant 0 : i32
    %dma_wait3A_195 = tpu.memref_slice %arg3[%dma_wait3A_193, %dma_wait3A_194] : memref<2048x1024xf32, #tpu.memory_space<hbm>> -> memref<2048x1024xf32, #tpu.memory_space<hbm>>
    tpu.wait_indirect_dma semaphore(%arg9 : memref<!tpu.dma_semaphore, #tpu.memory_space<semaphore_mem>>) src(%dma_wait3A_195 : memref<2048x1024xf32, #tpu.memory_space<hbm>>) dst(%arg7 : memref<16x1024xf32, #tpu.memory_space<vmem>>)
    %add3A_196 = arith.constant 144 : i32
    %add3A_197 = arith.addi %mul3A_2, %add3A_196 : i32
    %dma_start3A_198 = arith.constant 0 : i32
    %dma_start3A_199 = tpu.memref_slice %arg4[%add3A_197, %dma_start3A_198] : memref<7680x1024xf32, #tpu.memory_space<hbm>> -> memref<16x1024xf32, #tpu.memory_space<hbm>>
    %dma_start3A_200 = arith.constant 0 : i32
    %dma_start3A_201 = tpu.memref_slice %arg4[%add3A_197, %dma_start3A_200] : memref<7680x1024xf32, #tpu.memory_space<hbm>> -> memref<16x1024xf32, #tpu.memory_space<hbm>>
    tpu.enqueue_dma source(%arg7 : memref<16x1024xf32, #tpu.memory_space<vmem>>) target(%dma_start3A_201 : memref<16x1024xf32, #tpu.memory_space<hbm>>) target_semaphore(%arg11 : memref<!tpu.dma_semaphore, #tpu.memory_space<semaphore_mem>>)
    %dma_wait3A_202 = arith.constant 0 : i32
    %dma_wait3A_203 = tpu.memref_slice %arg4[%add3A_197, %dma_wait3A_202] : memref<7680x1024xf32, #tpu.memory_space<hbm>> -> memref<16x1024xf32, #tpu.memory_space<hbm>>
    %dma_wait3A_204 = arith.constant 0 : i32
    %dma_wait3A_205 = tpu.memref_slice %arg4[%add3A_197, %dma_wait3A_204] : memref<7680x1024xf32, #tpu.memory_space<hbm>> -> memref<16x1024xf32, #tpu.memory_space<hbm>>
    tpu.wait_dma2 semaphore(%arg11 : memref<!tpu.dma_semaphore, #tpu.memory_space<semaphore_mem>>) src(%arg7 : memref<16x1024xf32, #tpu.memory_space<vmem>>) dst(%dma_wait3A_205 : memref<16x1024xf32, #tpu.memory_space<hbm>>)
    %dma_start3A_206 = arith.constant 176 : i32
    %dma_start3A_207 = tpu.memref_slice %arg5[%dma_start3A_206] : memref<240xi32, #tpu.memory_space<vmem>> -> memref<16xi32, #tpu.memory_space<vmem>>
    %dma_start3A_208 = arith.constant 0 : i32
    %dma_start3A_209 = arith.constant 0 : i32
    %dma_start3A_210 = tpu.memref_slice %arg3[%dma_start3A_208, %dma_start3A_209] : memref<2048x1024xf32, #tpu.memory_space<hbm>> -> memref<2048x1024xf32, #tpu.memory_space<hbm>>
    tpu.enqueue_indirect_dma source(%dma_start3A_210 : memref<2048x1024xf32, #tpu.memory_space<hbm>>) target(%arg7 : memref<16x1024xf32, #tpu.memory_space<vmem>>) offsets(%dma_start3A_207 : memref<16xi32, #tpu.memory_space<vmem>>) semaphore(%arg9 : memref<!tpu.dma_semaphore, #tpu.memory_space<semaphore_mem>>)
    %dma_wait3A_211 = arith.constant 160 : i32
    %dma_wait3A_212 = tpu.memref_slice %arg5[%dma_wait3A_211] : memref<240xi32, #tpu.memory_space<vmem>> -> memref<16xi32, #tpu.memory_space<vmem>>
    %dma_wait3A_213 = arith.constant 0 : i32
    %dma_wait3A_214 = arith.constant 0 : i32
    %dma_wait3A_215 = tpu.memref_slice %arg3[%dma_wait3A_213, %dma_wait3A_214] : memref<2048x1024xf32, #tpu.memory_space<hbm>> -> memref<2048x1024xf32, #tpu.memory_space<hbm>>
    tpu.wait_indirect_dma semaphore(%arg8 : memref<!tpu.dma_semaphore, #tpu.memory_space<semaphore_mem>>) src(%dma_wait3A_215 : memref<2048x1024xf32, #tpu.memory_space<hbm>>) dst(%arg6 : memref<16x1024xf32, #tpu.memory_space<vmem>>)
    %add3A_216 = arith.constant 160 : i32
    %add3A_217 = arith.addi %mul3A_2, %add3A_216 : i32
    %dma_start3A_218 = arith.constant 0 : i32
    %dma_start3A_219 = tpu.memref_slice %arg4[%add3A_217, %dma_start3A_218] : memref<7680x1024xf32, #tpu.memory_space<hbm>> -> memref<16x1024xf32, #tpu.memory_space<hbm>>
    %dma_start3A_220 = arith.constant 0 : i32
    %dma_start3A_221 = tpu.memref_slice %arg4[%add3A_217, %dma_start3A_220] : memref<7680x1024xf32, #tpu.memory_space<hbm>> -> memref<16x1024xf32, #tpu.memory_space<hbm>>
    tpu.enqueue_dma source(%arg6 : memref<16x1024xf32, #tpu.memory_space<vmem>>) target(%dma_start3A_221 : memref<16x1024xf32, #tpu.memory_space<hbm>>) target_semaphore(%arg10 : memref<!tpu.dma_semaphore, #tpu.memory_space<semaphore_mem>>)
    %dma_wait3A_222 = arith.constant 0 : i32
    %dma_wait3A_223 = tpu.memref_slice %arg4[%add3A_217, %dma_wait3A_222] : memref<7680x1024xf32, #tpu.memory_space<hbm>> -> memref<16x1024xf32, #tpu.memory_space<hbm>>
    %dma_wait3A_224 = arith.constant 0 : i32
    %dma_wait3A_225 = tpu.memref_slice %arg4[%add3A_217, %dma_wait3A_224] : memref<7680x1024xf32, #tpu.memory_space<hbm>> -> memref<16x1024xf32, #tpu.memory_space<hbm>>
    tpu.wait_dma2 semaphore(%arg10 : memref<!tpu.dma_semaphore, #tpu.memory_space<semaphore_mem>>) src(%arg6 : memref<16x1024xf32, #tpu.memory_space<vmem>>) dst(%dma_wait3A_225 : memref<16x1024xf32, #tpu.memory_space<hbm>>)
    %dma_start3A_226 = arith.constant 192 : i32
    %dma_start3A_227 = tpu.memref_slice %arg5[%dma_start3A_226] : memref<240xi32, #tpu.memory_space<vmem>> -> memref<16xi32, #tpu.memory_space<vmem>>
    %dma_start3A_228 = arith.constant 0 : i32
    %dma_start3A_229 = arith.constant 0 : i32
    %dma_start3A_230 = tpu.memref_slice %arg3[%dma_start3A_228, %dma_start3A_229] : memref<2048x1024xf32, #tpu.memory_space<hbm>> -> memref<2048x1024xf32, #tpu.memory_space<hbm>>
    tpu.enqueue_indirect_dma source(%dma_start3A_230 : memref<2048x1024xf32, #tpu.memory_space<hbm>>) target(%arg6 : memref<16x1024xf32, #tpu.memory_space<vmem>>) offsets(%dma_start3A_227 : memref<16xi32, #tpu.memory_space<vmem>>) semaphore(%arg8 : memref<!tpu.dma_semaphore, #tpu.memory_space<semaphore_mem>>)
    %dma_wait3A_231 = arith.constant 176 : i32
    %dma_wait3A_232 = tpu.memref_slice %arg5[%dma_wait3A_231] : memref<240xi32, #tpu.memory_space<vmem>> -> memref<16xi32, #tpu.memory_space<vmem>>
    %dma_wait3A_233 = arith.constant 0 : i32
    %dma_wait3A_234 = arith.constant 0 : i32
    %dma_wait3A_235 = tpu.memref_slice %arg3[%dma_wait3A_233, %dma_wait3A_234] : memref<2048x1024xf32, #tpu.memory_space<hbm>> -> memref<2048x1024xf32, #tpu.memory_space<hbm>>
    tpu.wait_indirect_dma semaphore(%arg9 : memref<!tpu.dma_semaphore, #tpu.memory_space<semaphore_mem>>) src(%dma_wait3A_235 : memref<2048x1024xf32, #tpu.memory_space<hbm>>) dst(%arg7 : memref<16x1024xf32, #tpu.memory_space<vmem>>)
    %add3A_236 = arith.constant 176 : i32
    %add3A_237 = arith.addi %mul3A_2, %add3A_236 : i32
    %dma_start3A_238 = arith.constant 0 : i32
    %dma_start3A_239 = tpu.memref_slice %arg4[%add3A_237, %dma_start3A_238] : memref<7680x1024xf32, #tpu.memory_space<hbm>> -> memref<16x1024xf32, #tpu.memory_space<hbm>>
    %dma_start3A_240 = arith.constant 0 : i32
    %dma_start3A_241 = tpu.memref_slice %arg4[%add3A_237, %dma_start3A_240] : memref<7680x1024xf32, #tpu.memory_space<hbm>> -> memref<16x1024xf32, #tpu.memory_space<hbm>>
    tpu.enqueue_dma source(%arg7 : memref<16x1024xf32, #tpu.memory_space<vmem>>) target(%dma_start3A_241 : memref<16x1024xf32, #tpu.memory_space<hbm>>) target_semaphore(%arg11 : memref<!tpu.dma_semaphore, #tpu.memory_space<semaphore_mem>>)
    %dma_wait3A_242 = arith.constant 0 : i32
    %dma_wait3A_243 = tpu.memref_slice %arg4[%add3A_237, %dma_wait3A_242] : memref<7680x1024xf32, #tpu.memory_space<hbm>> -> memref<16x1024xf32, #tpu.memory_space<hbm>>
    %dma_wait3A_244 = arith.constant 0 : i32
    %dma_wait3A_245 = tpu.memref_slice %arg4[%add3A_237, %dma_wait3A_244] : memref<7680x1024xf32, #tpu.memory_space<hbm>> -> memref<16x1024xf32, #tpu.memory_space<hbm>>
    tpu.wait_dma2 semaphore(%arg11 : memref<!tpu.dma_semaphore, #tpu.memory_space<semaphore_mem>>) src(%arg7 : memref<16x1024xf32, #tpu.memory_space<vmem>>) dst(%dma_wait3A_245 : memref<16x1024xf32, #tpu.memory_space<hbm>>)
    %dma_start3A_246 = arith.constant 208 : i32
    %dma_start3A_247 = tpu.memref_slice %arg5[%dma_start3A_246] : memref<240xi32, #tpu.memory_space<vmem>> -> memref<16xi32, #tpu.memory_space<vmem>>
    %dma_start3A_248 = arith.constant 0 : i32
    %dma_start3A_249 = arith.constant 0 : i32
    %dma_start3A_250 = tpu.memref_slice %arg3[%dma_start3A_248, %dma_start3A_249] : memref<2048x1024xf32, #tpu.memory_space<hbm>> -> memref<2048x1024xf32, #tpu.memory_space<hbm>>
    tpu.enqueue_indirect_dma source(%dma_start3A_250 : memref<2048x1024xf32, #tpu.memory_space<hbm>>) target(%arg7 : memref<16x1024xf32, #tpu.memory_space<vmem>>) offsets(%dma_start3A_247 : memref<16xi32, #tpu.memory_space<vmem>>) semaphore(%arg9 : memref<!tpu.dma_semaphore, #tpu.memory_space<semaphore_mem>>)
    %dma_wait3A_251 = arith.constant 192 : i32
    %dma_wait3A_252 = tpu.memref_slice %arg5[%dma_wait3A_251] : memref<240xi32, #tpu.memory_space<vmem>> -> memref<16xi32, #tpu.memory_space<vmem>>
    %dma_wait3A_253 = arith.constant 0 : i32
    %dma_wait3A_254 = arith.constant 0 : i32
    %dma_wait3A_255 = tpu.memref_slice %arg3[%dma_wait3A_253, %dma_wait3A_254] : memref<2048x1024xf32, #tpu.memory_space<hbm>> -> memref<2048x1024xf32, #tpu.memory_space<hbm>>
    tpu.wait_indirect_dma semaphore(%arg8 : memref<!tpu.dma_semaphore, #tpu.memory_space<semaphore_mem>>) src(%dma_wait3A_255 : memref<2048x1024xf32, #tpu.memory_space<hbm>>) dst(%arg6 : memref<16x1024xf32, #tpu.memory_space<vmem>>)
    %add3A_256 = arith.constant 192 : i32
    %add3A_257 = arith.addi %mul3A_2, %add3A_256 : i32
    %dma_start3A_258 = arith.constant 0 : i32
    %dma_start3A_259 = tpu.memref_slice %arg4[%add3A_257, %dma_start3A_258] : memref<7680x1024xf32, #tpu.memory_space<hbm>> -> memref<16x1024xf32, #tpu.memory_space<hbm>>
    %dma_start3A_260 = arith.constant 0 : i32
    %dma_start3A_261 = tpu.memref_slice %arg4[%add3A_257, %dma_start3A_260] : memref<7680x1024xf32, #tpu.memory_space<hbm>> -> memref<16x1024xf32, #tpu.memory_space<hbm>>
    tpu.enqueue_dma source(%arg6 : memref<16x1024xf32, #tpu.memory_space<vmem>>) target(%dma_start3A_261 : memref<16x1024xf32, #tpu.memory_space<hbm>>) target_semaphore(%arg10 : memref<!tpu.dma_semaphore, #tpu.memory_space<semaphore_mem>>)
    %dma_wait3A_262 = arith.constant 0 : i32
    %dma_wait3A_263 = tpu.memref_slice %arg4[%add3A_257, %dma_wait3A_262] : memref<7680x1024xf32, #tpu.memory_space<hbm>> -> memref<16x1024xf32, #tpu.memory_space<hbm>>
    %dma_wait3A_264 = arith.constant 0 : i32
    %dma_wait3A_265 = tpu.memref_slice %arg4[%add3A_257, %dma_wait3A_264] : memref<7680x1024xf32, #tpu.memory_space<hbm>> -> memref<16x1024xf32, #tpu.memory_space<hbm>>
    tpu.wait_dma2 semaphore(%arg10 : memref<!tpu.dma_semaphore, #tpu.memory_space<semaphore_mem>>) src(%arg6 : memref<16x1024xf32, #tpu.memory_space<vmem>>) dst(%dma_wait3A_265 : memref<16x1024xf32, #tpu.memory_space<hbm>>)
    %dma_start3A_266 = arith.constant 224 : i32
    %dma_start3A_267 = tpu.memref_slice %arg5[%dma_start3A_266] : memref<240xi32, #tpu.memory_space<vmem>> -> memref<16xi32, #tpu.memory_space<vmem>>
    %dma_start3A_268 = arith.constant 0 : i32
    %dma_start3A_269 = arith.constant 0 : i32
    %dma_start3A_270 = tpu.memref_slice %arg3[%dma_start3A_268, %dma_start3A_269] : memref<2048x1024xf32, #tpu.memory_space<hbm>> -> memref<2048x1024xf32, #tpu.memory_space<hbm>>
    tpu.enqueue_indirect_dma source(%dma_start3A_270 : memref<2048x1024xf32, #tpu.memory_space<hbm>>) target(%arg6 : memref<16x1024xf32, #tpu.memory_space<vmem>>) offsets(%dma_start3A_267 : memref<16xi32, #tpu.memory_space<vmem>>) semaphore(%arg8 : memref<!tpu.dma_semaphore, #tpu.memory_space<semaphore_mem>>)
    %dma_wait3A_271 = arith.constant 208 : i32
    %dma_wait3A_272 = tpu.memref_slice %arg5[%dma_wait3A_271] : memref<240xi32, #tpu.memory_space<vmem>> -> memref<16xi32, #tpu.memory_space<vmem>>
    %dma_wait3A_273 = arith.constant 0 : i32
    %dma_wait3A_274 = arith.constant 0 : i32
    %dma_wait3A_275 = tpu.memref_slice %arg3[%dma_wait3A_273, %dma_wait3A_274] : memref<2048x1024xf32, #tpu.memory_space<hbm>> -> memref<2048x1024xf32, #tpu.memory_space<hbm>>
    tpu.wait_indirect_dma semaphore(%arg9 : memref<!tpu.dma_semaphore, #tpu.memory_space<semaphore_mem>>) src(%dma_wait3A_275 : memref<2048x1024xf32, #tpu.memory_space<hbm>>) dst(%arg7 : memref<16x1024xf32, #tpu.memory_space<vmem>>)
    %add3A_276 = arith.constant 208 : i32
    %add3A_277 = arith.addi %mul3A_2, %add3A_276 : i32
    %dma_start3A_278 = arith.constant 0 : i32
    %dma_start3A_279 = tpu.memref_slice %arg4[%add3A_277, %dma_start3A_278] : memref<7680x1024xf32, #tpu.memory_space<hbm>> -> memref<16x1024xf32, #tpu.memory_space<hbm>>
    %dma_start3A_280 = arith.constant 0 : i32
    %dma_start3A_281 = tpu.memref_slice %arg4[%add3A_277, %dma_start3A_280] : memref<7680x1024xf32, #tpu.memory_space<hbm>> -> memref<16x1024xf32, #tpu.memory_space<hbm>>
    tpu.enqueue_dma source(%arg7 : memref<16x1024xf32, #tpu.memory_space<vmem>>) target(%dma_start3A_281 : memref<16x1024xf32, #tpu.memory_space<hbm>>) target_semaphore(%arg11 : memref<!tpu.dma_semaphore, #tpu.memory_space<semaphore_mem>>)
    %dma_wait3A_282 = arith.constant 224 : i32
    %dma_wait3A_283 = tpu.memref_slice %arg5[%dma_wait3A_282] : memref<240xi32, #tpu.memory_space<vmem>> -> memref<16xi32, #tpu.memory_space<vmem>>
    %dma_wait3A_284 = arith.constant 0 : i32
    %dma_wait3A_285 = arith.constant 0 : i32
    %dma_wait3A_286 = tpu.memref_slice %arg3[%dma_wait3A_284, %dma_wait3A_285] : memref<2048x1024xf32, #tpu.memory_space<hbm>> -> memref<2048x1024xf32, #tpu.memory_space<hbm>>
    tpu.wait_indirect_dma semaphore(%arg8 : memref<!tpu.dma_semaphore, #tpu.memory_space<semaphore_mem>>) src(%dma_wait3A_286 : memref<2048x1024xf32, #tpu.memory_space<hbm>>) dst(%arg6 : memref<16x1024xf32, #tpu.memory_space<vmem>>)
    %add3A_287 = arith.constant 224 : i32
    %add3A_288 = arith.addi %mul3A_2, %add3A_287 : i32
    %dma_start3A_289 = arith.constant 0 : i32
    %dma_start3A_290 = tpu.memref_slice %arg4[%add3A_288, %dma_start3A_289] : memref<7680x1024xf32, #tpu.memory_space<hbm>> -> memref<16x1024xf32, #tpu.memory_space<hbm>>
    %dma_start3A_291 = arith.constant 0 : i32
    %dma_start3A_292 = tpu.memref_slice %arg4[%add3A_288, %dma_start3A_291] : memref<7680x1024xf32, #tpu.memory_space<hbm>> -> memref<16x1024xf32, #tpu.memory_space<hbm>>
    tpu.enqueue_dma source(%arg6 : memref<16x1024xf32, #tpu.memory_space<vmem>>) target(%dma_start3A_292 : memref<16x1024xf32, #tpu.memory_space<hbm>>) target_semaphore(%arg10 : memref<!tpu.dma_semaphore, #tpu.memory_space<semaphore_mem>>)
    %dma_wait3A_293 = arith.constant 0 : i32
    %dma_wait3A_294 = tpu.memref_slice %arg4[%add3A_288, %dma_wait3A_293] : memref<7680x1024xf32, #tpu.memory_space<hbm>> -> memref<16x1024xf32, #tpu.memory_space<hbm>>
    %dma_wait3A_295 = arith.constant 0 : i32
    %dma_wait3A_296 = tpu.memref_slice %arg4[%add3A_288, %dma_wait3A_295] : memref<7680x1024xf32, #tpu.memory_space<hbm>> -> memref<16x1024xf32, #tpu.memory_space<hbm>>
    tpu.wait_dma2 semaphore(%arg10 : memref<!tpu.dma_semaphore, #tpu.memory_space<semaphore_mem>>) src(%arg6 : memref<16x1024xf32, #tpu.memory_space<vmem>>) dst(%dma_wait3A_296 : memref<16x1024xf32, #tpu.memory_space<hbm>>)
    %dma_wait3A_297 = arith.constant 0 : i32
    %dma_wait3A_298 = tpu.memref_slice %arg4[%add3A_277, %dma_wait3A_297] : memref<7680x1024xf32, #tpu.memory_space<hbm>> -> memref<16x1024xf32, #tpu.memory_space<hbm>>
    %dma_wait3A_299 = arith.constant 0 : i32
    %dma_wait3A_300 = tpu.memref_slice %arg4[%add3A_277, %dma_wait3A_299] : memref<7680x1024xf32, #tpu.memory_space<hbm>> -> memref<16x1024xf32, #tpu.memory_space<hbm>>
    tpu.wait_dma2 semaphore(%arg11 : memref<!tpu.dma_semaphore, #tpu.memory_space<semaphore_mem>>) src(%arg7 : memref<16x1024xf32, #tpu.memory_space<vmem>>) dst(%dma_wait3A_300 : memref<16x1024xf32, #tpu.memory_space<hbm>>)
    return
  }
}

#map = affine_map<(d0, d1) -> (0)>
module attributes {stable_mosaic.version = 14 : i64} {
  func.func @sc_scatter(%arg0: i32, %arg1: i32, %arg2: memref<2048xi32, #tpu.memory_space<hbm>>, %arg3: memref<2048xi32, #tpu.memory_space<hbm>>, %arg4: memref<2048xf32, #tpu.memory_space<hbm>>, %arg5: memref<2048xf32, #tpu.memory_space<hbm>>, %arg6: memref<7680xi32, #tpu.memory_space<hbm>>, %arg7: memref<7680xf32, #tpu.memory_space<hbm>>, %arg8: memref<2048xi32, #tpu.memory_space<vmem>>, %arg9: memref<2048xi32, #tpu.memory_space<vmem>>, %arg10: memref<2048xf32, #tpu.memory_space<vmem>>, %arg11: memref<2048xf32, #tpu.memory_space<vmem>>, %arg12: memref<7680xi32, #tpu.memory_space<vmem>>, %arg13: memref<7680xf32, #tpu.memory_space<vmem>>) attributes {dimension_semantics = [#tpu.dimension_semantics<core_parallel>, #tpu.dimension_semantics<subcore_parallel>], iteration_bounds = array<i64: 2, 16>, scalar_prefetch = 0 : i64, scratch_operands = 6 : i64, tpu.core_type = #tpu.core_type<sc_vector_subcore>, window_params = [{transform_indices = #map}, {transform_indices = #map}, {transform_indices = #map}, {transform_indices = #map}, {transform_indices = #map}, {transform_indices = #map}]} {
    %mul3A = arith.constant 2 : i32
    %mul3A_0 = arith.muli %arg1, %mul3A : i32
    %add3A = arith.addi %mul3A_0, %arg0 : i32
    %eq3A = arith.constant 0 : i32
    %eq3A_1 = arith.cmpi eq, %add3A, %eq3A : i32
    %convert_element_type3A = arith.extui %eq3A_1 : i1 to i32
    %cond3A = arith.constant 0 : i32
    %cond3A_2 = arith.cmpi ne, %convert_element_type3A, %cond3A : i32
    scf.if %cond3A_2 {
      "tpu.region"() ({
        %run_scoped3A = tpu.sem_alloc : memref<!tpu.dma_semaphore, #tpu.memory_space<semaphore_mem>>
        tpu.enqueue_dma source(%arg2 : memref<2048xi32, #tpu.memory_space<hbm>>) target(%arg8 : memref<2048xi32, #tpu.memory_space<vmem>>) target_semaphore(%run_scoped3A : memref<!tpu.dma_semaphore, #tpu.memory_space<semaphore_mem>>)
        tpu.wait_dma2 semaphore(%run_scoped3A : memref<!tpu.dma_semaphore, #tpu.memory_space<semaphore_mem>>) src(%arg2 : memref<2048xi32, #tpu.memory_space<hbm>>) dst(%arg8 : memref<2048xi32, #tpu.memory_space<vmem>>)
        tpu.yield
      }) : () -> ()
      "tpu.region"() ({
        %run_scoped3A = tpu.sem_alloc : memref<!tpu.dma_semaphore, #tpu.memory_space<semaphore_mem>>
        tpu.enqueue_dma source(%arg3 : memref<2048xi32, #tpu.memory_space<hbm>>) target(%arg9 : memref<2048xi32, #tpu.memory_space<vmem>>) target_semaphore(%run_scoped3A : memref<!tpu.dma_semaphore, #tpu.memory_space<semaphore_mem>>)
        tpu.wait_dma2 semaphore(%run_scoped3A : memref<!tpu.dma_semaphore, #tpu.memory_space<semaphore_mem>>) src(%arg3 : memref<2048xi32, #tpu.memory_space<hbm>>) dst(%arg9 : memref<2048xi32, #tpu.memory_space<vmem>>)
        tpu.yield
      }) : () -> ()
      "tpu.region"() ({
        %run_scoped3A = tpu.sem_alloc : memref<!tpu.dma_semaphore, #tpu.memory_space<semaphore_mem>>
        tpu.enqueue_dma source(%arg4 : memref<2048xf32, #tpu.memory_space<hbm>>) target(%arg10 : memref<2048xf32, #tpu.memory_space<vmem>>) target_semaphore(%run_scoped3A : memref<!tpu.dma_semaphore, #tpu.memory_space<semaphore_mem>>)
        tpu.wait_dma2 semaphore(%run_scoped3A : memref<!tpu.dma_semaphore, #tpu.memory_space<semaphore_mem>>) src(%arg4 : memref<2048xf32, #tpu.memory_space<hbm>>) dst(%arg10 : memref<2048xf32, #tpu.memory_space<vmem>>)
        tpu.yield
      }) : () -> ()
      "tpu.region"() ({
        %run_scoped3A = tpu.sem_alloc : memref<!tpu.dma_semaphore, #tpu.memory_space<semaphore_mem>>
        tpu.enqueue_dma source(%arg5 : memref<2048xf32, #tpu.memory_space<hbm>>) target(%arg11 : memref<2048xf32, #tpu.memory_space<vmem>>) target_semaphore(%run_scoped3A : memref<!tpu.dma_semaphore, #tpu.memory_space<semaphore_mem>>)
        tpu.wait_dma2 semaphore(%run_scoped3A : memref<!tpu.dma_semaphore, #tpu.memory_space<semaphore_mem>>) src(%arg5 : memref<2048xf32, #tpu.memory_space<hbm>>) dst(%arg11 : memref<2048xf32, #tpu.memory_space<vmem>>)
        tpu.yield
      }) : () -> ()
      %scan3A = arith.constant 0 : i32
      %scan3A_3 = arith.constant 0 : i32
      %scan3A_4 = arith.constant 480 : i32
      %scan3A_5 = arith.addi %scan3A_3, %scan3A_4 : i32
      %scan3A_6 = arith.constant 1 : i32
      %scan3A_7 = scf.for %scan3A_16 = %scan3A_3 to %scan3A_5 step %scan3A_6 iter_args(%scan3A_17 = %scan3A) -> (i32)  : i32 {
        %broadcast_in_dim3A = arith.constant 0 : i32
        %broadcast_in_dim3A_18 = vector.broadcast %broadcast_in_dim3A : i32 to vector<16xi32>
        %mul3A_19 = arith.constant 16 : i32
        %mul3A_20 = arith.muli %scan3A_16, %mul3A_19 : i32
        %swap3A = arith.index_cast %mul3A_20 : i32 to index
        %swap3A_21 = tpu.vector_load %arg12[%swap3A] {strides = array<i32>} : memref<7680xi32, #tpu.memory_space<vmem>>, vector<16xi32>,
        tpu.vector_store %arg12[%swap3A], %broadcast_in_dim3A_18 {strides = array<i32>} : memref<7680xi32, #tpu.memory_space<vmem>>, vector<16xi32>,
        %broadcast_in_dim3A_22 = arith.constant 0.000000e+00 : f32
        %broadcast_in_dim3A_23 = vector.broadcast %broadcast_in_dim3A_22 : f32 to vector<16xf32>
        %mul3A_24 = arith.constant 16 : i32
        %mul3A_25 = arith.muli %scan3A_16, %mul3A_24 : i32
        %swap3A_26 = arith.index_cast %mul3A_25 : i32 to index
        %swap3A_27 = tpu.vector_load %arg13[%swap3A_26] {strides = array<i32>} : memref<7680xf32, #tpu.memory_space<vmem>>, vector<16xf32>,
        tpu.vector_store %arg13[%swap3A_26], %broadcast_in_dim3A_23 {strides = array<i32>} : memref<7680xf32, #tpu.memory_space<vmem>>, vector<16xf32>,
        %scan3A_28 = arith.constant 0 : i32
        scf.yield %scan3A_28 : i32
      }
      %scan3A_8 = arith.constant 480 : i32
      %scan3A_9 = arith.constant 0 : i32
      %scan3A_10 = arith.constant 0 : i32
      %scan3A_11 = arith.constant 128 : i32
      %scan3A_12 = arith.addi %scan3A_10, %scan3A_11 : i32
      %scan3A_13 = arith.constant 1 : i32
      %scan3A_14 = scf.for %scan3A_16 = %scan3A_10 to %scan3A_12 step %scan3A_13 iter_args(%scan3A_17 = %scan3A_9) -> (i32)  : i32 {
        %mul3A_18 = arith.constant 16 : i32
        %mul3A_19 = arith.muli %scan3A_16, %mul3A_18 : i32
        %iota3A = tpu.iota {dimensions = array<i32: 0>} : vector<16xi32>
        %add3A_20 = vector.broadcast %mul3A_19 : i32 to vector<16xi32>
        %add3A_21 = arith.addi %add3A_20, %iota3A : vector<16xi32>
        %mul3A_22 = arith.constant 16 : i32
        %mul3A_23 = arith.muli %scan3A_16, %mul3A_22 : i32
        %get3A = arith.index_cast %mul3A_23 : i32 to index
        %get3A_24 = tpu.vector_load %arg8[%get3A] {strides = array<i32>} : memref<2048xi32, #tpu.memory_space<vmem>>, vector<16xi32>,
        tpu.vector_store_idx %arg12[%get3A_24], %add3A_21 : memref<7680xi32, #tpu.memory_space<vmem>>[vector<16xi32>], vector<16xi32>,
        %mul3A_25 = arith.constant 16 : i32
        %mul3A_26 = arith.muli %scan3A_16, %mul3A_25 : i32
        %get3A_27 = arith.index_cast %mul3A_26 : i32 to index
        %get3A_28 = tpu.vector_load %arg10[%get3A_27] {strides = array<i32>} : memref<2048xf32, #tpu.memory_space<vmem>>, vector<16xf32>,
        tpu.vector_store_idx %arg13[%get3A_24], %get3A_28 : memref<7680xf32, #tpu.memory_space<vmem>>[vector<16xi32>], vector<16xf32>,
        %mul3A_29 = arith.constant 16 : i32
        %mul3A_30 = arith.muli %scan3A_16, %mul3A_29 : i32
        %get3A_31 = arith.index_cast %mul3A_30 : i32 to index
        %get3A_32 = tpu.vector_load %arg9[%get3A_31] {strides = array<i32>} : memref<2048xi32, #tpu.memory_space<vmem>>, vector<16xi32>,
        tpu.vector_store_idx %arg12[%get3A_32], %add3A_21 : memref<7680xi32, #tpu.memory_space<vmem>>[vector<16xi32>], vector<16xi32>,
        %mul3A_33 = arith.constant 16 : i32
        %mul3A_34 = arith.muli %scan3A_16, %mul3A_33 : i32
        %get3A_35 = arith.index_cast %mul3A_34 : i32 to index
        %get3A_36 = tpu.vector_load %arg11[%get3A_35] {strides = array<i32>} : memref<2048xf32, #tpu.memory_space<vmem>>, vector<16xf32>,
        tpu.vector_store_idx %arg13[%get3A_32], %get3A_36 : memref<7680xf32, #tpu.memory_space<vmem>>[vector<16xi32>], vector<16xf32>,
        %scan3A_37 = arith.constant 0 : i32
        scf.yield %scan3A_37 : i32
      }
      %scan3A_15 = arith.constant 128 : i32
      "tpu.region"() ({
        %run_scoped3A = tpu.sem_alloc : memref<!tpu.dma_semaphore, #tpu.memory_space<semaphore_mem>>
        tpu.enqueue_dma source(%arg12 : memref<7680xi32, #tpu.memory_space<vmem>>) target(%arg6 : memref<7680xi32, #tpu.memory_space<hbm>>) target_semaphore(%run_scoped3A : memref<!tpu.dma_semaphore, #tpu.memory_space<semaphore_mem>>)
        tpu.wait_dma2 semaphore(%run_scoped3A : memref<!tpu.dma_semaphore, #tpu.memory_space<semaphore_mem>>) src(%arg12 : memref<7680xi32, #tpu.memory_space<vmem>>) dst(%arg6 : memref<7680xi32, #tpu.memory_space<hbm>>)
        tpu.yield
      }) : () -> ()
      "tpu.region"() ({
        %run_scoped3A = tpu.sem_alloc : memref<!tpu.dma_semaphore, #tpu.memory_space<semaphore_mem>>
        tpu.enqueue_dma source(%arg13 : memref<7680xf32, #tpu.memory_space<vmem>>) target(%arg7 : memref<7680xf32, #tpu.memory_space<hbm>>) target_semaphore(%run_scoped3A : memref<!tpu.dma_semaphore, #tpu.memory_space<semaphore_mem>>)
        tpu.wait_dma2 semaphore(%run_scoped3A : memref<!tpu.dma_semaphore, #tpu.memory_space<semaphore_mem>>) src(%arg13 : memref<7680xf32, #tpu.memory_space<vmem>>) dst(%arg7 : memref<7680xf32, #tpu.memory_space<hbm>>)
        tpu.yield
      }) : () -> ()
    } else {
    }
    return
  }
}

module attributes {stable_mosaic.version = 14 : i64} {
  func.func @_route_body(%arg0: i32, %arg1: memref<1x8xf32, #tpu.memory_space<vmem>>, %arg2: memref<128x8xf32, #tpu.memory_space<vmem>>, %arg3: memref<128x1024xf32, #tpu.memory_space<vmem>>, %arg4: memref<128x2xi32, #tpu.memory_space<vmem>>, %arg5: memref<128x2xf32, #tpu.memory_space<vmem>>, %arg6: memref<1x8xi32, #tpu.memory_space<vmem>>, %arg7: memref<1x8xi32, #tpu.memory_space<vmem>>, %arg8: memref<128x1024xf32, #tpu.memory_space<vmem>>, %arg9: memref<1x8xf32, #tpu.memory_space<vmem>>) attributes {dimension_semantics = [#tpu.dimension_semantics<arbitrary>], iteration_bounds = array<i64: 16>, scalar_prefetch = 0 : i64, scratch_operands = 1 : i64, tpu.core_type = #tpu.core_type<tc>, window_params = [{pipeline_mode = #tpu.pipeline_mode<synchronous>, transform_indices = @transform_0, window_bounds = array<i64: 1, 8>}, {transform_indices = @transform_1, window_bounds = array<i64: 128, 8>}, {transform_indices = @transform_2, window_bounds = array<i64: 128, 1024>}, {transform_indices = @transform_3, window_bounds = array<i64: 128, 2>}, {transform_indices = @transform_4, window_bounds = array<i64: 128, 2>}, {pipeline_mode = #tpu.pipeline_mode<synchronous>, transform_indices = @transform_5, window_bounds = array<i64: 1, 8>}, {pipeline_mode = #tpu.pipeline_mode<synchronous>, transform_indices = @transform_6, window_bounds = array<i64: 1, 8>}, {transform_indices = @transform_7, window_bounds = array<i64: 128, 1024>}]} {
    %get3A = arith.constant 0 : index
    %get3A_0 = arith.constant 0 : index
    %get3A_1 = vector.load %arg3[%get3A, %get3A_0] : memref<128x1024xf32, #tpu.memory_space<vmem>>, vector<128x1024xf32>
    %swap3A = arith.constant 0 : index
    %swap3A_2 = arith.constant 0 : index
    %swap3A_3 = vector.load %arg8[%swap3A, %swap3A_2] : memref<128x1024xf32, #tpu.memory_space<vmem>>, vector<128x1024xf32>
    tpu.vector_store %arg8[%swap3A, %swap3A_2], %get3A_1 {strides = array<i32>} : memref<128x1024xf32, #tpu.memory_space<vmem>>, vector<128x1024xf32>,
    %get3A_4 = arith.constant 0 : index
    %get3A_5 = arith.constant 0 : index
    %get3A_6 = vector.load %arg1[%get3A_4, %get3A_5] : memref<1x8xf32, #tpu.memory_space<vmem>>, vector<1x8xf32>
    %div3A = arith.constant 5.120000e+02 : f32
    %div3A_7 = vector.broadcast %div3A : f32 to vector<1x8xf32>
    %div3A_8 = arith.divf %get3A_6, %div3A_7 : vector<1x8xf32>
    %ceil3A = math.ceil %div3A_8 : vector<1x8xf32>
    %mul3A = arith.constant 5.120000e+02 : f32
    %mul3A_9 = vector.broadcast %mul3A : f32 to vector<1x8xf32>
    %mul3A_10 = arith.mulf %ceil3A, %mul3A_9 : vector<1x8xf32>
    %iota3A = tpu.iota {dimensions = array<i32: 0>} : vector<8x8xi32>
    %iota3A_11 = tpu.iota {dimensions = array<i32: 1>} : vector<8x8xi32>
    %lt3A = arith.cmpi slt, %iota3A, %iota3A_11 : vector<8x8xi32>
    %convert_element_type3A = arith.extui %lt3A : vector<8x8xi1> to vector<8x8xi32>
    %convert_element_type3A_12 = arith.sitofp %convert_element_type3A : vector<8x8xi32> to vector<8x8xf32>
    %dot_general3A = arith.constant dense<0.000000e+00> : vector<1x8xf32>
    %dot_general3A_13 = tpu.matmul %mul3A_10, %convert_element_type3A_12, %dot_general3A {dimension_numbers = #tpu.dot_dimension_numbers<[1], [0], [0], [1], [0, 0, 1, 1], [], []>, transpose_lhs_hint = false} : vector<1x8xf32>, vector<8x8xf32>, vector<1x8xf32> -> vector<1x8xf32>
    %get3A_14 = arith.constant 0 : index
    %get3A_15 = arith.constant 0 : index
    %get3A_16 = vector.load %arg2[%get3A_14, %get3A_15] : memref<128x8xf32, #tpu.memory_space<vmem>>, vector<128x8xf32>
    %gt3A = arith.constant 0.000000e+00 : f32
    %gt3A_17 = vector.broadcast %gt3A : f32 to vector<128x8xf32>
    %gt3A_18 = arith.cmpf ogt, %get3A_16, %gt3A_17 : vector<128x8xf32>
    %convert_element_type3A_19 = arith.extui %gt3A_18 : vector<128x8xi1> to vector<128x8xi32>
    %convert_element_type3A_20 = arith.sitofp %convert_element_type3A_19 : vector<128x8xi32> to vector<128x8xf32>
    %iota3A_21 = tpu.iota {dimensions = array<i32: 0>} : vector<128x128xi32>
    %iota3A_22 = tpu.iota {dimensions = array<i32: 1>} : vector<128x128xi32>
    %ge3A = arith.cmpi sge, %iota3A_21, %iota3A_22 : vector<128x128xi32>
    %convert_element_type3A_23 = arith.extui %ge3A : vector<128x128xi1> to vector<128x128xi32>
    %convert_element_type3A_24 = arith.sitofp %convert_element_type3A_23 : vector<128x128xi32> to vector<128x128xf32>
    %dot_general3A_25 = arith.constant dense<0.000000e+00> : vector<128x8xf32>
    %dot_general3A_26 = tpu.matmul %convert_element_type3A_24, %convert_element_type3A_20, %dot_general3A_25 {dimension_numbers = #tpu.dot_dimension_numbers<[1], [0], [0], [1], [0, 0, 1, 1], [], []>, transpose_lhs_hint = false} : vector<128x128xf32>, vector<128x8xf32>, vector<128x8xf32> -> vector<128x8xf32>
    %eq3A = arith.constant 0 : i32
    %eq3A_27 = arith.cmpi eq, %arg0, %eq3A : i32
    %broadcast_in_dim3A = arith.constant 0.000000e+00 : f32
    %broadcast_in_dim3A_28 = vector.broadcast %broadcast_in_dim3A : f32 to vector<1x8xf32>
    %get3A_29 = arith.constant 0 : index
    %get3A_30 = arith.constant 0 : index
    %get3A_31 = vector.load %arg9[%get3A_29, %get3A_30] : memref<1x8xf32, #tpu.memory_space<vmem>>, vector<1x8xf32>
    %select_n3A = arith.select %eq3A_27, %broadcast_in_dim3A_28, %get3A_31 : vector<1x8xf32>
    %sub3A = arith.subf %dot_general3A_26, %convert_element_type3A_20 : vector<128x8xf32>
    %add3A = vector.broadcast %select_n3A : vector<1x8xf32> to vector<128x8xf32>
    %add3A_32 = arith.addf %sub3A, %add3A : vector<128x8xf32>
    %reduce_sum3A = arith.constant dense<0.000000e+00> : vector<8xf32>
    %reduce_sum3A_33 = vector.multi_reduction <add>, %convert_element_type3A_20, %reduce_sum3A [0] : vector<128x8xf32> to vector<8xf32>
    %broadcast_in_dim3A_34 = vector.shape_cast %reduce_sum3A_33 : vector<8xf32> to vector<1x8xf32>
    %add3A_35 = arith.addf %select_n3A, %broadcast_in_dim3A_34 : vector<1x8xf32>
    %swap3A_36 = arith.constant 0 : index
    %swap3A_37 = arith.constant 0 : index
    %swap3A_38 = vector.load %arg9[%swap3A_36, %swap3A_37] : memref<1x8xf32, #tpu.memory_space<vmem>>, vector<1x8xf32>
    tpu.vector_store %arg9[%swap3A_36, %swap3A_37], %add3A_35 {strides = array<i32>} : memref<1x8xf32, #tpu.memory_space<vmem>>, vector<1x8xf32>,
    %add3A_39 = vector.broadcast %dot_general3A_13 : vector<1x8xf32> to vector<128x8xf32>
    %add3A_40 = arith.addf %add3A_39, %add3A_32 : vector<128x8xf32>
    %gt3A_41 = arith.constant 0.000000e+00 : f32
    %gt3A_42 = vector.broadcast %gt3A_41 : f32 to vector<128x8xf32>
    %gt3A_43 = arith.cmpf ogt, %convert_element_type3A_20, %gt3A_42 : vector<128x8xf32>
    %jit3A = arith.constant 1.000000e+09 : f32
    %broadcast_in_dim3A_44 = vector.broadcast %jit3A : f32 to vector<128x8xf32>
    %select_n3A_45 = arith.select %gt3A_43, %add3A_40, %broadcast_in_dim3A_44 : vector<128x8xi1>, vector<128x8xf32>
    %reduce_min3A = arith.constant dense<0x7F800000> : vector<128xf32>
    %reduce_min3A_46 = vector.multi_reduction <minimumf>, %select_n3A_45, %reduce_min3A [1] : vector<128x8xf32> to vector<128xf32>
    %broadcast_in_dim3A_47 = vector.shape_cast %reduce_min3A_46 : vector<128xf32> to vector<128x1xf32>
    %gt3A_48 = arith.constant 0.000000e+00 : f32
    %gt3A_49 = vector.broadcast %gt3A_48 : f32 to vector<128x8xf32>
    %gt3A_50 = arith.cmpf ogt, %convert_element_type3A_20, %gt3A_49 : vector<128x8xf32>
    %jit3A_51 = arith.constant -1.000000e+00 : f32
    %broadcast_in_dim3A_52 = vector.broadcast %jit3A_51 : f32 to vector<128x8xf32>
    %select_n3A_53 = arith.select %gt3A_50, %add3A_40, %broadcast_in_dim3A_52 : vector<128x8xi1>, vector<128x8xf32>
    %reduce_max3A = arith.constant dense<0xFF800000> : vector<128xf32>
    %reduce_max3A_54 = vector.multi_reduction <maximumf>, %select_n3A_53, %reduce_max3A [1] : vector<128x8xf32> to vector<128xf32>
    %broadcast_in_dim3A_55 = vector.shape_cast %reduce_max3A_54 : vector<128xf32> to vector<128x1xf32>
    %concatenate3A = tpu.concatenate %broadcast_in_dim3A_47, %broadcast_in_dim3A_55 in 1 : vector<128x1xf32>, vector<128x1xf32> -> vector<128x2xf32>
    %convert_element_type3A_56 = arith.fptosi %concatenate3A : vector<128x2xf32> to vector<128x2xi32>
    %swap3A_57 = arith.constant 0 : index
    %swap3A_58 = arith.constant 0 : index
    %swap3A_59 = vector.load %arg4[%swap3A_57, %swap3A_58] : memref<128x2xi32, #tpu.memory_space<vmem>>, vector<128x2xi32>
    tpu.vector_store %arg4[%swap3A_57, %swap3A_58], %convert_element_type3A_56 {strides = array<i32>} : memref<128x2xi32, #tpu.memory_space<vmem>>, vector<128x2xi32>,
    %eq3A_60 = vector.broadcast %broadcast_in_dim3A_47 : vector<128x1xf32> to vector<128x8xf32>
    %eq3A_61 = arith.cmpf oeq, %select_n3A_45, %eq3A_60 : vector<128x8xf32>
    %jit3A_62 = arith.constant 0.000000e+00 : f32
    %broadcast_in_dim3A_63 = vector.broadcast %jit3A_62 : f32 to vector<128x8xf32>
    %select_n3A_64 = arith.select %eq3A_61, %get3A_16, %broadcast_in_dim3A_63 : vector<128x8xi1>, vector<128x8xf32>
    %reduce_sum3A_65 = arith.constant dense<0.000000e+00> : vector<128xf32>
    %reduce_sum3A_66 = vector.multi_reduction <add>, %select_n3A_64, %reduce_sum3A_65 [1] : vector<128x8xf32> to vector<128xf32>
    %broadcast_in_dim3A_67 = vector.shape_cast %reduce_sum3A_66 : vector<128xf32> to vector<128x1xf32>
    %eq3A_68 = vector.broadcast %broadcast_in_dim3A_55 : vector<128x1xf32> to vector<128x8xf32>
    %eq3A_69 = arith.cmpf oeq, %select_n3A_53, %eq3A_68 : vector<128x8xf32>
    %jit3A_70 = arith.constant 0.000000e+00 : f32
    %broadcast_in_dim3A_71 = vector.broadcast %jit3A_70 : f32 to vector<128x8xf32>
    %select_n3A_72 = arith.select %eq3A_69, %get3A_16, %broadcast_in_dim3A_71 : vector<128x8xi1>, vector<128x8xf32>
    %reduce_sum3A_73 = arith.constant dense<0.000000e+00> : vector<128xf32>
    %reduce_sum3A_74 = vector.multi_reduction <add>, %select_n3A_72, %reduce_sum3A_73 [1] : vector<128x8xf32> to vector<128xf32>
    %broadcast_in_dim3A_75 = vector.shape_cast %reduce_sum3A_74 : vector<128xf32> to vector<128x1xf32>
    %concatenate3A_76 = tpu.concatenate %broadcast_in_dim3A_67, %broadcast_in_dim3A_75 in 1 : vector<128x1xf32>, vector<128x1xf32> -> vector<128x2xf32>
    %swap3A_77 = arith.constant 0 : index
    %swap3A_78 = arith.constant 0 : index
    %swap3A_79 = vector.load %arg5[%swap3A_77, %swap3A_78] : memref<128x2xf32, #tpu.memory_space<vmem>>, vector<128x2xf32>
    tpu.vector_store %arg5[%swap3A_77, %swap3A_78], %concatenate3A_76 {strides = array<i32>} : memref<128x2xf32, #tpu.memory_space<vmem>>, vector<128x2xf32>,
    %eq3A_80 = arith.constant 0 : i32
    %eq3A_81 = arith.cmpi eq, %arg0, %eq3A_80 : i32
    %convert_element_type3A_82 = arith.extui %eq3A_81 : i1 to i32
    %cond3A = arith.constant 0 : i32
    %cond3A_83 = arith.cmpi ne, %convert_element_type3A_82, %cond3A : i32
    scf.if %cond3A_83 {
      %div3A_84 = arith.constant 5.120000e+02 : f32
      %div3A_85 = vector.broadcast %div3A_84 : f32 to vector<1x8xf32>
      %div3A_86 = arith.divf %mul3A_10, %div3A_85 : vector<1x8xf32>
      %convert_element_type3A_87 = arith.fptosi %div3A_86 : vector<1x8xf32> to vector<1x8xi32>
      %swap3A_88 = arith.constant 0 : index
      %swap3A_89 = arith.constant 0 : index
      %swap3A_90 = vector.load %arg6[%swap3A_88, %swap3A_89] : memref<1x8xi32, #tpu.memory_space<vmem>>, vector<1x8xi32>
      tpu.vector_store %arg6[%swap3A_88, %swap3A_89], %convert_element_type3A_87 {strides = array<i32>} : memref<1x8xi32, #tpu.memory_space<vmem>>, vector<1x8xi32>,
      %div3A_91 = arith.constant 5.120000e+02 : f32
      %div3A_92 = vector.broadcast %div3A_91 : f32 to vector<1x8xf32>
      %div3A_93 = arith.divf %dot_general3A_13, %div3A_92 : vector<1x8xf32>
      %convert_element_type3A_94 = arith.fptosi %div3A_93 : vector<1x8xf32> to vector<1x8xi32>
      %swap3A_95 = arith.constant 0 : index
      %swap3A_96 = arith.constant 0 : index
      %swap3A_97 = vector.load %arg7[%swap3A_95, %swap3A_96] : memref<1x8xi32, #tpu.memory_space<vmem>>, vector<1x8xi32>
      tpu.vector_store %arg7[%swap3A_95, %swap3A_96], %convert_element_type3A_94 {strides = array<i32>} : memref<1x8xi32, #tpu.memory_space<vmem>>, vector<1x8xi32>,
    } else {
    }
    return
  }
  func.func @transform_0(%arg0: i32) -> (i32, i32) {
    %c0_i32 = arith.constant 0 : i32
    %c0_i32_0 = arith.constant 0 : i32
    %c0_i32_1 = arith.constant 0 : i32
    return %c0_i32, %c0_i32_0 : i32, i32
  }
  func.func @transform_1(%arg0: i32) -> (i32, i32) {
    %c0_i32 = arith.constant 0 : i32
    %c0_i32_0 = arith.constant 0 : i32
    return %arg0, %c0_i32 : i32, i32
  }
  func.func @transform_2(%arg0: i32) -> (i32, i32) {
    %c0_i32 = arith.constant 0 : i32
    %c0_i32_0 = arith.constant 0 : i32
    return %arg0, %c0_i32 : i32, i32
  }
  func.func @transform_3(%arg0: i32) -> (i32, i32) {
    %c0_i32 = arith.constant 0 : i32
    %c0_i32_0 = arith.constant 0 : i32
    return %arg0, %c0_i32 : i32, i32
  }
  func.func @transform_4(%arg0: i32) -> (i32, i32) {
    %c0_i32 = arith.constant 0 : i32
    %c0_i32_0 = arith.constant 0 : i32
    return %arg0, %c0_i32 : i32, i32
  }
  func.func @transform_5(%arg0: i32) -> (i32, i32) {
    %c0_i32 = arith.constant 0 : i32
    %c0_i32_0 = arith.constant 0 : i32
    %c0_i32_1 = arith.constant 0 : i32
    return %c0_i32, %c0_i32_0 : i32, i32
  }
  func.func @transform_6(%arg0: i32) -> (i32, i32) {
    %c0_i32 = arith.constant 0 : i32
    %c0_i32_0 = arith.constant 0 : i32
    %c0_i32_1 = arith.constant 0 : i32
    return %c0_i32, %c0_i32_0 : i32, i32
  }
  func.func @transform_7(%arg0: i32) -> (i32, i32) {
    %c0_i32 = arith.constant 0 : i32
    %c0_i32_0 = arith.constant 0 : i32
    return %arg0, %c0_i32 : i32, i32
  }
}

module attributes {stable_mosaic.version = 14 : i64} {
  func.func @_gate_body(%arg0: i32, %arg1: memref<512x1024xf32, #tpu.memory_space<vmem>>, %arg2: memref<1024x1024xf32, #tpu.memory_space<vmem>>, %arg3: memref<1x1024xf32, #tpu.memory_space<vmem>>, %arg4: memref<1024x1024xf32, #tpu.memory_space<vmem>>, %arg5: memref<1x1024xf32, #tpu.memory_space<vmem>>, %arg6: memref<1024x8xf32, #tpu.memory_space<vmem>>, %arg7: memref<1x8xf32, #tpu.memory_space<vmem>>, %arg8: memref<512x8xf32, #tpu.memory_space<vmem>>, %arg9: memref<512x8xf32, #tpu.memory_space<vmem>>, %arg10: memref<1x8xf32, #tpu.memory_space<vmem>>, %arg11: memref<1x8xf32, #tpu.memory_space<vmem>>, %arg12: memref<1x1xf32, #tpu.memory_space<vmem>>) attributes {dimension_semantics = [#tpu.dimension_semantics<arbitrary>], iteration_bounds = array<i64: 4>, scalar_prefetch = 0 : i64, scratch_operands = 0 : i64, tpu.core_type = #tpu.core_type<tc>, window_params = [{transform_indices = @transform_0, window_bounds = array<i64: 512, 1024>}, {pipeline_mode = #tpu.pipeline_mode<synchronous>, transform_indices = @transform_1, window_bounds = array<i64: 1024, 1024>}, {pipeline_mode = #tpu.pipeline_mode<synchronous>, transform_indices = @transform_2, window_bounds = array<i64: 1, 1024>}, {pipeline_mode = #tpu.pipeline_mode<synchronous>, transform_indices = @transform_3, window_bounds = array<i64: 1024, 1024>}, {pipeline_mode = #tpu.pipeline_mode<synchronous>, transform_indices = @transform_4, window_bounds = array<i64: 1, 1024>}, {pipeline_mode = #tpu.pipeline_mode<synchronous>, transform_indices = @transform_5, window_bounds = array<i64: 1024, 8>}, {pipeline_mode = #tpu.pipeline_mode<synchronous>, transform_indices = @transform_6, window_bounds = array<i64: 1, 8>}, {transform_indices = @transform_7, window_bounds = array<i64: 512, 8>}, {transform_indices = @transform_8, window_bounds = array<i64: 512, 8>}, {pipeline_mode = #tpu.pipeline_mode<synchronous>, transform_indices = @transform_9, window_bounds = array<i64: 1, 8>}, {pipeline_mode = #tpu.pipeline_mode<synchronous>, transform_indices = @transform_10, window_bounds = array<i64: 1, 8>}, {pipeline_mode = #tpu.pipeline_mode<synchronous>, transform_indices = @transform_11, window_bounds = array<i64: 1, 1>}]} {
    %get3A = arith.constant 0 : index
    %get3A_0 = arith.constant 0 : index
    %get3A_1 = vector.load %arg1[%get3A, %get3A_0] : memref<512x1024xf32, #tpu.memory_space<vmem>>, vector<512x1024xf32>
    %get3A_2 = arith.constant 0 : index
    %get3A_3 = arith.constant 0 : index
    %get3A_4 = vector.load %arg2[%get3A_2, %get3A_3] : memref<1024x1024xf32, #tpu.memory_space<vmem>>, vector<1024x1024xf32>
    %dot_general3A = arith.constant dense<0.000000e+00> : vector<512x1024xf32>
    %dot_general3A_5 = tpu.matmul %get3A_1, %get3A_4, %dot_general3A {dimension_numbers = #tpu.dot_dimension_numbers<[1], [0], [0], [1], [0, 0, 1, 1], [], []>, transpose_lhs_hint = false} : vector<512x1024xf32>, vector<1024x1024xf32>, vector<512x1024xf32> -> vector<512x1024xf32>
    %get3A_6 = arith.constant 0 : index
    %get3A_7 = arith.constant 0 : index
    %get3A_8 = vector.load %arg3[%get3A_6, %get3A_7] : memref<1x1024xf32, #tpu.memory_space<vmem>>, vector<1x1024xf32>
    %add3A = vector.broadcast %get3A_8 : vector<1x1024xf32> to vector<512x1024xf32>
    %add3A_9 = arith.addf %dot_general3A_5, %add3A : vector<512x1024xf32>
    %get3A_10 = arith.constant 0 : index
    %get3A_11 = arith.constant 0 : index
    %get3A_12 = vector.load %arg4[%get3A_10, %get3A_11] : memref<1024x1024xf32, #tpu.memory_space<vmem>>, vector<1024x1024xf32>
    %dot_general3A_13 = arith.constant dense<0.000000e+00> : vector<512x1024xf32>
    %dot_general3A_14 = tpu.matmul %add3A_9, %get3A_12, %dot_general3A_13 {dimension_numbers = #tpu.dot_dimension_numbers<[1], [0], [0], [1], [0, 0, 1, 1], [], []>, transpose_lhs_hint = false} : vector<512x1024xf32>, vector<1024x1024xf32>, vector<512x1024xf32> -> vector<512x1024xf32>
    %get3A_15 = arith.constant 0 : index
    %get3A_16 = arith.constant 0 : index
    %get3A_17 = vector.load %arg5[%get3A_15, %get3A_16] : memref<1x1024xf32, #tpu.memory_space<vmem>>, vector<1x1024xf32>
    %add3A_18 = vector.broadcast %get3A_17 : vector<1x1024xf32> to vector<512x1024xf32>
    %add3A_19 = arith.addf %dot_general3A_14, %add3A_18 : vector<512x1024xf32>
    %get3A_20 = arith.constant 0 : index
    %get3A_21 = arith.constant 0 : index
    %get3A_22 = vector.load %arg6[%get3A_20, %get3A_21] : memref<1024x8xf32, #tpu.memory_space<vmem>>, vector<1024x8xf32>
    %dot_general3A_23 = arith.constant dense<0.000000e+00> : vector<512x8xf32>
    %dot_general3A_24 = tpu.matmul %add3A_19, %get3A_22, %dot_general3A_23 {dimension_numbers = #tpu.dot_dimension_numbers<[1], [0], [0], [1], [0, 0, 1, 1], [], []>, transpose_lhs_hint = false} : vector<512x1024xf32>, vector<1024x8xf32>, vector<512x8xf32> -> vector<512x8xf32>
    %get3A_25 = arith.constant 0 : index
    %get3A_26 = arith.constant 0 : index
    %get3A_27 = vector.load %arg7[%get3A_25, %get3A_26] : memref<1x8xf32, #tpu.memory_space<vmem>>, vector<1x8xf32>
    %add3A_28 = vector.broadcast %get3A_27 : vector<1x8xf32> to vector<512x8xf32>
    %add3A_29 = arith.addf %dot_general3A_24, %add3A_28 : vector<512x8xf32>
    %reduce_max3A = arith.constant dense<0xFF800000> : vector<512xf32>
    %reduce_max3A_30 = vector.multi_reduction <maximumf>, %add3A_29, %reduce_max3A [1] : vector<512x8xf32> to vector<512xf32>
    %broadcast_in_dim3A = vector.shape_cast %reduce_max3A_30 : vector<512xf32> to vector<512x1xf32>
    %sub3A = vector.broadcast %broadcast_in_dim3A : vector<512x1xf32> to vector<512x8xf32>
    %sub3A_31 = arith.subf %add3A_29, %sub3A : vector<512x8xf32>
    %exp3A = math.exp %sub3A_31 : vector<512x8xf32>
    %reduce_sum3A = arith.constant dense<0.000000e+00> : vector<512xf32>
    %reduce_sum3A_32 = vector.multi_reduction <add>, %exp3A, %reduce_sum3A [1] : vector<512x8xf32> to vector<512xf32>
    %broadcast_in_dim3A_33 = vector.shape_cast %reduce_sum3A_32 : vector<512xf32> to vector<512x1xf32>
    %div3A = vector.broadcast %broadcast_in_dim3A_33 : vector<512x1xf32> to vector<512x8xf32>
    %div3A_34 = arith.divf %exp3A, %div3A : vector<512x8xf32>
    %swap3A = arith.constant 0 : index
    %swap3A_35 = arith.constant 0 : index
    %swap3A_36 = vector.load %arg8[%swap3A, %swap3A_35] : memref<512x8xf32, #tpu.memory_space<vmem>>, vector<512x8xf32>
    tpu.vector_store %arg8[%swap3A, %swap3A_35], %div3A_34 {strides = array<i32>} : memref<512x8xf32, #tpu.memory_space<vmem>>, vector<512x8xf32>,
    %iota3A = tpu.iota {dimensions = array<i32: 1>} : vector<512x8xi32>
    %reduce_max3A_37 = arith.constant dense<0xFF800000> : vector<512xf32>
    %reduce_max3A_38 = vector.multi_reduction <maximumf>, %div3A_34, %reduce_max3A_37 [1] : vector<512x8xf32> to vector<512xf32>
    %broadcast_in_dim3A_39 = vector.shape_cast %reduce_max3A_38 : vector<512xf32> to vector<512x1xf32>
    %argmax3A = tpu.reduce_index %div3A_34 {axis = 1 : i32, kind = #tpu.reduction_kind<arg_max>} : vector<512x8xf32> -> vector<512xi32>
    %broadcast_in_dim3A_40 = vector.shape_cast %argmax3A : vector<512xi32> to vector<512x1xi32>
    %eq3A = vector.broadcast %broadcast_in_dim3A_40 : vector<512x1xi32> to vector<512x8xi32>
    %eq3A_41 = arith.cmpi eq, %iota3A, %eq3A : vector<512x8xi32>
    %jit3A = arith.constant 0xFF800000 : f32
    %broadcast_in_dim3A_42 = vector.broadcast %jit3A : f32 to vector<512x8xf32>
    %select_n3A = arith.select %eq3A_41, %broadcast_in_dim3A_42, %div3A_34 : vector<512x8xi1>, vector<512x8xf32>
    %reduce_max3A_43 = arith.constant dense<0xFF800000> : vector<512xf32>
    %reduce_max3A_44 = vector.multi_reduction <maximumf>, %select_n3A, %reduce_max3A_43 [1] : vector<512x8xf32> to vector<512xf32>
    %broadcast_in_dim3A_45 = vector.shape_cast %reduce_max3A_44 : vector<512xf32> to vector<512x1xf32>
    %argmax3A_46 = tpu.reduce_index %select_n3A {axis = 1 : i32, kind = #tpu.reduction_kind<arg_max>} : vector<512x8xf32> -> vector<512xi32>
    %broadcast_in_dim3A_47 = vector.shape_cast %argmax3A_46 : vector<512xi32> to vector<512x1xi32>
    %eq3A_48 = vector.broadcast %broadcast_in_dim3A_47 : vector<512x1xi32> to vector<512x8xi32>
    %eq3A_49 = arith.cmpi eq, %iota3A, %eq3A_48 : vector<512x8xi32>
    %sub3A_50 = arith.subf %broadcast_in_dim3A_45, %broadcast_in_dim3A_39 : vector<512x1xf32>
    %exp3A_51 = math.exp %sub3A_50 : vector<512x1xf32>
    %add3A_52 = arith.constant 1.000000e+00 : f32
    %add3A_53 = vector.broadcast %add3A_52 : f32 to vector<512x1xf32>
    %add3A_54 = arith.addf %add3A_53, %exp3A_51 : vector<512x1xf32>
    %div3A_55 = arith.constant 1.000000e+00 : f32
    %div3A_56 = vector.broadcast %div3A_55 : f32 to vector<512x1xf32>
    %div3A_57 = arith.divf %div3A_56, %add3A_54 : vector<512x1xf32>
    %add3A_58 = arith.constant 1.000000e+00 : f32
    %add3A_59 = vector.broadcast %add3A_58 : f32 to vector<512x1xf32>
    %add3A_60 = arith.addf %add3A_59, %exp3A_51 : vector<512x1xf32>
    %div3A_61 = arith.divf %exp3A_51, %add3A_60 : vector<512x1xf32>
    %jit3A_62 = arith.constant 0.000000e+00 : f32
    %broadcast_in_dim3A_63 = vector.shape_cast %div3A_57 : vector<512x1xf32> to vector<512x1xf32>
    %broadcast_in_dim3A_64 = vector.broadcast %broadcast_in_dim3A_63 : vector<512x1xf32> to vector<512x8xf32>
    %broadcast_in_dim3A_65 = vector.broadcast %jit3A_62 : f32 to vector<512x8xf32>
    %select_n3A_66 = arith.select %eq3A_41, %broadcast_in_dim3A_64, %broadcast_in_dim3A_65 : vector<512x8xi1>, vector<512x8xf32>
    %jit3A_67 = arith.constant 0.000000e+00 : f32
    %broadcast_in_dim3A_68 = vector.shape_cast %div3A_61 : vector<512x1xf32> to vector<512x1xf32>
    %broadcast_in_dim3A_69 = vector.broadcast %broadcast_in_dim3A_68 : vector<512x1xf32> to vector<512x8xf32>
    %broadcast_in_dim3A_70 = vector.broadcast %jit3A_67 : f32 to vector<512x8xf32>
    %select_n3A_71 = arith.select %eq3A_49, %broadcast_in_dim3A_69, %broadcast_in_dim3A_70 : vector<512x8xi1>, vector<512x8xf32>
    %add3A_72 = arith.addf %select_n3A_66, %select_n3A_71 : vector<512x8xf32>
    %swap3A_73 = arith.constant 0 : index
    %swap3A_74 = arith.constant 0 : index
    %swap3A_75 = vector.load %arg9[%swap3A_73, %swap3A_74] : memref<512x8xf32, #tpu.memory_space<vmem>>, vector<512x8xf32>
    tpu.vector_store %arg9[%swap3A_73, %swap3A_74], %add3A_72 {strides = array<i32>} : memref<512x8xf32, #tpu.memory_space<vmem>>, vector<512x8xf32>,
    %eq3A_76 = arith.constant 0 : i32
    %eq3A_77 = arith.cmpi eq, %arg0, %eq3A_76 : i32
    %convert_element_type3A = arith.extui %eq3A_77 : i1 to i32
    %cond3A = arith.constant 0 : i32
    %cond3A_78 = arith.cmpi ne, %convert_element_type3A, %cond3A : i32
    scf.if %cond3A_78 {
      %broadcast_in_dim3A_106 = arith.constant 0.000000e+00 : f32
      %broadcast_in_dim3A_107 = vector.broadcast %broadcast_in_dim3A_106 : f32 to vector<1x8xf32>
      %swap3A_108 = arith.constant 0 : index
      %swap3A_109 = arith.constant 0 : index
      %swap3A_110 = vector.load %arg10[%swap3A_108, %swap3A_109] : memref<1x8xf32, #tpu.memory_space<vmem>>, vector<1x8xf32>
      tpu.vector_store %arg10[%swap3A_108, %swap3A_109], %broadcast_in_dim3A_107 {strides = array<i32>} : memref<1x8xf32, #tpu.memory_space<vmem>>, vector<1x8xf32>,
      %broadcast_in_dim3A_111 = arith.constant 0.000000e+00 : f32
      %broadcast_in_dim3A_112 = vector.broadcast %broadcast_in_dim3A_111 : f32 to vector<1x8xf32>
      %swap3A_113 = arith.constant 0 : index
      %swap3A_114 = arith.constant 0 : index
      %swap3A_115 = vector.load %arg11[%swap3A_113, %swap3A_114] : memref<1x8xf32, #tpu.memory_space<vmem>>, vector<1x8xf32>
      tpu.vector_store %arg11[%swap3A_113, %swap3A_114], %broadcast_in_dim3A_112 {strides = array<i32>} : memref<1x8xf32, #tpu.memory_space<vmem>>, vector<1x8xf32>,
    } else {
    }
    %get3A_79 = arith.constant 0 : index
    %get3A_80 = arith.constant 0 : index
    %get3A_81 = vector.load %arg10[%get3A_79, %get3A_80] : memref<1x8xf32, #tpu.memory_space<vmem>>, vector<1x8xf32>
    %or3A = arith.ori %eq3A_41, %eq3A_49 : vector<512x8xi1>
    %convert_element_type3A_82 = arith.extui %or3A : vector<512x8xi1> to vector<512x8xi32>
    %convert_element_type3A_83 = arith.sitofp %convert_element_type3A_82 : vector<512x8xi32> to vector<512x8xf32>
    %reduce_sum3A_84 = arith.constant dense<0.000000e+00> : vector<8xf32>
    %reduce_sum3A_85 = vector.multi_reduction <add>, %convert_element_type3A_83, %reduce_sum3A_84 [0] : vector<512x8xf32> to vector<8xf32>
    %broadcast_in_dim3A_86 = vector.shape_cast %reduce_sum3A_85 : vector<8xf32> to vector<1x8xf32>
    %add3A_87 = arith.addf %get3A_81, %broadcast_in_dim3A_86 : vector<1x8xf32>
    %swap3A_88 = arith.constant 0 : index
    %swap3A_89 = arith.constant 0 : index
    %swap3A_90 = vector.load %arg10[%swap3A_88, %swap3A_89] : memref<1x8xf32, #tpu.memory_space<vmem>>, vector<1x8xf32>
    tpu.vector_store %arg10[%swap3A_88, %swap3A_89], %add3A_87 {strides = array<i32>} : memref<1x8xf32, #tpu.memory_space<vmem>>, vector<1x8xf32>,
    %get3A_91 = arith.constant 0 : index
    %get3A_92 = arith.constant 0 : index
    %get3A_93 = vector.load %arg11[%get3A_91, %get3A_92] : memref<1x8xf32, #tpu.memory_space<vmem>>, vector<1x8xf32>
    %reduce_sum3A_94 = arith.constant dense<0.000000e+00> : vector<8xf32>
    %reduce_sum3A_95 = vector.multi_reduction <add>, %div3A_34, %reduce_sum3A_94 [0] : vector<512x8xf32> to vector<8xf32>
    %broadcast_in_dim3A_96 = vector.shape_cast %reduce_sum3A_95 : vector<8xf32> to vector<1x8xf32>
    %add3A_97 = arith.addf %get3A_93, %broadcast_in_dim3A_96 : vector<1x8xf32>
    %swap3A_98 = arith.constant 0 : index
    %swap3A_99 = arith.constant 0 : index
    %swap3A_100 = vector.load %arg11[%swap3A_98, %swap3A_99] : memref<1x8xf32, #tpu.memory_space<vmem>>, vector<1x8xf32>
    tpu.vector_store %arg11[%swap3A_98, %swap3A_99], %add3A_97 {strides = array<i32>} : memref<1x8xf32, #tpu.memory_space<vmem>>, vector<1x8xf32>,
    %eq3A_101 = arith.constant 3 : i32
    %eq3A_102 = arith.cmpi eq, %arg0, %eq3A_101 : i32
    %convert_element_type3A_103 = arith.extui %eq3A_102 : i1 to i32
    %cond3A_104 = arith.constant 0 : i32
    %cond3A_105 = arith.cmpi ne, %convert_element_type3A_103, %cond3A_104 : i32
    scf.if %cond3A_105 {
      %get3A_106 = arith.constant 0 : index
      %get3A_107 = arith.constant 0 : index
      %get3A_108 = vector.load %arg11[%get3A_106, %get3A_107] : memref<1x8xf32, #tpu.memory_space<vmem>>, vector<1x8xf32>
      %get3A_109 = vector.shape_cast %get3A_108 : vector<1x8xf32> to vector<8xf32>
      %reduce_sum3A_110 = vector.shape_cast %get3A_109 : vector<8xf32> to vector<1x8xf32>
      %reduce_sum3A_111 = arith.constant dense<0.000000e+00> : vector<1xf32>
      %reduce_sum3A_112 = vector.multi_reduction <add>, %reduce_sum3A_110, %reduce_sum3A_111 [1] : vector<1x8xf32> to vector<1xf32>
      %reduce_sum3A_113 = vector.shape_cast %reduce_sum3A_112 : vector<1xf32> to vector<1x1xf32>
      %reduce_sum3A_114 = vector.extract %reduce_sum3A_113[0, 0] : f32 from vector<1x1xf32>
      %div3A_115 = arith.constant 8.000000e+00 : f32
      %div3A_116 = arith.divf %reduce_sum3A_114, %div3A_115 : f32
      %sub3A_117 = vector.broadcast %div3A_116 : f32 to vector<8xf32>
      %sub3A_118 = arith.subf %get3A_109, %sub3A_117 : vector<8xf32>
      %integer_pow3A = arith.mulf %sub3A_118, %sub3A_118 : vector<8xf32>
      %reduce_sum3A_119 = vector.shape_cast %integer_pow3A : vector<8xf32> to vector<1x8xf32>
      %reduce_sum3A_120 = arith.constant dense<0.000000e+00> : vector<1xf32>
      %reduce_sum3A_121 = vector.multi_reduction <add>, %reduce_sum3A_119, %reduce_sum3A_120 [1] : vector<1x8xf32> to vector<1xf32>
      %reduce_sum3A_122 = vector.shape_cast %reduce_sum3A_121 : vector<1xf32> to vector<1x1xf32>
      %reduce_sum3A_123 = vector.extract %reduce_sum3A_122[0, 0] : f32 from vector<1x1xf32>
      %div3A_124 = arith.constant 7.000000e+00 : f32
      %div3A_125 = arith.divf %reduce_sum3A_123, %div3A_124 : f32
      %mul3A = arith.constant 0.00999999977 : f32
      %mul3A_126 = arith.mulf %mul3A, %div3A_125 : f32
      %mul3A_127 = arith.mulf %div3A_116, %div3A_116 : f32
      %div3A_128 = arith.divf %mul3A_126, %mul3A_127 : f32
      %broadcast_in_dim3A_129 = vector.broadcast %div3A_128 : f32 to vector<1x1xf32>
      %swap3A_130 = arith.constant 0 : index
      %swap3A_131 = arith.constant 0 : index
      %swap3A_132 = vector.load %arg12[%swap3A_130, %swap3A_131] : memref<1x1xf32, #tpu.memory_space<vmem>>, vector<1x1xf32>
      tpu.vector_store %arg12[%swap3A_130, %swap3A_131], %broadcast_in_dim3A_129 {strides = array<i32>} : memref<1x1xf32, #tpu.memory_space<vmem>>, vector<1x1xf32>,
    } else {
    }
    return
  }
  func.func @transform_0(%arg0: i32) -> (i32, i32) {
    %c0_i32 = arith.constant 0 : i32
    %c0_i32_0 = arith.constant 0 : i32
    return %arg0, %c0_i32 : i32, i32
  }
  func.func @transform_1(%arg0: i32) -> (i32, i32) {
    %c0_i32 = arith.constant 0 : i32
    %c0_i32_0 = arith.constant 0 : i32
    %c0_i32_1 = arith.constant 0 : i32
    return %c0_i32, %c0_i32_0 : i32, i32
  }
  func.func @transform_2(%arg0: i32) -> (i32, i32) {
    %c0_i32 = arith.constant 0 : i32
    %c0_i32_0 = arith.constant 0 : i32
    %c0_i32_1 = arith.constant 0 : i32
    return %c0_i32, %c0_i32_0 : i32, i32
  }
  func.func @transform_3(%arg0: i32) -> (i32, i32) {
    %c0_i32 = arith.constant 0 : i32
    %c0_i32_0 = arith.constant 0 : i32
    %c0_i32_1 = arith.constant 0 : i32
    return %c0_i32, %c0_i32_0 : i32, i32
  }
  func.func @transform_4(%arg0: i32) -> (i32, i32) {
    %c0_i32 = arith.constant 0 : i32
    %c0_i32_0 = arith.constant 0 : i32
    %c0_i32_1 = arith.constant 0 : i32
    return %c0_i32, %c0_i32_0 : i32, i32
  }
  func.func @transform_5(%arg0: i32) -> (i32, i32) {
    %c0_i32 = arith.constant 0 : i32
    %c0_i32_0 = arith.constant 0 : i32
    %c0_i32_1 = arith.constant 0 : i32
    return %c0_i32, %c0_i32_0 : i32, i32
  }
  func.func @transform_6(%arg0: i32) -> (i32, i32) {
    %c0_i32 = arith.constant 0 : i32
    %c0_i32_0 = arith.constant 0 : i32
    %c0_i32_1 = arith.constant 0 : i32
    return %c0_i32, %c0_i32_0 : i32, i32
  }
  func.func @transform_7(%arg0: i32) -> (i32, i32) {
    %c0_i32 = arith.constant 0 : i32
    %c0_i32_0 = arith.constant 0 : i32
    return %arg0, %c0_i32 : i32, i32
  }
  func.func @transform_8(%arg0: i32) -> (i32, i32) {
    %c0_i32 = arith.constant 0 : i32
    %c0_i32_0 = arith.constant 0 : i32
    return %arg0, %c0_i32 : i32, i32
  }
  func.func @transform_9(%arg0: i32) -> (i32, i32) {
    %c0_i32 = arith.constant 0 : i32
    %c0_i32_0 = arith.constant 0 : i32
    %c0_i32_1 = arith.constant 0 : i32
    return %c0_i32, %c0_i32_0 : i32, i32
  }
  func.func @transform_10(%arg0: i32) -> (i32, i32) {
    %c0_i32 = arith.constant 0 : i32
    %c0_i32_0 = arith.constant 0 : i32
    %c0_i32_1 = arith.constant 0 : i32
    return %c0_i32, %c0_i32_0 : i32, i32
  }
  func.func @transform_11(%arg0: i32) -> (i32, i32) {
    %c0_i32 = arith.constant 0 : i32
    %c0_i32_0 = arith.constant 0 : i32
    %c0_i32_1 = arith.constant 0 : i32
    return %c0_i32, %c0_i32_0 : i32, i32
  }
}

module attributes {stable_mosaic.version = 14 : i64} {
  func.func @_gmm_body(%arg0: i32, %arg1: i32, %arg2: memref<8xi32, #tpu.memory_space<smem>>, %arg3: memref<8xi32, #tpu.memory_space<smem>>, %arg4: memref<512x1024xf32, #tpu.memory_space<vmem>>, %arg5: memref<1x1024x1024xf32, #tpu.memory_space<vmem>>, %arg6: memref<1x1x1024xf32, #tpu.memory_space<vmem>>, %arg7: memref<1x1024x1024xf32, #tpu.memory_space<vmem>>, %arg8: memref<1x1x1024xf32, #tpu.memory_space<vmem>>, %arg9: memref<512x1xf32, #tpu.memory_space<vmem>>, %arg10: memref<512x1024xf32, #tpu.memory_space<vmem>>) attributes {dimension_semantics = [#tpu.dimension_semantics<arbitrary>, #tpu.dimension_semantics<arbitrary>], iteration_bounds = array<i64: 8, 4>, scalar_prefetch = 2 : i64, scratch_operands = 0 : i64, tpu.core_type = #tpu.core_type<tc>, window_params = [{transform_indices = @transform_0, window_bounds = array<i64: 512, 1024>}, {transform_indices = @transform_1, window_bounds = array<i64: 1, 1024, 1024>}, {transform_indices = @transform_2, window_bounds = array<i64: 1, 1, 1024>}, {transform_indices = @transform_3, window_bounds = array<i64: 1, 1024, 1024>}, {transform_indices = @transform_4, window_bounds = array<i64: 1, 1, 1024>}, {transform_indices = @transform_5, window_bounds = array<i64: 512, 1>}, {transform_indices = @transform_6, window_bounds = array<i64: 512, 1024>}]} {
    %get3A = arith.index_cast %arg0 : i32 to index
    %get3A_0 = memref.load %arg2[%get3A] : memref<8xi32, #tpu.memory_space<smem>>
    %lt3A = arith.cmpi slt, %arg1, %get3A_0 : i32
    %convert_element_type3A = arith.extui %lt3A : i1 to i32
    %cond3A = arith.constant 0 : i32
    %cond3A_1 = arith.cmpi ne, %convert_element_type3A, %cond3A : i32
    scf.if %cond3A_1 {
      %get3A_2 = arith.constant 0 : index
      %get3A_3 = arith.constant 0 : index
      %get3A_4 = vector.load %arg4[%get3A_2, %get3A_3] : memref<512x1024xf32, #tpu.memory_space<vmem>>, vector<512x1024xf32>
      %get3A_5 = arith.constant 0 : index
      %get3A_6 = arith.constant 0 : index
      %get3A_7 = arith.constant 0 : index
      %get3A_8 = vector.load %arg5[%get3A_5, %get3A_6, %get3A_7] : memref<1x1024x1024xf32, #tpu.memory_space<vmem>>, vector<1x1024x1024xf32>
      %get3A_9 = vector.shape_cast %get3A_8 : vector<1x1024x1024xf32> to vector<1024x1024xf32>
      %dot_general3A = arith.constant dense<0.000000e+00> : vector<512x1024xf32>
      %dot_general3A_10 = tpu.matmul %get3A_4, %get3A_9, %dot_general3A {dimension_numbers = #tpu.dot_dimension_numbers<[1], [0], [0], [1], [0, 0, 1, 1], [], []>, transpose_lhs_hint = false} : vector<512x1024xf32>, vector<1024x1024xf32>, vector<512x1024xf32> -> vector<512x1024xf32>
      %get3A_11 = arith.constant 0 : index
      %get3A_12 = arith.constant 0 : index
      %get3A_13 = arith.constant 0 : index
      %get3A_14 = vector.load %arg6[%get3A_11, %get3A_12, %get3A_13] : memref<1x1x1024xf32, #tpu.memory_space<vmem>>, vector<1x1x1024xf32>
      %get3A_15 = vector.shape_cast %get3A_14 : vector<1x1x1024xf32> to vector<1x1024xf32>
      %add3A = vector.broadcast %get3A_15 : vector<1x1024xf32> to vector<512x1024xf32>
      %add3A_16 = arith.addf %dot_general3A_10, %add3A : vector<512x1024xf32>
      %max3A = arith.constant 0.000000e+00 : f32
      %max3A_17 = vector.broadcast %max3A : f32 to vector<512x1024xf32>
      %max3A_18 = arith.maximumf %add3A_16, %max3A_17 : vector<512x1024xf32>
      %get3A_19 = arith.constant 0 : index
      %get3A_20 = arith.constant 0 : index
      %get3A_21 = arith.constant 0 : index
      %get3A_22 = vector.load %arg7[%get3A_19, %get3A_20, %get3A_21] : memref<1x1024x1024xf32, #tpu.memory_space<vmem>>, vector<1x1024x1024xf32>
      %get3A_23 = vector.shape_cast %get3A_22 : vector<1x1024x1024xf32> to vector<1024x1024xf32>
      %dot_general3A_24 = arith.constant dense<0.000000e+00> : vector<512x1024xf32>
      %dot_general3A_25 = tpu.matmul %max3A_18, %get3A_23, %dot_general3A_24 {dimension_numbers = #tpu.dot_dimension_numbers<[1], [0], [0], [1], [0, 0, 1, 1], [], []>, transpose_lhs_hint = false} : vector<512x1024xf32>, vector<1024x1024xf32>, vector<512x1024xf32> -> vector<512x1024xf32>
      %get3A_26 = arith.constant 0 : index
      %get3A_27 = arith.constant 0 : index
      %get3A_28 = arith.constant 0 : index
      %get3A_29 = vector.load %arg8[%get3A_26, %get3A_27, %get3A_28] : memref<1x1x1024xf32, #tpu.memory_space<vmem>>, vector<1x1x1024xf32>
      %get3A_30 = vector.shape_cast %get3A_29 : vector<1x1x1024xf32> to vector<1x1024xf32>
      %add3A_31 = vector.broadcast %get3A_30 : vector<1x1024xf32> to vector<512x1024xf32>
      %add3A_32 = arith.addf %dot_general3A_25, %add3A_31 : vector<512x1024xf32>
      %get3A_33 = arith.constant 0 : index
      %get3A_34 = arith.constant 0 : index
      %get3A_35 = vector.load %arg9[%get3A_33, %get3A_34] : memref<512x1xf32, #tpu.memory_space<vmem>>, vector<512x1xf32>
      %mul3A = vector.broadcast %get3A_35 : vector<512x1xf32> to vector<512x1024xf32>
      %mul3A_36 = arith.mulf %add3A_32, %mul3A : vector<512x1024xf32>
      %swap3A = arith.constant 0 : index
      %swap3A_37 = arith.constant 0 : index
      %swap3A_38 = vector.load %arg10[%swap3A, %swap3A_37] : memref<512x1024xf32, #tpu.memory_space<vmem>>, vector<512x1024xf32>
      tpu.vector_store %arg10[%swap3A, %swap3A_37], %mul3A_36 {strides = array<i32>} : memref<512x1024xf32, #tpu.memory_space<vmem>>, vector<512x1024xf32>,
    } else {
    }
    return
  }
  func.func @transform_0(%arg0: i32, %arg1: i32, %arg2: memref<8xi32, #tpu.memory_space<smem>>, %arg3: memref<8xi32, #tpu.memory_space<smem>>) -> (i32, i32) {
    %get3A = arith.index_cast %arg0 : i32 to index
    %get3A_0 = memref.load %arg2[%get3A] : memref<8xi32, #tpu.memory_space<smem>>
    %get3A_1 = arith.index_cast %arg0 : i32 to index
    %get3A_2 = memref.load %arg3[%get3A_1] : memref<8xi32, #tpu.memory_space<smem>>
    %sub3A = arith.constant 1 : i32
    %sub3A_3 = arith.subi %get3A_0, %sub3A : i32
    %min3A = arith.minsi %arg1, %sub3A_3 : i32
    %max3A = arith.constant 0 : i32
    %max3A_4 = arith.maxsi %min3A, %max3A : i32
    %add3A = arith.addi %get3A_2, %max3A_4 : i32
    %c0_i32 = arith.constant 0 : i32
    %c0_i32_5 = arith.constant 0 : i32
    return %add3A, %c0_i32 : i32, i32
  }
  func.func @transform_1(%arg0: i32, %arg1: i32, %arg2: memref<8xi32, #tpu.memory_space<smem>>, %arg3: memref<8xi32, #tpu.memory_space<smem>>) -> (i32, i32, i32) {
    %c0_i32 = arith.constant 0 : i32
    %c0_i32_0 = arith.constant 0 : i32
    %c0_i32_1 = arith.constant 0 : i32
    return %arg0, %c0_i32, %c0_i32_0 : i32, i32, i32
  }
  func.func @transform_2(%arg0: i32, %arg1: i32, %arg2: memref<8xi32, #tpu.memory_space<smem>>, %arg3: memref<8xi32, #tpu.memory_space<smem>>) -> (i32, i32, i32) {
    %c0_i32 = arith.constant 0 : i32
    %c0_i32_0 = arith.constant 0 : i32
    %c0_i32_1 = arith.constant 0 : i32
    return %arg0, %c0_i32, %c0_i32_0 : i32, i32, i32
  }
  func.func @transform_3(%arg0: i32, %arg1: i32, %arg2: memref<8xi32, #tpu.memory_space<smem>>, %arg3: memref<8xi32, #tpu.memory_space<smem>>) -> (i32, i32, i32) {
    %c0_i32 = arith.constant 0 : i32
    %c0_i32_0 = arith.constant 0 : i32
    %c0_i32_1 = arith.constant 0 : i32
    return %arg0, %c0_i32, %c0_i32_0 : i32, i32, i32
  }
  func.func @transform_4(%arg0: i32, %arg1: i32, %arg2: memref<8xi32, #tpu.memory_space<smem>>, %arg3: memref<8xi32, #tpu.memory_space<smem>>) -> (i32, i32, i32) {
    %c0_i32 = arith.constant 0 : i32
    %c0_i32_0 = arith.constant 0 : i32
    %c0_i32_1 = arith.constant 0 : i32
    return %arg0, %c0_i32, %c0_i32_0 : i32, i32, i32
  }
  func.func @transform_5(%arg0: i32, %arg1: i32, %arg2: memref<8xi32, #tpu.memory_space<smem>>, %arg3: memref<8xi32, #tpu.memory_space<smem>>) -> (i32, i32) {
    %get3A = arith.index_cast %arg0 : i32 to index
    %get3A_0 = memref.load %arg2[%get3A] : memref<8xi32, #tpu.memory_space<smem>>
    %get3A_1 = arith.index_cast %arg0 : i32 to index
    %get3A_2 = memref.load %arg3[%get3A_1] : memref<8xi32, #tpu.memory_space<smem>>
    %sub3A = arith.constant 1 : i32
    %sub3A_3 = arith.subi %get3A_0, %sub3A : i32
    %min3A = arith.minsi %arg1, %sub3A_3 : i32
    %max3A = arith.constant 0 : i32
    %max3A_4 = arith.maxsi %min3A, %max3A : i32
    %add3A = arith.addi %get3A_2, %max3A_4 : i32
    %c0_i32 = arith.constant 0 : i32
    %c0_i32_5 = arith.constant 0 : i32
    return %add3A, %c0_i32 : i32, i32
  }
  func.func @transform_6(%arg0: i32, %arg1: i32, %arg2: memref<8xi32, #tpu.memory_space<smem>>, %arg3: memref<8xi32, #tpu.memory_space<smem>>) -> (i32, i32) {
    %get3A = arith.index_cast %arg0 : i32 to index
    %get3A_0 = memref.load %arg2[%get3A] : memref<8xi32, #tpu.memory_space<smem>>
    %get3A_1 = arith.index_cast %arg0 : i32 to index
    %get3A_2 = memref.load %arg3[%get3A_1] : memref<8xi32, #tpu.memory_space<smem>>
    %sub3A = arith.constant 1 : i32
    %sub3A_3 = arith.subi %get3A_0, %sub3A : i32
    %min3A = arith.minsi %arg1, %sub3A_3 : i32
    %max3A = arith.constant 0 : i32
    %max3A_4 = arith.maxsi %min3A, %max3A : i32
    %add3A = arith.addi %get3A_2, %max3A_4 : i32
    %c0_i32 = arith.constant 0 : i32
    %c0_i32_5 = arith.constant 0 : i32
    return %add3A, %c0_i32 : i32, i32
  }
}

</mosaic_0001>

<sc_bundles>
// kernel: kernel.11.cloned.1.call-start
scs
__scs_entry_jumppad:
0x0: {  	(pc) =	sbr.rel $0x88, $3  }
0x1: {  	(tag) =	ssettag $0x0;
	lr =	simm.s32 $0x1  }
0x2: {  	[smem:$0x3F95] =	sst lr;
	_ =	strace $0xD0000000  }
0x3: {  	_ = 	snop  }
0x4: {  	_ = 	snop  }
0x5: {  	_ = 	snop  }
0x6: {  	_ = 	snop  }
0x7: {  	_ = 	snop  }
__scs_overlays_trampoline_lowered:
0x8: {  	[smem:$0x3FA4] =	sst s0  }
0x9: {  	[smem:$0x3FA5] =	sst s1  }
0xa: {  	[smem:$0x3FA6] =	sst s2  }
0xb: {  	[smem:$0x3FA7] =	sst s3  }
0xc: {  	[smem:$0x3FA8] =	sst s4  }
0xd: {  	[smem:$0x3FA9] =	sst s5  }
0xe: {  	[smem:$0x3FAA] =	sst s6  }
0xf: {  	[smem:$0x3FAB] =	sst s7  }
0x10: {  	[smem:$0x3FAC] =	sst s8  }
0x11: {  	[smem:$0x3FAD] =	sst s9;
	s0 =	simm.s32 @!p0 $0x0  }
0x12: {  	s1 =	sld [smem:$0x3F93];
	s0 =	simm.s32 @p0 $0x1  }
0x13: {  	[smem:$0x3FAE] =	sst s0;
	s0 =	simm.s32 @!p1 $0x0  }
0x14: {  	s2 =	sld [smem:$0x3F92];
	s0 =	simm.s32 @p1 $0x1  }
0x15: {  	[smem:$0x3FAF] =	sst s0;
	s0 =	simm.s32 @!p2 $0x0  }
0x16: {  	s3 =	sld [smem:$0x3FDB];
	s0 =	simm.s32 @p2 $0x1  }
0x17: {  	s4 =	simm.s32 $0x1BF5;
	[smem:$0x3FB1] =	sst s0  }
0x18: {  	s0 =	sld [smem:$0x3F94];
	_ =	swait.ge [sflag:s4], $0x0  }
0x19: {  	s7 =	sld [smem:$0x3F95]  }
0x1a: {  	s8 =	sadd.s32 $0xFFFFE003, lr  }
0x1b: {  	s9 =	sadd.s32 $0xFFFFFEF7, lr;
	s5 =	simm.s32 $0xFFFFFFFF;
	p2 =	slt.u32 s8, $0xFFFFF086  }
0x1c: {  	p1 =	slt.u32 s9, $0xF7A;
	s5 =	simm.s32 @!p2 $0x0  }
0x1d: {  	s5 =	simm.s32 @p1 $0x1;
	p0 =	seq.s32 s7, s2  }
0x1e: {  	s7 =	smul.u32 @!p0 $0xF7A, s2;
	p2 =	seq.s32 @!p0 s5, $0x0  }
0x1f: {  	s9 =	smul.u32 $0xF7A, s1;
	s8 =	simm.s32 @!p0 $0x1BF5;
	p2 =	por !p2, p0  }
0x20: {  	[sflag:s8] =	ssyncset.s32 @!p0 $0xFFFFF086;
	s6 =	sadd.s32 @!p0 s3, s7;
	s7 =	simm.s32 @!p0 $0x108  }
0x21: {  	s3 =	sadd.s32 s3, s9;
	s6 =	sadd.s32 @!p0 $0x88, s6;
	s7 =	simm.s32 @p2 $0x1082  }
0x22: {  	[simem:s7], [sflag:s8] =	dma.local @!p0 [hbm:s6], $0xF7A  }
0x23: {  	s9 =	sor.u32 $0xD0000000, s2;
	s6 =	simm.s32 $0x108;
	_ =	swait.ge @!p0 [sflag:s8], $0x0  }
0x24: {  	s3 =	sadd.s32 $0x88, s3;
	s6 =	simm.s32 @!p1 $0x1082;
	[sflag:s4] =	ssyncset.s32 $0xFFFFF086  }
0x25: {  	[simem:s6], [sflag:s4] =	dma.local [hbm:s3], $0xF7A  }
0x26: {  	[smem:$0x3F95] =	sst s1;
	(tag) =	ssettag s2;
	_ =	strace s9  }
0x27: {  	s1 =	sld [smem:$0x3FA5]  }
0x28: {  	s2 =	sld [smem:$0x3FA6]  }
0x29: {  	s4 =	sld [smem:$0x3FA8]  }
0x2a: {  	p0 =	seq.s32 s5, $0x0;
	s5 =	sld [smem:$0x3FA9]  }
0x2b: {  	s6 =	sld [smem:$0x3FAA]  }
0x2c: {  	s7 =	sld [smem:$0x3FAB]  }
0x2d: {  	s3 =	simm.s32 $0x108;
	s8 =	sld [smem:$0x3FAC]  }
0x2e: {  	s3 =	simm.s32 @!p0 $0x1082;
	s9 =	sld [smem:$0x3FAD]  }
0x2f: {  	lr =	sadd.s32 s0, s3;
	s0 =	sld [smem:$0x3FA4]  }
0x30: {  	s3 =	sld [smem:$0x3FA7]  }
0x31: {  	[smem:$0x3FB0] =	sst s10  }
0x32: {  	s10 =	sld [smem:$0x3FAE];
	_ =	sdelay $0x3  }
0x33: {  	p0 =	seq.s32 s10, $0x1;
	s10 =	sld [smem:$0x3FB0];
	_ =	sdelay $0x3  }
0x34: {  	[smem:$0x3FB0] =	sst s10  }
0x35: {  	s10 =	sld [smem:$0x3FAF];
	_ =	sdelay $0x3  }
0x36: {  	p1 =	seq.s32 s10, $0x1;
	s10 =	sld [smem:$0x3FB0];
	_ =	sdelay $0x3  }
0x37: {  	[smem:$0x3FB0] =	sst s10  }
0x38: {  	s10 =	sld [smem:$0x3FB1]  }
0x39: {  	_ = 	snop;
	(pc) =	sbr.ind lr, $3  }
0x3a: {  	_ = 	snop  }
0x3b: {  	_ = 	snop  }
0x3c: {  	p2 =	seq.s32 s10, $0x1;
	s10 =	sld [smem:$0x3FB0]  }
0x3d: {  	_ =	shalt  }
0x3e: {  	_ =	shalt  }
0x3f: {  	_ =	shalt  }
0x40: {  	_ =	shalt  }
0x41: {  	_ =	shalt  }
0x42: {  	_ =	shalt  }
0x43: {  	_ =	shalt  }
0x44: {  	_ =	shalt  }
0x45: {  	_ =	shalt  }
0x46: {  	_ =	shalt  }
0x47: {  	_ =	shalt  }
0x48: {  	_ =	shalt  }
0x49: {  	_ =	shalt  }
0x4a: {  	_ =	shalt  }
0x4b: {  	_ =	shalt  }
0x4c: {  	_ =	shalt  }
0x4d: {  	_ =	shalt  }
0x4e: {  	_ =	shalt  }
0x4f: {  	_ =	shalt  }
0x50: {  	_ =	shalt  }
0x51: {  	_ =	shalt  }
0x52: {  	_ =	shalt  }
0x53: {  	_ =	shalt  }
0x54: {  	_ =	shalt  }
0x55: {  	_ =	shalt  }
0x56: {  	_ =	shalt  }
0x57: {  	_ =	shalt  }
0x58: {  	_ =	shalt  }
0x59: {  	_ =	shalt  }
0x5a: {  	_ =	shalt  }
0x5b: {  	_ =	shalt  }
0x5c: {  	_ =	shalt  }
0x5d: {  	_ =	shalt  }
0x5e: {  	_ =	shalt  }
0x5f: {  	_ =	shalt  }
0x60: {  	_ =	shalt  }
0x61: {  	_ =	shalt  }
0x62: {  	_ =	shalt  }
0x63: {  	_ =	shalt  }
0x64: {  	_ =	shalt  }
0x65: {  	_ =	shalt  }
0x66: {  	_ =	shalt  }
0x67: {  	_ =	shalt  }
0x68: {  	_ =	shalt  }
0x69: {  	_ =	shalt  }
0x6a: {  	_ =	shalt  }
0x6b: {  	_ =	shalt  }
0x6c: {  	_ =	shalt  }
0x6d: {  	_ =	shalt  }
0x6e: {  	_ =	shalt  }
0x6f: {  	_ =	shalt  }
0x70: {  	_ =	shalt  }
0x71: {  	_ =	shalt  }
0x72: {  	_ =	shalt  }
0x73: {  	_ =	shalt  }
0x74: {  	_ =	shalt  }
0x75: {  	_ =	shalt  }
0x76: {  	_ =	shalt  }
0x77: {  	_ =	shalt  }
0x78: {  	_ =	shalt  }
0x79: {  	_ =	shalt  }
0x7a: {  	_ =	shalt  }
0x7b: {  	_ =	shalt  }
0x7c: {  	_ =	shalt  }
0x7d: {  	_ =	shalt  }
0x7e: {  	_ =	shalt  }
0x7f: {  	_ =	shalt  }
0x80: {  	_ =	shalt  }
0x81: {  	_ =	shalt  }
0x82: {  	_ =	shalt  }
0x83: {  	_ =	shalt  }
0x84: {  	_ =	shalt  }
0x85: {  	_ =	shalt  }
0x86: {  	_ =	shalt  }
0x87: {  	_ =	shalt  }
.Lfunc_end0:
.L_simem_size_0:
called_computation.1_lowered:
.L_overlay_start_0:
0x88: {  	s2 =	sld [smem:$0x3FD9]  }
0x89: {  	s3 =	sld [smem:$0x3FFE];
	_ =	sdelay $0x1  }
0x8a: {  	s1 =	srdreg.scid  }
0x8b: {  	s0 =	sand.u32 $0x1, s1  }
0x8c: {  	s14 =	sshll.u32 s0, $0xA;
	s2 =	sadd.s32 s3, s2  }
0x8d: {  	s2 =	sadd.s32 s2, s14  }
0x8e: {  	[smem:$0x3FBC] =	sst s2  }
0x8f: {  	_ = 	snop  }
0x90: {  	s2 =	sld [smem:$0x3FD0];
	_ =	sdelay $0x2  }
0x91: {  	s15 =	simm.s32 $0xA;
	s4 =	simm.s32 $0x10  }
0x92: {  	[smem:s4], [sflag:s15] =	dma.local [hbm:s2], $0x1  }
0x93: {  	_ =	swait.eq [sflag:s15], $0x1  }
0x94: {  	[sflag:s15] =	ssyncset.done $0x0  }
0x95: {  	s16 =	sld [smem:$0x10];
	[sflag:s15] =	ssyncadd.s32 $0xFFFFFFFF  }
0x96: {  	s17 =	sld [smem:$0x11];
	(tm) =	ssettm $0x1  }
0x97: {  	s18 =	sld [smem:$0x3FFB];
	_ =	sdelay $0x3  }
0x98: {  	_ =	strace s18  }
0x99: {  	s4 =	sld [smem:$0x3FFC];
	_ =	sdelay $0x3  }
0x9a: {  	_ =	strace s4  }
0x9b: {  	s4 =	sld [smem:$0x3FFD];
	_ =	sdelay $0x3  }
0x9c: {  	_ =	strace s4  }
0x9d: {  	_ =	strace $0x8FFFFFFF  }
0x9e: {  	s19 =	sld [smem:$0x3FDB];
	_ =	sdelay $0x1  }
0x9f: {  	s5 =	simm.s32 $_scs_section_size  }
0xa0: {  	s6 =	simm.s32 $_size__tile_overlayer_lowered;
	s7 =	simm.s32 $_tile_overlayer_lowered  }
0xa1: {  	s22 =	simm.s32 $0x1BFF;
	s21 =	sshll.u32 s7, $0x1;
	s4 =	sadd.s32 s5, s19  }
0xa2: {  	s8 =	simm.s32 $0x0;
	s20 =	sshll.u32 s6, $0x1;
	s6 =	sadd.s32 s21, s4  }
0xa3: {  	[timem:s8], [sflag:s22] =	dma.local [hbm:s6], s20  }
0xa4: {  	_ =	swait.ge [sflag:s22], s20  }
0xa5: {  	s5 =	ssub.s32 $0x0, s20;
	[sflag:s22] =	ssyncset.done $0x0  }
0xa6: {  	[sflag:s22] =	ssyncadd.s32 s5;
	_ =	sdelay $0x1  }
0xa7: {  	s23 =	simm.s32 $0x1B8B  }
0xa8: {  	_ =	swait.ge [sflag:s23], $0x1  }
0xa9: {  	[sflag:s23] =	ssyncset.done $0x0  }
0xaa: {  	s25 =	simm.s32 $0x1B8E;
	s24 =	sld [smem:$0x3FFE];
	[sflag:s23] =	ssyncadd.s32 $0xFFFFFFFF  }
0xab: {  	s26 =	simm.s32 $execute0_lowered;
	[smem:$0x3FD2] =	sst s25  }
0xac: {  	s6 =	sshll.u32 s26, $0x1;
	_ =	strace $0x80000049;
	[dreg:$0x1] =	wrdreg $0xFFFFFFFF  }
0xad: {  	s28 =	simm.s32 $_size_execute0_lowered;
	s4 =	sadd.s32 s4, s6;
	[dreg:$0x0] =	wrdreg $0x0  }
0xae: {  	s6 =	sshll.u32 s28, $0x1;
	[dreg:$0x2] =	wrdreg s4  }
0xaf: {  	[dreg:$0x3] =	wrdreg s6  }
0xb0: {  	[dreg:$0x4] =	wrdreg $0xC0  }
0xb1: {  	_ =	task [dreg:s8], $0x5FFFF  }
0xb2: {  	[dreg:$0x1] =	wrdreg $0xFFFFFFFF  }
0xb3: {  	[dreg:$0x0] =	wrdreg $0x60  }
0xb4: {  	[dreg:$0x2] =	wrdreg s17  }
0xb5: {  	[dreg:$0x3] =	wrdreg s16  }
0xb6: {  	[dreg:$0x4] =	wrdreg s24  }
0xb7: {  	[dreg:$0x5] =	wrdreg $0x9  }
0xb8: {  	_ =	task.clear_ibuf [dreg:s8], $0x6FFFF;
	_ =	strace $0x90000049  }
0xb9: {  	s29 =	simm.s32 $0x9;
	_ =	strace $0x8000004B  }
0xba: {  	_ =	swait.ge [sflag:s29], $0x1  }
0xbb: {  	[sflag:s29] =	ssyncadd.s32 $0xFFFFFFFF  }
0xbc: {  	_ =	strace $0x9000004B  }
0xbd: {  	_ =	sfence  }
0xbe: {  	s30 =	sld [smem:$0x0];
	_ =	sdelay $0x2  }
0xbf: {  	s31 =	sshll.u32 s1, $0xD;
	s1 =	sshrl.u32 s1, $0x2  }
0xc0: {  	s3 =	sand.u32 $0x4000, s31;
	s1 =	sadd.s32 s1, s30  }
0xc1: {  	s0 =	sor.u32 s3, s0;
	s1 =	sshll.u32 s1, $0x11  }
0xc2: {  	s0 =	sor.u32 s1, s0  }
0xc3: {  	s0 =	sadd.s32 $0x8F2B, s0  }
0xc4: {  	[sflag:s0] =	ssyncadd.remote.s32 $0x1  }
0xc5: {  	_ =	sfence.sel $0xFFFF  }
0xc6: {  	[dreg:$0x0] =	wrdreg $0xFFFFFFFF;
	(pc) =	sbr.abs _section_cstart, $3  }
0xc7: {  	[dreg:$0x1] =	wrdreg $0xFFFFFFFF  }
0xc8: {  	_ =	task.clear_ibuf [dreg:s8], $0x2FFFF;
	_ =	strace $0x9FFFFFFF  }
0xc9: {  	(tm) =	ssettm $0x7FFFFFFF  }
tec
execute0_lowered:
.L_overlay_start_1:
0x0: {  	(tag) =	ssettag $0x1  }
0x1: {  	s1 =	rddreg [dreg:$0x0]  }
0x2: {  	s3 =	srdreg.scid;
	s2 =	rddreg [dreg:$0x1]  }
0x3: {  	s0 =	stileid.u32;
	s5 =	rddreg [dreg:$0x2]  }
0x4: {  	s11 =	simm.s32 $0x5;
	s28 =	simm.s32 $0x7900;
	s29 =	simm.s32 $0x1  }
0x5: {  	s30 =	simm.s32 $0x3;
	s4 =	sand.u32 $0x1, s3;
	s12 =	sshll.u32 s0, $0x1  }
0x6: {  	s31 =	simm.s32 $0x2;
	s3 =	simm.s32 $0x0;
	s6 =	sor.u32 s4, s12  }
0x7: {  	s5 =	sadd.s32 $0x2400, s5;
	[smem:$0x7FF] =	sst s3;
	s7 =	smul.u32 $0x1E, s6  }
0x8: {  	s4 =	ssub.s32 $0x2, s4;
	s12 =	simm.s32 $0x100;
	s8 =	smul.u32 $0x3C000, s6  }
0x9: {  	_ =	strace $0x8000004A;
	s6 =	smul.u32 $0x7800, s6;
	s22 =	sshrl.u32 s4, $0x1  }
0xa: {  	s10 =	ssub.s32 s4, s22;
	s1 =	sadd.s32 s1, s7;
	s13 =	sshrl.u32 s8, $0x3  }
0xb: {  	s14 =	sadd.s32 s5, s6;
	[dreg:$0x4] =	wrdreg s1;
	s9 =	sadd.s32 s5, s13  }
0xc: {  	s4 =	sadd.s32 $0x100, s2;
	[dreg:$0x5] =	wrdreg s14;
	s15 =	sadd.s32 $0x800, s9  }
0xd: {  	s22 =	simm.s32 $0x5100;
	s16 =	sadd.s32 $0x1000, s9;
	[dreg:$0x6] =	wrdreg s15  }
0xe: {  	s6 =	sadd.s32 $0x300, s2;
	s17 =	sadd.s32 $0x1800, s9;
	[dreg:$0x7] =	wrdreg s16  }
0xf: {  	s10 =	smax.u32 s10, $0x1;
	s18 =	sadd.s32 $0x2000, s9;
	[dreg:$0x8] =	wrdreg s17  }
0x10: {  	s5 =	sadd.s32 $0x200, s2;
	s19 =	sadd.s32 $0x2800, s9;
	[dreg:$0x9] =	wrdreg s18  }
0x11: {  	s13 =	simm.s32 $0x900;
	s20 =	sadd.s32 $0x3000, s9;
	[dreg:$0xa] =	wrdreg s19  }
0x12: {  	s14 =	simm.s32 $0x1100;
	s21 =	sadd.s32 $0x3800, s9;
	[dreg:$0xb] =	wrdreg s20  }
0x13: {  	s1 =	simm.s32 $0x4;
	s23 =	sadd.s32 $0x4000, s9;
	[dreg:$0xc] =	wrdreg s21  }
0x14: {  	s24 =	sadd.s32 $0x4800, s9;
	s25 =	sadd.s32 $0x5000, s9;
	[dreg:$0xd] =	wrdreg s23  }
0x15: {  	s26 =	sadd.s32 $0x5800, s9;
	s7 =	sadd.s32 $0x6000, s9;
	[dreg:$0xe] =	wrdreg s24  }
0x16: {  	s8 =	sadd.s32 $0x6800, s9;
	s9 =	sadd.s32 $0x7000, s9;
	[dreg:$0xf] =	wrdreg s25  }
0x17: {  	[dreg:$0x10] =	wrdreg s26;
	s15 =	simm.s32 $0x1900;
	s16 =	simm.s32 $0x2100  }
0x18: {  	v2 =	vlaneseq.u32;
	s17 =	simm.s32 $0x2900;
	s18 =	simm.s32 $0x3100;
	s19 =	simm.s32 $0x3900  }
0x19: {  	vm0 =	vmmov $0xffff;
	v1 =	vshrl.u32 v2, $0x3;
	s20 =	simm.s32 $0x4100;
	s21 =	simm.s32 $0x4900;
	s23 =	simm.s32 $0x5900  }
0x1a: {  	v0 =	vand.u32 $0x7, v2;
	v2 =	vor.u32 $0x8, v2;
	v1 =	vmul.u32 $0x8, v1;
	s24 =	simm.s32 $0x6100;
	s25 =	simm.s32 $0x6900;
	s26 =	simm.s32 $0x7100  }
.LBB2_1:
0x1b: {  	s0 =	rddreg [dreg:$0x4]  }
0x1c: {  	[tilespmem:s3], [sflag:$0x5] =	stream.linear.gather [hbm4b:s0+s3], $0xF0, $0x38;
	[tilespmem:$0x8100] =	vst v63  }
0x1d: {  	_ =	swait.ge [sflag:s11], $0xF0  }
0x1e: {  	[sflag:s11] =	ssyncset.done $0x0  }
0x1f: {  	[sflag:s11] =	ssyncadd.s32 $0xFFFFFF10  }
0x20: {  	v3 =	vld [tilespmem:$0x0];
	_ =	sdelay $0x4  }
0x21: {  	v4 =	vshll.u32 v3, $0x3  }
0x22: {  	v3 =	vand.u32 $0x7, v3;
	v4 =	vand.u32 $0xFFFFFFC0, v4  }
0x23: {  	v3 =	vor.u32 v3, v4  }
0x24: {  	v4 =	vperm.xlane v3, v0;
	_ =	sdelay $0x1  }
0x25: {  	v4 =	vadd.s32 v1, v4;
	_ =	sdelay $0x4  }
0x26: {  	[tilespmem:s12], [sflag:$0x1] =	stream.indirect_vreg.gather [hbm4b:s2+s3], $0x80, v4, vm0, $0xb8;
	[tilespmem:$0x8100] =	vst v63  }
0x27: {  	v3 =	vperm.xlane v3, v2  }
0x28: {  	[tilespmem:s13], [sflag:$0x1] =	stream.indirect_vreg.gather [hbm4b:s4+s3], $0x80, v4, vm0, $0xb8;
	[tilespmem:$0x8100] =	vst v63  }
0x29: {  	v3 =	vadd.s32 v1, v3  }
0x2a: {  	[tilespmem:s14], [sflag:$0x1] =	stream.indirect_vreg.gather [hbm4b:s5+s3], $0x80, v4, vm0, $0xb8;
	[tilespmem:$0x8100] =	vst v63  }
0x2b: {  	_ = 	snop  }
0x2c: {  	[tilespmem:s15], [sflag:$0x1] =	stream.indirect_vreg.gather [hbm4b:s6+s3], $0x80, v4, vm0, $0xb8;
	[tilespmem:$0x8100] =	vst v63  }
0x2d: {  	_ = 	snop  }
0x2e: {  	[tilespmem:s16], [sflag:$0x1] =	stream.indirect_vreg.gather [hbm4b:s2+s3], $0x80, v3, vm0, $0xb8;
	[tilespmem:$0x8100] =	vst v63  }
0x2f: {  	_ = 	snop  }
0x30: {  	[tilespmem:s17], [sflag:$0x1] =	stream.indirect_vreg.gather [hbm4b:s4+s3], $0x80, v3, vm0, $0xb8;
	[tilespmem:$0x8100] =	vst v63  }
0x31: {  	_ = 	snop  }
0x32: {  	[tilespmem:s18], [sflag:$0x1] =	stream.indirect_vreg.gather [hbm4b:s5+s3], $0x80, v3, vm0, $0xb8;
	[tilespmem:$0x8100] =	vst v63  }
0x33: {  	_ = 	snop  }
0x34: {  	[tilespmem:s19], [sflag:$0x1] =	stream.indirect_vreg.gather [hbm4b:s6+s3], $0x80, v3, vm0, $0xb8;
	[tilespmem:$0x8100] =	vst v63  }
0x35: {  	v3 =	vld [tilespmem:$0x10];
	_ =	sdelay $0x4  }
0x36: {  	v50 =	vshll.u32 v3, $0x3  }
0x37: {  	v3 =	vand.u32 $0x7, v3;
	v4 =	vand.u32 $0xFFFFFFC0, v50  }
0x38: {  	v3 =	vor.u32 v3, v4  }
0x39: {  	v4 =	vperm.xlane v3, v0;
	_ =	sdelay $0x1  }
0x3a: {  	v4 =	vadd.s32 v1, v4;
	_ =	sdelay $0x4  }
0x3b: {  	[tilespmem:s20], [sflag:$0x2] =	stream.indirect_vreg.gather [hbm4b:s2+s3], $0x80, v4, vm0, $0xb8;
	[tilespmem:$0x8100] =	vst v63  }
0x3c: {  	v3 =	vperm.xlane v3, v2  }
0x3d: {  	[tilespmem:s21], [sflag:$0x2] =	stream.indirect_vreg.gather [hbm4b:s4+s3], $0x80, v4, vm0, $0xb8;
	[tilespmem:$0x8100] =	vst v63  }
0x3e: {  	v3 =	vadd.s32 v1, v3  }
0x3f: {  	[tilespmem:s22], [sflag:$0x2] =	stream.indirect_vreg.gather [hbm4b:s5+s3], $0x80, v4, vm0, $0xb8;
	[tilespmem:$0x8100] =	vst v63  }
0x40: {  	_ = 	snop  }
0x41: {  	[tilespmem:s23], [sflag:$0x2] =	stream.indirect_vreg.gather [hbm4b:s6+s3], $0x80, v4, vm0, $0xb8;
	[tilespmem:$0x8100] =	vst v63  }
0x42: {  	_ = 	snop  }
0x43: {  	[tilespmem:s24], [sflag:$0x2] =	stream.indirect_vreg.gather [hbm4b:s2+s3], $0x80, v3, vm0, $0xb8;
	[tilespmem:$0x8100] =	vst v63  }
0x44: {  	_ = 	snop  }
0x45: {  	[tilespmem:s25], [sflag:$0x2] =	stream.indirect_vreg.gather [hbm4b:s4+s3], $0x80, v3, vm0, $0xb8;
	[tilespmem:$0x8100] =	vst v63  }
0x46: {  	_ = 	snop  }
0x47: {  	[tilespmem:s26], [sflag:$0x2] =	stream.indirect_vreg.gather [hbm4b:s5+s3], $0x80, v3, vm0, $0xb8;
	[tilespmem:$0x8100] =	vst v63  }
0x48: {  	_ = 	snop  }
0x49: {  	[tilespmem:s28], [sflag:$0x2] =	stream.indirect_vreg.gather [hbm4b:s6+s3], $0x80, v3, vm0, $0xb8;
	[tilespmem:$0x8100] =	vst v63  }
0x4a: {  	_ =	swait.ge [sflag:s29], $0x4000  }
0x4b: {  	[sflag:s29] =	ssyncset.done $0x0  }
0x4c: {  	s0 =	rddreg [dreg:$0x5];
	[sflag:s29] =	ssyncadd.s32 $0xFFFFC000  }
0x4d: {  	[hbm4b:s0+s3] =	stream.linear.scatter [tilespmem:s12], [sflag:$0x3], $0x4000, $0x38;
	[tilespmem:$0x8100] =	vst v63  }
0x4e: {  	_ =	swait.ge [sflag:s30], $0x4000  }
0x4f: {  	[sflag:s30] =	ssyncset.done $0x0  }
0x50: {  	[sflag:s30] =	ssyncadd.s32 $0xFFFFC000  }
0x51: {  	v3 =	vld [tilespmem:$0x20];
	_ =	sdelay $0x4  }
0x52: {  	v51 =	vshll.u32 v3, $0x3  }
0x53: {  	v3 =	vand.u32 $0x7, v3;
	v4 =	vand.u32 $0xFFFFFFC0, v51  }
0x54: {  	v3 =	vor.u32 v3, v4  }
0x55: {  	v4 =	vperm.xlane v3, v0;
	_ =	sdelay $0x1  }
0x56: {  	v4 =	vadd.s32 v1, v4;
	_ =	sdelay $0x4  }
0x57: {  	[tilespmem:s12], [sflag:$0x1] =	stream.indirect_vreg.gather [hbm4b:s2+s3], $0x80, v4, vm0, $0xb8;
	[tilespmem:$0x8100] =	vst v63  }
0x58: {  	v3 =	vperm.xlane v3, v2  }
0x59: {  	[tilespmem:s13], [sflag:$0x1] =	stream.indirect_vreg.gather [hbm4b:s4+s3], $0x80, v4, vm0, $0xb8;
	[tilespmem:$0x8100] =	vst v63  }
0x5a: {  	v3 =	vadd.s32 v1, v3  }
0x5b: {  	[tilespmem:s14], [sflag:$0x1] =	stream.indirect_vreg.gather [hbm4b:s5+s3], $0x80, v4, vm0, $0xb8;
	[tilespmem:$0x8100] =	vst v63  }
0x5c: {  	_ = 	snop  }
0x5d: {  	[tilespmem:s15], [sflag:$0x1] =	stream.indirect_vreg.gather [hbm4b:s6+s3], $0x80, v4, vm0, $0xb8;
	[tilespmem:$0x8100] =	vst v63  }
0x5e: {  	_ = 	snop  }
0x5f: {  	[tilespmem:s16], [sflag:$0x1] =	stream.indirect_vreg.gather [hbm4b:s2+s3], $0x80, v3, vm0, $0xb8;
	[tilespmem:$0x8100] =	vst v63  }
0x60: {  	_ = 	snop  }
0x61: {  	[tilespmem:s17], [sflag:$0x1] =	stream.indirect_vreg.gather [hbm4b:s4+s3], $0x80, v3, vm0, $0xb8;
	[tilespmem:$0x8100] =	vst v63  }
0x62: {  	_ = 	snop  }
0x63: {  	[tilespmem:s18], [sflag:$0x1] =	stream.indirect_vreg.gather [hbm4b:s5+s3], $0x80, v3, vm0, $0xb8;
	[tilespmem:$0x8100] =	vst v63  }
0x64: {  	_ = 	snop  }
0x65: {  	[tilespmem:s19], [sflag:$0x1] =	stream.indirect_vreg.gather [hbm4b:s6+s3], $0x80, v3, vm0, $0xb8;
	[tilespmem:$0x8100] =	vst v63  }
0x66: {  	_ =	swait.ge [sflag:s31], $0x4000  }
0x67: {  	[sflag:s31] =	ssyncset.done $0x0  }
0x68: {  	s0 =	rddreg [dreg:$0x6];
	[sflag:s31] =	ssyncadd.s32 $0xFFFFC000  }
0x69: {  	[hbm4b:s0+s3] =	stream.linear.scatter [tilespmem:s20], [sflag:$0x4], $0x4000, $0x38;
	[tilespmem:$0x8100] =	vst v63  }
0x6a: {  	_ =	swait.ge [sflag:s1], $0x4000  }
0x6b: {  	[sflag:s1] =	ssyncset.done $0x0  }
0x6c: {  	[sflag:s1] =	ssyncadd.s32 $0xFFFFC000  }
0x6d: {  	v3 =	vld [tilespmem:$0x30];
	_ =	sdelay $0x4  }
0x6e: {  	v52 =	vshll.u32 v3, $0x3  }
0x6f: {  	v3 =	vand.u32 $0x7, v3;
	v4 =	vand.u32 $0xFFFFFFC0, v52  }
0x70: {  	v3 =	vor.u32 v3, v4  }
0x71: {  	v4 =	vperm.xlane v3, v0;
	_ =	sdelay $0x1  }
0x72: {  	v4 =	vadd.s32 v1, v4;
	_ =	sdelay $0x4  }
0x73: {  	[tilespmem:s20], [sflag:$0x2] =	stream.indirect_vreg.gather [hbm4b:s2+s3], $0x80, v4, vm0, $0xb8;
	[tilespmem:$0x8100] =	vst v63  }
0x74: {  	v3 =	vperm.xlane v3, v2  }
0x75: {  	[tilespmem:s21], [sflag:$0x2] =	stream.indirect_vreg.gather [hbm4b:s4+s3], $0x80, v4, vm0, $0xb8;
	[tilespmem:$0x8100] =	vst v63  }
0x76: {  	v3 =	vadd.s32 v1, v3  }
0x77: {  	[tilespmem:s22], [sflag:$0x2] =	stream.indirect_vreg.gather [hbm4b:s5+s3], $0x80, v4, vm0, $0xb8;
	[tilespmem:$0x8100] =	vst v63  }
0x78: {  	_ = 	snop  }
0x79: {  	[tilespmem:s23], [sflag:$0x2] =	stream.indirect_vreg.gather [hbm4b:s6+s3], $0x80, v4, vm0, $0xb8;
	[tilespmem:$0x8100] =	vst v63  }
0x7a: {  	_ = 	snop  }
0x7b: {  	[tilespmem:s24], [sflag:$0x2] =	stream.indirect_vreg.gather [hbm4b:s2+s3], $0x80, v3, vm0, $0xb8;
	[tilespmem:$0x8100] =	vst v63  }
0x7c: {  	_ = 	snop  }
0x7d: {  	[tilespmem:s25], [sflag:$0x2] =	stream.indirect_vreg.gather [hbm4b:s4+s3], $0x80, v3, vm0, $0xb8;
	[tilespmem:$0x8100] =	vst v63  }
0x7e: {  	_ = 	snop  }
0x7f: {  	[tilespmem:s26], [sflag:$0x2] =	stream.indirect_vreg.gather [hbm4b:s5+s3], $0x80, v3, vm0, $0xb8;
	[tilespmem:$0x8100] =	vst v63  }
0x80: {  	_ = 	snop  }
0x81: {  	[tilespmem:s28], [sflag:$0x2] =	stream.indirect_vreg.gather [hbm4b:s6+s3], $0x80, v3, vm0, $0xb8;
	[tilespmem:$0x8100] =	vst v63  }
0x82: {  	_ =	swait.ge [sflag:s29], $0x4000  }
0x83: {  	[sflag:s29] =	ssyncset.done $0x0  }
0x84: {  	s0 =	rddreg [dreg:$0x7];
	[sflag:s29] =	ssyncadd.s32 $0xFFFFC000  }
0x85: {  	[hbm4b:s0+s3] =	stream.linear.scatter [tilespmem:s12], [sflag:$0x3], $0x4000, $0x38;
	[tilespmem:$0x8100] =	vst v63  }
0x86: {  	_ =	swait.ge [sflag:s30], $0x4000  }
0x87: {  	[sflag:s30] =	ssyncset.done $0x0  }
0x88: {  	[sflag:s30] =	ssyncadd.s32 $0xFFFFC000  }
0x89: {  	v3 =	vld [tilespmem:$0x40];
	_ =	sdelay $0x4  }
0x8a: {  	v53 =	vshll.u32 v3, $0x3  }
0x8b: {  	v3 =	vand.u32 $0x7, v3;
	v4 =	vand.u32 $0xFFFFFFC0, v53  }
0x8c: {  	v3 =	vor.u32 v3, v4  }
0x8d: {  	v4 =	vperm.xlane v3, v0;
	_ =	sdelay $0x1  }
0x8e: {  	v4 =	vadd.s32 v1, v4;
	_ =	sdelay $0x4  }
0x8f: {  	[tilespmem:s12], [sflag:$0x1] =	stream.indirect_vreg.gather [hbm4b:s2+s3], $0x80, v4, vm0, $0xb8;
	[tilespmem:$0x8100] =	vst v63  }
0x90: {  	v3 =	vperm.xlane v3, v2  }
0x91: {  	[tilespmem:s13], [sflag:$0x1] =	stream.indirect_vreg.gather [hbm4b:s4+s3], $0x80, v4, vm0, $0xb8;
	[tilespmem:$0x8100] =	vst v63  }
0x92: {  	v3 =	vadd.s32 v1, v3  }
0x93: {  	[tilespmem:s14], [sflag:$0x1] =	stream.indirect_vreg.gather [hbm4b:s5+s3], $0x80, v4, vm0, $0xb8;
	[tilespmem:$0x8100] =	vst v63  }
0x94: {  	_ = 	snop  }
0x95: {  	[tilespmem:s15], [sflag:$0x1] =	stream.indirect_vreg.gather [hbm4b:s6+s3], $0x80, v4, vm0, $0xb8;
	[tilespmem:$0x8100] =	vst v63  }
0x96: {  	_ = 	snop  }
0x97: {  	[tilespmem:s16], [sflag:$0x1] =	stream.indirect_vreg.gather [hbm4b:s2+s3], $0x80, v3, vm0, $0xb8;
	[tilespmem:$0x8100] =	vst v63  }
0x98: {  	_ = 	snop  }
0x99: {  	[tilespmem:s17], [sflag:$0x1] =	stream.indirect_vreg.gather [hbm4b:s4+s3], $0x80, v3, vm0, $0xb8;
	[tilespmem:$0x8100] =	vst v63  }
0x9a: {  	_ = 	snop  }
0x9b: {  	[tilespmem:s18], [sflag:$0x1] =	stream.indirect_vreg.gather [hbm4b:s5+s3], $0x80, v3, vm0, $0xb8;
	[tilespmem:$0x8100] =	vst v63  }
0x9c: {  	_ = 	snop  }
0x9d: {  	[tilespmem:s19], [sflag:$0x1] =	stream.indirect_vreg.gather [hbm4b:s6+s3], $0x80, v3, vm0, $0xb8;
	[tilespmem:$0x8100] =	vst v63  }
0x9e: {  	_ =	swait.ge [sflag:s31], $0x4000  }
0x9f: {  	[sflag:s31] =	ssyncset.done $0x0  }
0xa0: {  	s0 =	rddreg [dreg:$0x8];
	[sflag:s31] =	ssyncadd.s32 $0xFFFFC000  }
0xa1: {  	[hbm4b:s0+s3] =	stream.linear.scatter [tilespmem:s20], [sflag:$0x4], $0x4000, $0x38;
	[tilespmem:$0x8100] =	vst v63  }
0xa2: {  	_ =	swait.ge [sflag:s1], $0x4000  }
0xa3: {  	[sflag:s1] =	ssyncset.done $0x0  }
0xa4: {  	[sflag:s1] =	ssyncadd.s32 $0xFFFFC000  }
0xa5: {  	v3 =	vld [tilespmem:$0x50];
	_ =	sdelay $0x4  }
0xa6: {  	v54 =	vshll.u32 v3, $0x3  }
0xa7: {  	v3 =	vand.u32 $0x7, v3;
	v4 =	vand.u32 $0xFFFFFFC0, v54  }
0xa8: {  	v3 =	vor.u32 v3, v4  }
0xa9: {  	v4 =	vperm.xlane v3, v0;
	_ =	sdelay $0x1  }
0xaa: {  	v4 =	vadd.s32 v1, v4;
	_ =	sdelay $0x4  }
0xab: {  	[tilespmem:s20], [sflag:$0x2] =	stream.indirect_vreg.gather [hbm4b:s2+s3], $0x80, v4, vm0, $0xb8;
	[tilespmem:$0x8100] =	vst v63  }
0xac: {  	v3 =	vperm.xlane v3, v2  }
0xad: {  	[tilespmem:s21], [sflag:$0x2] =	stream.indirect_vreg.gather [hbm4b:s4+s3], $0x80, v4, vm0, $0xb8;
	[tilespmem:$0x8100] =	vst v63  }
0xae: {  	v3 =	vadd.s32 v1, v3  }
0xaf: {  	[tilespmem:s22], [sflag:$0x2] =	stream.indirect_vreg.gather [hbm4b:s5+s3], $0x80, v4, vm0, $0xb8;
	[tilespmem:$0x8100] =	vst v63  }
0xb0: {  	_ = 	snop  }
0xb1: {  	[tilespmem:s23], [sflag:$0x2] =	stream.indirect_vreg.gather [hbm4b:s6+s3], $0x80, v4, vm0, $0xb8;
	[tilespmem:$0x8100] =	vst v63  }
0xb2: {  	_ = 	snop  }
0xb3: {  	[tilespmem:s24], [sflag:$0x2] =	stream.indirect_vreg.gather [hbm4b:s2+s3], $0x80, v3, vm0, $0xb8;
	[tilespmem:$0x8100] =	vst v63  }
0xb4: {  	_ = 	snop  }
0xb5: {  	[tilespmem:s25], [sflag:$0x2] =	stream.indirect_vreg.gather [hbm4b:s4+s3], $0x80, v3, vm0, $0xb8;
	[tilespmem:$0x8100] =	vst v63  }
0xb6: {  	_ = 	snop  }
0xb7: {  	[tilespmem:s26], [sflag:$0x2] =	stream.indirect_vreg.gather [hbm4b:s5+s3], $0x80, v3, vm0, $0xb8;
	[tilespmem:$0x8100] =	vst v63  }
0xb8: {  	_ = 	snop  }
0xb9: {  	[tilespmem:s28], [sflag:$0x2] =	stream.indirect_vreg.gather [hbm4b:s6+s3], $0x80, v3, vm0, $0xb8;
	[tilespmem:$0x8100] =	vst v63  }
0xba: {  	_ =	swait.ge [sflag:s29], $0x4000  }
0xbb: {  	[sflag:s29] =	ssyncset.done $0x0  }
0xbc: {  	s0 =	rddreg [dreg:$0x9];
	[sflag:s29] =	ssyncadd.s32 $0xFFFFC000  }
0xbd: {  	[hbm4b:s0+s3] =	stream.linear.scatter [tilespmem:s12], [sflag:$0x3], $0x4000, $0x38;
	[tilespmem:$0x8100] =	vst v63  }
0xbe: {  	_ =	swait.ge [sflag:s30], $0x4000  }
0xbf: {  	[sflag:s30] =	ssyncset.done $0x0  }
0xc0: {  	[sflag:s30] =	ssyncadd.s32 $0xFFFFC000  }
0xc1: {  	v3 =	vld [tilespmem:$0x60];
	_ =	sdelay $0x4  }
0xc2: {  	v55 =	vshll.u32 v3, $0x3  }
0xc3: {  	v3 =	vand.u32 $0x7, v3;
	v4 =	vand.u32 $0xFFFFFFC0, v55  }
0xc4: {  	v3 =	vor.u32 v3, v4  }
0xc5: {  	v4 =	vperm.xlane v3, v0;
	_ =	sdelay $0x1  }
0xc6: {  	v4 =	vadd.s32 v1, v4;
	_ =	sdelay $0x4  }
0xc7: {  	[tilespmem:s12], [sflag:$0x1] =	stream.indirect_vreg.gather [hbm4b:s2+s3], $0x80, v4, vm0, $0xb8;
	[tilespmem:$0x8100] =	vst v63  }
0xc8: {  	v3 =	vperm.xlane v3, v2  }
0xc9: {  	[tilespmem:s13], [sflag:$0x1] =	stream.indirect_vreg.gather [hbm4b:s4+s3], $0x80, v4, vm0, $0xb8;
	[tilespmem:$0x8100] =	vst v63  }
0xca: {  	v3 =	vadd.s32 v1, v3  }
0xcb: {  	[tilespmem:s14], [sflag:$0x1] =	stream.indirect_vreg.gather [hbm4b:s5+s3], $0x80, v4, vm0, $0xb8;
	[tilespmem:$0x8100] =	vst v63  }
0xcc: {  	_ = 	snop  }
0xcd: {  	[tilespmem:s15], [sflag:$0x1] =	stream.indirect_vreg.gather [hbm4b:s6+s3], $0x80, v4, vm0, $0xb8;
	[tilespmem:$0x8100] =	vst v63  }
0xce: {  	_ = 	snop  }
0xcf: {  	[tilespmem:s16], [sflag:$0x1] =	stream.indirect_vreg.gather [hbm4b:s2+s3], $0x80, v3, vm0, $0xb8;
	[tilespmem:$0x8100] =	vst v63  }
0xd0: {  	_ = 	snop  }
0xd1: {  	[tilespmem:s17], [sflag:$0x1] =	stream.indirect_vreg.gather [hbm4b:s4+s3], $0x80, v3, vm0, $0xb8;
	[tilespmem:$0x8100] =	vst v63  }
0xd2: {  	_ = 	snop  }
0xd3: {  	[tilespmem:s18], [sflag:$0x1] =	stream.indirect_vreg.gather [hbm4b:s5+s3], $0x80, v3, vm0, $0xb8;
	[tilespmem:$0x8100] =	vst v63  }
0xd4: {  	_ = 	snop  }
0xd5: {  	[tilespmem:s19], [sflag:$0x1] =	stream.indirect_vreg.gather [hbm4b:s6+s3], $0x80, v3, vm0, $0xb8;
	[tilespmem:$0x8100] =	vst v63  }
0xd6: {  	_ =	swait.ge [sflag:s31], $0x4000  }
0xd7: {  	[sflag:s31] =	ssyncset.done $0x0  }
0xd8: {  	s0 =	rddreg [dreg:$0xa];
	[sflag:s31] =	ssyncadd.s32 $0xFFFFC000  }
0xd9: {  	[hbm4b:s0+s3] =	stream.linear.scatter [tilespmem:s20], [sflag:$0x4], $0x4000, $0x38;
	[tilespmem:$0x8100] =	vst v63  }
0xda: {  	_ =	swait.ge [sflag:s1], $0x4000  }
0xdb: {  	[sflag:s1] =	ssyncset.done $0x0  }
0xdc: {  	[sflag:s1] =	ssyncadd.s32 $0xFFFFC000  }
0xdd: {  	v3 =	vld [tilespmem:$0x70];
	_ =	sdelay $0x4  }
0xde: {  	v56 =	vshll.u32 v3, $0x3  }
0xdf: {  	v3 =	vand.u32 $0x7, v3;
	v4 =	vand.u32 $0xFFFFFFC0, v56  }
0xe0: {  	v3 =	vor.u32 v3, v4  }
0xe1: {  	v4 =	vperm.xlane v3, v0;
	_ =	sdelay $0x1  }
0xe2: {  	v4 =	vadd.s32 v1, v4;
	_ =	sdelay $0x4  }
0xe3: {  	[tilespmem:s20], [sflag:$0x2] =	stream.indirect_vreg.gather [hbm4b:s2+s3], $0x80, v4, vm0, $0xb8;
	[tilespmem:$0x8100] =	vst v63  }
0xe4: {  	v3 =	vperm.xlane v3, v2  }
0xe5: {  	[tilespmem:s21], [sflag:$0x2] =	stream.indirect_vreg.gather [hbm4b:s4+s3], $0x80, v4, vm0, $0xb8;
	[tilespmem:$0x8100] =	vst v63  }
0xe6: {  	v3 =	vadd.s32 v1, v3  }
0xe7: {  	[tilespmem:s22], [sflag:$0x2] =	stream.indirect_vreg.gather [hbm4b:s5+s3], $0x80, v4, vm0, $0xb8;
	[tilespmem:$0x8100] =	vst v63  }
0xe8: {  	_ = 	snop  }
0xe9: {  	[tilespmem:s23], [sflag:$0x2] =	stream.indirect_vreg.gather [hbm4b:s6+s3], $0x80, v4, vm0, $0xb8;
	[tilespmem:$0x8100] =	vst v63  }
0xea: {  	_ = 	snop  }
0xeb: {  	[tilespmem:s24], [sflag:$0x2] =	stream.indirect_vreg.gather [hbm4b:s2+s3], $0x80, v3, vm0, $0xb8;
	[tilespmem:$0x8100] =	vst v63  }
0xec: {  	_ = 	snop  }
0xed: {  	[tilespmem:s25], [sflag:$0x2] =	stream.indirect_vreg.gather [hbm4b:s4+s3], $0x80, v3, vm0, $0xb8;
	[tilespmem:$0x8100] =	vst v63  }
0xee: {  	_ = 	snop  }
0xef: {  	[tilespmem:s26], [sflag:$0x2] =	stream.indirect_vreg.gather [hbm4b:s5+s3], $0x80, v3, vm0, $0xb8;
	[tilespmem:$0x8100] =	vst v63  }
0xf0: {  	_ = 	snop  }
0xf1: {  	[tilespmem:s28], [sflag:$0x2] =	stream.indirect_vreg.gather [hbm4b:s6+s3], $0x80, v3, vm0, $0xb8;
	[tilespmem:$0x8100] =	vst v63  }
0xf2: {  	_ =	swait.ge [sflag:s29], $0x4000  }
0xf3: {  	[sflag:s29] =	ssyncset.done $0x0  }
0xf4: {  	s0 =	rddreg [dreg:$0xb];
	[sflag:s29] =	ssyncadd.s32 $0xFFFFC000  }
0xf5: {  	[hbm4b:s0+s3] =	stream.linear.scatter [tilespmem:s12], [sflag:$0x3], $0x4000, $0x38;
	[tilespmem:$0x8100] =	vst v63  }
0xf6: {  	_ =	swait.ge [sflag:s30], $0x4000  }
0xf7: {  	[sflag:s30] =	ssyncset.done $0x0  }
0xf8: {  	[sflag:s30] =	ssyncadd.s32 $0xFFFFC000  }
0xf9: {  	v3 =	vld [tilespmem:$0x80];
	_ =	sdelay $0x4  }
0xfa: {  	v57 =	vshll.u32 v3, $0x3  }
0xfb: {  	v3 =	vand.u32 $0x7, v3;
	v4 =	vand.u32 $0xFFFFFFC0, v57  }
0xfc: {  	v3 =	vor.u32 v3, v4  }
0xfd: {  	v4 =	vperm.xlane v3, v0;
	_ =	sdelay $0x1  }
0xfe: {  	v4 =	vadd.s32 v1, v4;
	_ =	sdelay $0x4  }
0xff: {  	[tilespmem:s12], [sflag:$0x1] =	stream.indirect_vreg.gather [hbm4b:s2+s3], $0x80, v4, vm0, $0xb8;
	[tilespmem:$0x8100] =	vst v63  }
0x100: {  	v3 =	vperm.xlane v3, v2  }
0x101: {  	[tilespmem:s13], [sflag:$0x1] =	stream.indirect_vreg.gather [hbm4b:s4+s3], $0x80, v4, vm0, $0xb8;
	[tilespmem:$0x8100] =	vst v63  }
0x102: {  	v3 =	vadd.s32 v1, v3  }
0x103: {  	[tilespmem:s14], [sflag:$0x1] =	stream.indirect_vreg.gather [hbm4b:s5+s3], $0x80, v4, vm0, $0xb8;
	[tilespmem:$0x8100] =	vst v63  }
0x104: {  	_ = 	snop  }
0x105: {  	[tilespmem:s15], [sflag:$0x1] =	stream.indirect_vreg.gather [hbm4b:s6+s3], $0x80, v4, vm0, $0xb8;
	[tilespmem:$0x8100] =	vst v63  }
0x106: {  	_ = 	snop  }
0x107: {  	[tilespmem:s16], [sflag:$0x1] =	stream.indirect_vreg.gather [hbm4b:s2+s3], $0x80, v3, vm0, $0xb8;
	[tilespmem:$0x8100] =	vst v63  }
0x108: {  	_ = 	snop  }
0x109: {  	[tilespmem:s17], [sflag:$0x1] =	stream.indirect_vreg.gather [hbm4b:s4+s3], $0x80, v3, vm0, $0xb8;
	[tilespmem:$0x8100] =	vst v63  }
0x10a: {  	_ = 	snop  }
0x10b: {  	[tilespmem:s18], [sflag:$0x1] =	stream.indirect_vreg.gather [hbm4b:s5+s3], $0x80, v3, vm0, $0xb8;
	[tilespmem:$0x8100] =	vst v63  }
0x10c: {  	_ = 	snop  }
0x10d: {  	[tilespmem:s19], [sflag:$0x1] =	stream.indirect_vreg.gather [hbm4b:s6+s3], $0x80, v3, vm0, $0xb8;
	[tilespmem:$0x8100] =	vst v63  }
0x10e: {  	_ =	swait.ge [sflag:s31], $0x4000  }
0x10f: {  	[sflag:s31] =	ssyncset.done $0x0  }
0x110: {  	s0 =	rddreg [dreg:$0xc];
	[sflag:s31] =	ssyncadd.s32 $0xFFFFC000  }
0x111: {  	[hbm4b:s0+s3] =	stream.linear.scatter [tilespmem:s20], [sflag:$0x4], $0x4000, $0x38;
	[tilespmem:$0x8100] =	vst v63  }
0x112: {  	_ =	swait.ge [sflag:s1], $0x4000  }
0x113: {  	[sflag:s1] =	ssyncset.done $0x0  }
0x114: {  	[sflag:s1] =	ssyncadd.s32 $0xFFFFC000  }
0x115: {  	v3 =	vld [tilespmem:$0x90];
	_ =	sdelay $0x4  }
0x116: {  	v58 =	vshll.u32 v3, $0x3  }
0x117: {  	v3 =	vand.u32 $0x7, v3;
	v4 =	vand.u32 $0xFFFFFFC0, v58  }
0x118: {  	v3 =	vor.u32 v3, v4  }
0x119: {  	v4 =	vperm.xlane v3, v0;
	_ =	sdelay $0x1  }
0x11a: {  	v4 =	vadd.s32 v1, v4;
	_ =	sdelay $0x4  }
0x11b: {  	[tilespmem:s20], [sflag:$0x2] =	stream.indirect_vreg.gather [hbm4b:s2+s3], $0x80, v4, vm0, $0xb8;
	[tilespmem:$0x8100] =	vst v63  }
0x11c: {  	v3 =	vperm.xlane v3, v2  }
0x11d: {  	[tilespmem:s21], [sflag:$0x2] =	stream.indirect_vreg.gather [hbm4b:s4+s3], $0x80, v4, vm0, $0xb8;
	[tilespmem:$0x8100] =	vst v63  }
0x11e: {  	v3 =	vadd.s32 v1, v3  }
0x11f: {  	[tilespmem:s22], [sflag:$0x2] =	stream.indirect_vreg.gather [hbm4b:s5+s3], $0x80, v4, vm0, $0xb8;
	[tilespmem:$0x8100] =	vst v63  }
0x120: {  	_ = 	snop  }
0x121: {  	[tilespmem:s23], [sflag:$0x2] =	stream.indirect_vreg.gather [hbm4b:s6+s3], $0x80, v4, vm0, $0xb8;
	[tilespmem:$0x8100] =	vst v63  }
0x122: {  	_ = 	snop  }
0x123: {  	[tilespmem:s24], [sflag:$0x2] =	stream.indirect_vreg.gather [hbm4b:s2+s3], $0x80, v3, vm0, $0xb8;
	[tilespmem:$0x8100] =	vst v63  }
0x124: {  	_ = 	snop  }
0x125: {  	[tilespmem:s25], [sflag:$0x2] =	stream.indirect_vreg.gather [hbm4b:s4+s3], $0x80, v3, vm0, $0xb8;
	[tilespmem:$0x8100] =	vst v63  }
0x126: {  	_ = 	snop  }
0x127: {  	[tilespmem:s26], [sflag:$0x2] =	stream.indirect_vreg.gather [hbm4b:s5+s3], $0x80, v3, vm0, $0xb8;
	[tilespmem:$0x8100] =	vst v63  }
0x128: {  	_ = 	snop  }
0x129: {  	[tilespmem:s28], [sflag:$0x2] =	stream.indirect_vreg.gather [hbm4b:s6+s3], $0x80, v3, vm0, $0xb8;
	[tilespmem:$0x8100] =	vst v63  }
0x12a: {  	_ =	swait.ge [sflag:s29], $0x4000  }
0x12b: {  	[sflag:s29] =	ssyncset.done $0x0  }
0x12c: {  	s0 =	rddreg [dreg:$0xd];
	[sflag:s29] =	ssyncadd.s32 $0xFFFFC000  }
0x12d: {  	[hbm4b:s0+s3] =	stream.linear.scatter [tilespmem:s12], [sflag:$0x3], $0x4000, $0x38;
	[tilespmem:$0x8100] =	vst v63  }
0x12e: {  	_ =	swait.ge [sflag:s30], $0x4000  }
0x12f: {  	[sflag:s30] =	ssyncset.done $0x0  }
0x130: {  	[sflag:s30] =	ssyncadd.s32 $0xFFFFC000  }
0x131: {  	v3 =	vld [tilespmem:$0xA0];
	_ =	sdelay $0x4  }
0x132: {  	v59 =	vshll.u32 v3, $0x3  }
0x133: {  	v3 =	vand.u32 $0x7, v3;
	v4 =	vand.u32 $0xFFFFFFC0, v59  }
0x134: {  	v3 =	vor.u32 v3, v4  }
0x135: {  	v4 =	vperm.xlane v3, v0;
	_ =	sdelay $0x1  }
0x136: {  	v4 =	vadd.s32 v1, v4;
	_ =	sdelay $0x4  }
0x137: {  	[tilespmem:s12], [sflag:$0x1] =	stream.indirect_vreg.gather [hbm4b:s2+s3], $0x80, v4, vm0, $0xb8;
	[tilespmem:$0x8100] =	vst v63  }
0x138: {  	v3 =	vperm.xlane v3, v2  }
0x139: {  	[tilespmem:s13], [sflag:$0x1] =	stream.indirect_vreg.gather [hbm4b:s4+s3], $0x80, v4, vm0, $0xb8;
	[tilespmem:$0x8100] =	vst v63  }
0x13a: {  	v3 =	vadd.s32 v1, v3  }
0x13b: {  	[tilespmem:s14], [sflag:$0x1] =	stream.indirect_vreg.gather [hbm4b:s5+s3], $0x80, v4, vm0, $0xb8;
	[tilespmem:$0x8100] =	vst v63  }
0x13c: {  	_ = 	snop  }
0x13d: {  	[tilespmem:s15], [sflag:$0x1] =	stream.indirect_vreg.gather [hbm4b:s6+s3], $0x80, v4, vm0, $0xb8;
	[tilespmem:$0x8100] =	vst v63  }
0x13e: {  	_ = 	snop  }
0x13f: {  	[tilespmem:s16], [sflag:$0x1] =	stream.indirect_vreg.gather [hbm4b:s2+s3], $0x80, v3, vm0, $0xb8;
	[tilespmem:$0x8100] =	vst v63  }
0x140: {  	_ = 	snop  }
0x141: {  	[tilespmem:s17], [sflag:$0x1] =	stream.indirect_vreg.gather [hbm4b:s4+s3], $0x80, v3, vm0, $0xb8;
	[tilespmem:$0x8100] =	vst v63  }
0x142: {  	_ = 	snop  }
0x143: {  	[tilespmem:s18], [sflag:$0x1] =	stream.indirect_vreg.gather [hbm4b:s5+s3], $0x80, v3, vm0, $0xb8;
	[tilespmem:$0x8100] =	vst v63  }
0x144: {  	_ = 	snop  }
0x145: {  	[tilespmem:s19], [sflag:$0x1] =	stream.indirect_vreg.gather [hbm4b:s6+s3], $0x80, v3, vm0, $0xb8;
	[tilespmem:$0x8100] =	vst v63  }
0x146: {  	_ =	swait.ge [sflag:s31], $0x4000  }
0x147: {  	[sflag:s31] =	ssyncset.done $0x0  }
0x148: {  	s0 =	rddreg [dreg:$0xe];
	[sflag:s31] =	ssyncadd.s32 $0xFFFFC000  }
0x149: {  	[hbm4b:s0+s3] =	stream.linear.scatter [tilespmem:s20], [sflag:$0x4], $0x4000, $0x38;
	[tilespmem:$0x8100] =	vst v63  }
0x14a: {  	_ =	swait.ge [sflag:s1], $0x4000  }
0x14b: {  	[sflag:s1] =	ssyncset.done $0x0  }
0x14c: {  	[sflag:s1] =	ssyncadd.s32 $0xFFFFC000  }
0x14d: {  	v3 =	vld [tilespmem:$0xB0];
	_ =	sdelay $0x4  }
0x14e: {  	v60 =	vshll.u32 v3, $0x3  }
0x14f: {  	v3 =	vand.u32 $0x7, v3;
	v4 =	vand.u32 $0xFFFFFFC0, v60  }
0x150: {  	v3 =	vor.u32 v3, v4  }
0x151: {  	v4 =	vperm.xlane v3, v0;
	_ =	sdelay $0x1  }
0x152: {  	v4 =	vadd.s32 v1, v4;
	_ =	sdelay $0x4  }
0x153: {  	[tilespmem:s20], [sflag:$0x2] =	stream.indirect_vreg.gather [hbm4b:s2+s3], $0x80, v4, vm0, $0xb8;
	[tilespmem:$0x8100] =	vst v63  }
0x154: {  	v3 =	vperm.xlane v3, v2  }
0x155: {  	[tilespmem:s21], [sflag:$0x2] =	stream.indirect_vreg.gather [hbm4b:s4+s3], $0x80, v4, vm0, $0xb8;
	[tilespmem:$0x8100] =	vst v63  }
0x156: {  	v3 =	vadd.s32 v1, v3  }
0x157: {  	[tilespmem:s22], [sflag:$0x2] =	stream.indirect_vreg.gather [hbm4b:s5+s3], $0x80, v4, vm0, $0xb8;
	[tilespmem:$0x8100] =	vst v63  }
0x158: {  	_ = 	snop  }
0x159: {  	[tilespmem:s23], [sflag:$0x2] =	stream.indirect_vreg.gather [hbm4b:s6+s3], $0x80, v4, vm0, $0xb8;
	[tilespmem:$0x8100] =	vst v63  }
0x15a: {  	_ = 	snop  }
0x15b: {  	[tilespmem:s24], [sflag:$0x2] =	stream.indirect_vreg.gather [hbm4b:s2+s3], $0x80, v3, vm0, $0xb8;
	[tilespmem:$0x8100] =	vst v63  }
0x15c: {  	_ = 	snop  }
0x15d: {  	[tilespmem:s25], [sflag:$0x2] =	stream.indirect_vreg.gather [hbm4b:s4+s3], $0x80, v3, vm0, $0xb8;
	[tilespmem:$0x8100] =	vst v63  }
0x15e: {  	_ = 	snop  }
0x15f: {  	[tilespmem:s26], [sflag:$0x2] =	stream.indirect_vreg.gather [hbm4b:s5+s3], $0x80, v3, vm0, $0xb8;
	[tilespmem:$0x8100] =	vst v63  }
0x160: {  	_ = 	snop  }
0x161: {  	[tilespmem:s28], [sflag:$0x2] =	stream.indirect_vreg.gather [hbm4b:s6+s3], $0x80, v3, vm0, $0xb8;
	[tilespmem:$0x8100] =	vst v63  }
0x162: {  	_ =	swait.ge [sflag:s29], $0x4000  }
0x163: {  	[sflag:s29] =	ssyncset.done $0x0  }
0x164: {  	s0 =	rddreg [dreg:$0xf];
	[sflag:s29] =	ssyncadd.s32 $0xFFFFC000  }
0x165: {  	[hbm4b:s0+s3] =	stream.linear.scatter [tilespmem:s12], [sflag:$0x3], $0x4000, $0x38;
	[tilespmem:$0x8100] =	vst v63  }
0x166: {  	_ =	swait.ge [sflag:s30], $0x4000  }
0x167: {  	[sflag:s30] =	ssyncset.done $0x0  }
0x168: {  	[sflag:s30] =	ssyncadd.s32 $0xFFFFC000  }
0x169: {  	v3 =	vld [tilespmem:$0xC0];
	_ =	sdelay $0x4  }
0x16a: {  	v61 =	vshll.u32 v3, $0x3  }
0x16b: {  	v3 =	vand.u32 $0x7, v3;
	v4 =	vand.u32 $0xFFFFFFC0, v61  }
0x16c: {  	v3 =	vor.u32 v3, v4  }
0x16d: {  	v4 =	vperm.xlane v3, v0;
	_ =	sdelay $0x1  }
0x16e: {  	v4 =	vadd.s32 v1, v4;
	_ =	sdelay $0x4  }
0x16f: {  	[tilespmem:s12], [sflag:$0x1] =	stream.indirect_vreg.gather [hbm4b:s2+s3], $0x80, v4, vm0, $0xb8;
	[tilespmem:$0x8100] =	vst v63  }
0x170: {  	v3 =	vperm.xlane v3, v2  }
0x171: {  	[tilespmem:s13], [sflag:$0x1] =	stream.indirect_vreg.gather [hbm4b:s4+s3], $0x80, v4, vm0, $0xb8;
	[tilespmem:$0x8100] =	vst v63  }
0x172: {  	v3 =	vadd.s32 v1, v3  }
0x173: {  	[tilespmem:s14], [sflag:$0x1] =	stream.indirect_vreg.gather [hbm4b:s5+s3], $0x80, v4, vm0, $0xb8;
	[tilespmem:$0x8100] =	vst v63  }
0x174: {  	_ = 	snop  }
0x175: {  	[tilespmem:s15], [sflag:$0x1] =	stream.indirect_vreg.gather [hbm4b:s6+s3], $0x80, v4, vm0, $0xb8;
	[tilespmem:$0x8100] =	vst v63  }
0x176: {  	_ = 	snop  }
0x177: {  	[tilespmem:s16], [sflag:$0x1] =	stream.indirect_vreg.gather [hbm4b:s2+s3], $0x80, v3, vm0, $0xb8;
	[tilespmem:$0x8100] =	vst v63  }
0x178: {  	_ = 	snop  }
0x179: {  	[tilespmem:s17], [sflag:$0x1] =	stream.indirect_vreg.gather [hbm4b:s4+s3], $0x80, v3, vm0, $0xb8;
	[tilespmem:$0x8100] =	vst v63  }
0x17a: {  	_ = 	snop  }
0x17b: {  	[tilespmem:s18], [sflag:$0x1] =	stream.indirect_vreg.gather [hbm4b:s5+s3], $0x80, v3, vm0, $0xb8;
	[tilespmem:$0x8100] =	vst v63  }
0x17c: {  	_ = 	snop  }
0x17d: {  	[tilespmem:s19], [sflag:$0x1] =	stream.indirect_vreg.gather [hbm4b:s6+s3], $0x80, v3, vm0, $0xb8;
	[tilespmem:$0x8100] =	vst v63  }
0x17e: {  	_ =	swait.ge [sflag:s31], $0x4000  }
0x17f: {  	[sflag:s31] =	ssyncset.done $0x0  }
0x180: {  	s0 =	rddreg [dreg:$0x10];
	[sflag:s31] =	ssyncadd.s32 $0xFFFFC000  }
0x181: {  	[hbm4b:s0+s3] =	stream.linear.scatter [tilespmem:s20], [sflag:$0x4], $0x4000, $0x38;
	[tilespmem:$0x8100] =	vst v63  }
0x182: {  	_ =	swait.ge [sflag:s1], $0x4000  }
0x183: {  	[sflag:s1] =	ssyncset.done $0x0  }
0x184: {  	[sflag:s1] =	ssyncadd.s32 $0xFFFFC000  }
0x185: {  	v3 =	vld [tilespmem:$0xD0];
	_ =	sdelay $0x4  }
0x186: {  	v62 =	vshll.u32 v3, $0x3  }
0x187: {  	v3 =	vand.u32 $0x7, v3;
	v4 =	vand.u32 $0xFFFFFFC0, v62  }
0x188: {  	v3 =	vor.u32 v3, v4  }
0x189: {  	v4 =	vperm.xlane v3, v0;
	_ =	sdelay $0x1  }
0x18a: {  	v4 =	vadd.s32 v1, v4;
	_ =	sdelay $0x4  }
0x18b: {  	[tilespmem:s20], [sflag:$0x2] =	stream.indirect_vreg.gather [hbm4b:s2+s3], $0x80, v4, vm0, $0xb8;
	[tilespmem:$0x8100] =	vst v63  }
0x18c: {  	v3 =	vperm.xlane v3, v2  }
0x18d: {  	[tilespmem:s21], [sflag:$0x2] =	stream.indirect_vreg.gather [hbm4b:s4+s3], $0x80, v4, vm0, $0xb8;
	[tilespmem:$0x8100] =	vst v63  }
0x18e: {  	v3 =	vadd.s32 v1, v3  }
0x18f: {  	[tilespmem:s22], [sflag:$0x2] =	stream.indirect_vreg.gather [hbm4b:s5+s3], $0x80, v4, vm0, $0xb8;
	[tilespmem:$0x8100] =	vst v63  }
0x190: {  	_ = 	snop  }
0x191: {  	[tilespmem:s23], [sflag:$0x2] =	stream.indirect_vreg.gather [hbm4b:s6+s3], $0x80, v4, vm0, $0xb8;
	[tilespmem:$0x8100] =	vst v63  }
0x192: {  	_ = 	snop  }
0x193: {  	[tilespmem:s24], [sflag:$0x2] =	stream.indirect_vreg.gather [hbm4b:s2+s3], $0x80, v3, vm0, $0xb8;
	[tilespmem:$0x8100] =	vst v63  }
0x194: {  	_ = 	snop  }
0x195: {  	[tilespmem:s25], [sflag:$0x2] =	stream.indirect_vreg.gather [hbm4b:s4+s3], $0x80, v3, vm0, $0xb8;
	[tilespmem:$0x8100] =	vst v63  }
0x196: {  	_ = 	snop  }
0x197: {  	[tilespmem:s26], [sflag:$0x2] =	stream.indirect_vreg.gather [hbm4b:s5+s3], $0x80, v3, vm0, $0xb8;
	[tilespmem:$0x8100] =	vst v63  }
0x198: {  	_ = 	snop  }
0x199: {  	[tilespmem:s28], [sflag:$0x2] =	stream.indirect_vreg.gather [hbm4b:s6+s3], $0x80, v3, vm0, $0xb8;
	[tilespmem:$0x8100] =	vst v63  }
0x19a: {  	_ =	swait.ge [sflag:s29], $0x4000  }
0x19b: {  	[sflag:s29] =	ssyncset.done $0x0  }
0x19c: {  	[sflag:s29] =	ssyncadd.s32 $0xFFFFC000  }
0x19d: {  	[hbm4b:s7+s3] =	stream.linear.scatter [tilespmem:s12], [sflag:$0x3], $0x4000, $0x38;
	[tilespmem:$0x8100] =	vst v63  }
0x19e: {  	_ =	swait.ge [sflag:s30], $0x4000  }
0x19f: {  	[sflag:s30] =	ssyncset.done $0x0  }
0x1a0: {  	[sflag:s30] =	ssyncadd.s32 $0xFFFFC000  }
0x1a1: {  	v3 =	vld [tilespmem:$0xE0];
	_ =	sdelay $0x4  }
0x1a2: {  	v63 =	vshll.u32 v3, $0x3  }
0x1a3: {  	v3 =	vand.u32 $0x7, v3;
	v4 =	vand.u32 $0xFFFFFFC0, v63  }
0x1a4: {  	v3 =	vor.u32 v3, v4  }
0x1a5: {  	v4 =	vperm.xlane v3, v0;
	_ =	sdelay $0x1  }
0x1a6: {  	v4 =	vadd.s32 v1, v4;
	_ =	sdelay $0x4  }
0x1a7: {  	[tilespmem:s12], [sflag:$0x1] =	stream.indirect_vreg.gather [hbm4b:s2+s3], $0x80, v4, vm0, $0xb8;
	[tilespmem:$0x8100] =	vst v63  }
0x1a8: {  	v3 =	vperm.xlane v3, v2  }
0x1a9: {  	[tilespmem:s13], [sflag:$0x1] =	stream.indirect_vreg.gather [hbm4b:s4+s3], $0x80, v4, vm0, $0xb8;
	[tilespmem:$0x8100] =	vst v63  }
0x1aa: {  	v3 =	vadd.s32 v1, v3  }
0x1ab: {  	[tilespmem:s14], [sflag:$0x1] =	stream.indirect_vreg.gather [hbm4b:s5+s3], $0x80, v4, vm0, $0xb8;
	[tilespmem:$0x8100] =	vst v63  }
0x1ac: {  	_ = 	snop  }
0x1ad: {  	[tilespmem:s15], [sflag:$0x1] =	stream.indirect_vreg.gather [hbm4b:s6+s3], $0x80, v4, vm0, $0xb8;
	[tilespmem:$0x8100] =	vst v63  }
0x1ae: {  	_ = 	snop  }
0x1af: {  	[tilespmem:s16], [sflag:$0x1] =	stream.indirect_vreg.gather [hbm4b:s2+s3], $0x80, v3, vm0, $0xb8;
	[tilespmem:$0x8100] =	vst v63  }
0x1b0: {  	_ = 	snop  }
0x1b1: {  	[tilespmem:s17], [sflag:$0x1] =	stream.indirect_vreg.gather [hbm4b:s4+s3], $0x80, v3, vm0, $0xb8;
	[tilespmem:$0x8100] =	vst v63  }
0x1b2: {  	_ = 	snop  }
0x1b3: {  	[tilespmem:s18], [sflag:$0x1] =	stream.indirect_vreg.gather [hbm4b:s5+s3], $0x80, v3, vm0, $0xb8;
	[tilespmem:$0x8100] =	vst v63  }
0x1b4: {  	_ = 	snop  }
0x1b5: {  	[tilespmem:s19], [sflag:$0x1] =	stream.indirect_vreg.gather [hbm4b:s6+s3], $0x80, v3, vm0, $0xb8;
	[tilespmem:$0x8100] =	vst v63  }
0x1b6: {  	_ =	swait.ge [sflag:s31], $0x4000  }
0x1b7: {  	[sflag:s31] =	ssyncset.done $0x0  }
0x1b8: {  	[sflag:s31] =	ssyncadd.s32 $0xFFFFC000  }
0x1b9: {  	[hbm4b:s8+s3] =	stream.linear.scatter [tilespmem:s20], [sflag:$0x4], $0x4000, $0x38;
	[tilespmem:$0x8100] =	vst v63  }
0x1ba: {  	_ =	swait.ge [sflag:s29], $0x4000  }
0x1bb: {  	[sflag:s29] =	ssyncset.done $0x0  }
0x1bc: {  	[sflag:s29] =	ssyncadd.s32 $0xFFFFC000  }
0x1bd: {  	[hbm4b:s9+s3] =	stream.linear.scatter [tilespmem:s12], [sflag:$0x3], $0x4000, $0x38;
	[tilespmem:$0x8100] =	vst v63  }
0x1be: {  	p0 =	sne.s32 s10, $0x1;
	_ =	swait.ge [sflag:s30], $0x4000  }
.Ltmp0:
0x1bf: {  	[sflag:s30] =	ssyncset.done $0x0;
	(pc) =	sbr.rel @p0 .LBB2_1-.Ltmp0, $4  }
0x1c0: {  	[sflag:s30] =	ssyncadd.s32 $0xFFFFC000  }
0x1c1: {  	_ =	swait.ge [sflag:s1], $0x4000  }
0x1c2: {  	[sflag:s1] =	ssyncset.done $0x0  }
0x1c3: {  	s10 =	sadd.s32 $0xFFFFFFFF, s10;
	[sflag:s1] =	ssyncadd.s32 $0xFFFFC000  }
0x1c4: {  	_ =	sfence.sel $0x180000  }
0x1c5: {  	[bflag:$0x0] =	sbarrier.arrive $0xFFFF  }
0x1c6: {  	_ =	strace $0x9000004A  }
0x1c7: {  	s0 =	stileid.u32;
	[bflag:$0x2] =	sbarrier.arrive $0xFFFF  }
0x1c8: {  	p0 =	sne.s32 s0, $0x0;
	s0 =	rddreg [dreg:$0x3]  }
0x1c9: {  	s0 =	sadd.s32 @!p0 $0x100000, s0  }
0x1ca: {  	[sflag:s0] =	ssyncadd.tile.s32 @!p0 $0x1;
	_ =	shalt  }
.Lfunc_end2:
_tile_overlayer_lowered:
.L_overlay_start_2:
0x1cb: {  	(tag) =	ssettag $0x2  }
0x1cc: {  	s0 =	rddreg [dreg:$0x0];
	s2 =	stileid.u32  }
0x1cd: {  	s1 =	rddreg [dreg:$0x1];
	p0 =	sne.s32 s2, $0x0  }
0x1ce: {  	s3 =	rddreg [dreg:$0x2];
	[bflag:$0x3] =	sbarrier.arrive $0xFFFF;
	s2 =	simm.s32 @!p0 $0x1C05  }
0x1cf: {  	[timem:s3], [sflag:s2] =	dma.local @!p0 [hbm:s0], s1  }
0x1d0: {  	s0 =	simm.s32 @!p0 $0x5  }
0x1d1: {  	_ =	swait.ge @!p0 [sflag:s0], s1  }
0x1d2: {  	s1 =	ssub.s32 @!p0 $0x0, s1;
	[sflag:s0] =	ssyncset.done @!p0 $0x0  }
0x1d3: {  	[sflag:s0] =	ssyncadd.s32 @!p0 s1  }
0x1d4: {  	[bflag:$0x3] =	sbarrier.arrive $0xFFFF  }
0x1d5: {  	_ =	shalt  }

// kernel: kernel.14.cloned.1.call-start
scs
__scs_entry_jumppad:
0x0: {  	(pc) =	sbr.rel $0x88, $3  }
0x1: {  	(tag) =	ssettag $0x0;
	lr =	simm.s32 $0x1  }
0x2: {  	[smem:$0x3F95] =	sst lr;
	_ =	strace $0xD0000000  }
0x3: {  	_ = 	snop  }
0x4: {  	_ = 	snop  }
0x5: {  	_ = 	snop  }
0x6: {  	_ = 	snop  }
0x7: {  	_ = 	snop  }
__scs_overlays_trampoline_lowered:
0x8: {  	[smem:$0x3FA4] =	sst s0  }
0x9: {  	[smem:$0x3FA5] =	sst s1  }
0xa: {  	[smem:$0x3FA6] =	sst s2  }
0xb: {  	[smem:$0x3FA7] =	sst s3  }
0xc: {  	[smem:$0x3FA8] =	sst s4  }
0xd: {  	[smem:$0x3FA9] =	sst s5  }
0xe: {  	[smem:$0x3FAA] =	sst s6  }
0xf: {  	[smem:$0x3FAB] =	sst s7  }
0x10: {  	[smem:$0x3FAC] =	sst s8  }
0x11: {  	[smem:$0x3FAD] =	sst s9;
	s0 =	simm.s32 @!p0 $0x0  }
0x12: {  	s1 =	sld [smem:$0x3F93];
	s0 =	simm.s32 @p0 $0x1  }
0x13: {  	[smem:$0x3FAE] =	sst s0;
	s0 =	simm.s32 @!p1 $0x0  }
0x14: {  	s2 =	sld [smem:$0x3F92];
	s0 =	simm.s32 @p1 $0x1  }
0x15: {  	[smem:$0x3FAF] =	sst s0;
	s0 =	simm.s32 @!p2 $0x0  }
0x16: {  	s3 =	sld [smem:$0x3FDB];
	s0 =	simm.s32 @p2 $0x1  }
0x17: {  	s4 =	simm.s32 $0x1BF5;
	[smem:$0x3FB1] =	sst s0  }
0x18: {  	s0 =	sld [smem:$0x3F94];
	_ =	swait.ge [sflag:s4], $0x0  }
0x19: {  	s7 =	sld [smem:$0x3F95]  }
0x1a: {  	s8 =	sadd.s32 $0xFFFFE003, lr  }
0x1b: {  	s9 =	sadd.s32 $0xFFFFFEF7, lr;
	s5 =	simm.s32 $0xFFFFFFFF;
	p2 =	slt.u32 s8, $0xFFFFF086  }
0x1c: {  	p1 =	slt.u32 s9, $0xF7A;
	s5 =	simm.s32 @!p2 $0x0  }
0x1d: {  	s5 =	simm.s32 @p1 $0x1;
	p0 =	seq.s32 s7, s2  }
0x1e: {  	s7 =	smul.u32 @!p0 $0xF7A, s2;
	p2 =	seq.s32 @!p0 s5, $0x0  }
0x1f: {  	s9 =	smul.u32 $0xF7A, s1;
	s8 =	simm.s32 @!p0 $0x1BF5;
	p2 =	por !p2, p0  }
0x20: {  	[sflag:s8] =	ssyncset.s32 @!p0 $0xFFFFF086;
	s6 =	sadd.s32 @!p0 s3, s7;
	s7 =	simm.s32 @!p0 $0x108  }
0x21: {  	s3 =	sadd.s32 s3, s9;
	s6 =	sadd.s32 @!p0 $0x88, s6;
	s7 =	simm.s32 @p2 $0x1082  }
0x22: {  	[simem:s7], [sflag:s8] =	dma.local @!p0 [hbm:s6], $0xF7A  }
0x23: {  	s9 =	sor.u32 $0xD0000000, s2;
	s6 =	simm.s32 $0x108;
	_ =	swait.ge @!p0 [sflag:s8], $0x0  }
0x24: {  	s3 =	sadd.s32 $0x88, s3;
	s6 =	simm.s32 @!p1 $0x1082;
	[sflag:s4] =	ssyncset.s32 $0xFFFFF086  }
0x25: {  	[simem:s6], [sflag:s4] =	dma.local [hbm:s3], $0xF7A  }
0x26: {  	[smem:$0x3F95] =	sst s1;
	(tag) =	ssettag s2;
	_ =	strace s9  }
0x27: {  	s1 =	sld [smem:$0x3FA5]  }
0x28: {  	s2 =	sld [smem:$0x3FA6]  }
0x29: {  	s4 =	sld [smem:$0x3FA8]  }
0x2a: {  	p0 =	seq.s32 s5, $0x0;
	s5 =	sld [smem:$0x3FA9]  }
0x2b: {  	s6 =	sld [smem:$0x3FAA]  }
0x2c: {  	s7 =	sld [smem:$0x3FAB]  }
0x2d: {  	s3 =	simm.s32 $0x108;
	s8 =	sld [smem:$0x3FAC]  }
0x2e: {  	s3 =	simm.s32 @!p0 $0x1082;
	s9 =	sld [smem:$0x3FAD]  }
0x2f: {  	lr =	sadd.s32 s0, s3;
	s0 =	sld [smem:$0x3FA4]  }
0x30: {  	s3 =	sld [smem:$0x3FA7]  }
0x31: {  	[smem:$0x3FB0] =	sst s10  }
0x32: {  	s10 =	sld [smem:$0x3FAE];
	_ =	sdelay $0x3  }
0x33: {  	p0 =	seq.s32 s10, $0x1;
	s10 =	sld [smem:$0x3FB0];
	_ =	sdelay $0x3  }
0x34: {  	[smem:$0x3FB0] =	sst s10  }
0x35: {  	s10 =	sld [smem:$0x3FAF];
	_ =	sdelay $0x3  }
0x36: {  	p1 =	seq.s32 s10, $0x1;
	s10 =	sld [smem:$0x3FB0];
	_ =	sdelay $0x3  }
0x37: {  	[smem:$0x3FB0] =	sst s10  }
0x38: {  	s10 =	sld [smem:$0x3FB1]  }
0x39: {  	_ = 	snop;
	(pc) =	sbr.ind lr, $3  }
0x3a: {  	_ = 	snop  }
0x3b: {  	_ = 	snop  }
0x3c: {  	p2 =	seq.s32 s10, $0x1;
	s10 =	sld [smem:$0x3FB0]  }
0x3d: {  	_ =	shalt  }
0x3e: {  	_ =	shalt  }
0x3f: {  	_ =	shalt  }
0x40: {  	_ =	shalt  }
0x41: {  	_ =	shalt  }
0x42: {  	_ =	shalt  }
0x43: {  	_ =	shalt  }
0x44: {  	_ =	shalt  }
0x45: {  	_ =	shalt  }
0x46: {  	_ =	shalt  }
0x47: {  	_ =	shalt  }
0x48: {  	_ =	shalt  }
0x49: {  	_ =	shalt  }
0x4a: {  	_ =	shalt  }
0x4b: {  	_ =	shalt  }
0x4c: {  	_ =	shalt  }
0x4d: {  	_ =	shalt  }
0x4e: {  	_ =	shalt  }
0x4f: {  	_ =	shalt  }
0x50: {  	_ =	shalt  }
0x51: {  	_ =	shalt  }
0x52: {  	_ =	shalt  }
0x53: {  	_ =	shalt  }
0x54: {  	_ =	shalt  }
0x55: {  	_ =	shalt  }
0x56: {  	_ =	shalt  }
0x57: {  	_ =	shalt  }
0x58: {  	_ =	shalt  }
0x59: {  	_ =	shalt  }
0x5a: {  	_ =	shalt  }
0x5b: {  	_ =	shalt  }
0x5c: {  	_ =	shalt  }
0x5d: {  	_ =	shalt  }
0x5e: {  	_ =	shalt  }
0x5f: {  	_ =	shalt  }
0x60: {  	_ =	shalt  }
0x61: {  	_ =	shalt  }
0x62: {  	_ =	shalt  }
0x63: {  	_ =	shalt  }
0x64: {  	_ =	shalt  }
0x65: {  	_ =	shalt  }
0x66: {  	_ =	shalt  }
0x67: {  	_ =	shalt  }
0x68: {  	_ =	shalt  }
0x69: {  	_ =	shalt  }
0x6a: {  	_ =	shalt  }
0x6b: {  	_ =	shalt  }
0x6c: {  	_ =	shalt  }
0x6d: {  	_ =	shalt  }
0x6e: {  	_ =	shalt  }
0x6f: {  	_ =	shalt  }
0x70: {  	_ =	shalt  }
0x71: {  	_ =	shalt  }
0x72: {  	_ =	shalt  }
0x73: {  	_ =	shalt  }
0x74: {  	_ =	shalt  }
0x75: {  	_ =	shalt  }
0x76: {  	_ =	shalt  }
0x77: {  	_ =	shalt  }
0x78: {  	_ =	shalt  }
0x79: {  	_ =	shalt  }
0x7a: {  	_ =	shalt  }
0x7b: {  	_ =	shalt  }
0x7c: {  	_ =	shalt  }
0x7d: {  	_ =	shalt  }
0x7e: {  	_ =	shalt  }
0x7f: {  	_ =	shalt  }
0x80: {  	_ =	shalt  }
0x81: {  	_ =	shalt  }
0x82: {  	_ =	shalt  }
0x83: {  	_ =	shalt  }
0x84: {  	_ =	shalt  }
0x85: {  	_ =	shalt  }
0x86: {  	_ =	shalt  }
0x87: {  	_ =	shalt  }
.Lfunc_end0:
.L_simem_size_0:
called_computation.2_lowered:
.L_overlay_start_0:
0x88: {  	s2 =	sld [smem:$0x3FD9]  }
0x89: {  	s3 =	sld [smem:$0x3FFE];
	_ =	sdelay $0x1  }
0x8a: {  	s1 =	srdreg.scid  }
0x8b: {  	s0 =	sand.u32 $0x1, s1  }
0x8c: {  	s14 =	sshll.u32 s0, $0xA;
	s2 =	sadd.s32 s3, s2  }
0x8d: {  	s2 =	sadd.s32 s2, s14  }
0x8e: {  	[smem:$0x3FBC] =	sst s2  }
0x8f: {  	_ = 	snop  }
0x90: {  	s2 =	sld [smem:$0x3FD0];
	_ =	sdelay $0x2  }
0x91: {  	s15 =	simm.s32 $0xA;
	s4 =	simm.s32 $0x10  }
0x92: {  	[smem:s4], [sflag:s15] =	dma.local [hbm:s2], $0x1  }
0x93: {  	_ =	swait.eq [sflag:s15], $0x1  }
0x94: {  	[sflag:s15] =	ssyncset.done $0x0  }
0x95: {  	[sflag:s15] =	ssyncadd.s32 $0xFFFFFFFF  }
0x96: {  	s16 =	sld [smem:$0x10];
	(tm) =	ssettm $0x1  }
0x97: {  	s17 =	sld [smem:$0x3FFB];
	_ =	sdelay $0x3  }
0x98: {  	_ =	strace s17  }
0x99: {  	s3 =	sld [smem:$0x3FFC];
	_ =	sdelay $0x3  }
0x9a: {  	_ =	strace s3  }
0x9b: {  	s3 =	sld [smem:$0x3FFD];
	_ =	sdelay $0x3  }
0x9c: {  	_ =	strace s3  }
0x9d: {  	_ =	strace $0x8FFFFFFF  }
0x9e: {  	s18 =	sld [smem:$0x3FDB];
	_ =	sdelay $0x1  }
0x9f: {  	s19 =	simm.s32 $_scs_section_size  }
0xa0: {  	s5 =	simm.s32 $_size__tile_overlayer_lowered;
	s6 =	simm.s32 $_tile_overlayer_lowered  }
0xa1: {  	s22 =	simm.s32 $0x1BFF;
	s21 =	sshll.u32 s6, $0x1;
	s3 =	sadd.s32 s19, s18  }
0xa2: {  	s7 =	simm.s32 $0x0;
	s20 =	sshll.u32 s5, $0x1;
	s5 =	sadd.s32 s21, s3  }
0xa3: {  	[timem:s7], [sflag:s22] =	dma.local [hbm:s5], s20  }
0xa4: {  	_ =	swait.ge [sflag:s22], s20  }
0xa5: {  	s4 =	ssub.s32 $0x0, s20;
	[sflag:s22] =	ssyncset.done $0x0  }
0xa6: {  	[sflag:s22] =	ssyncadd.s32 s4;
	_ =	sdelay $0x1  }
0xa7: {  	s23 =	simm.s32 $0x1B8B  }
0xa8: {  	_ =	swait.ge [sflag:s23], $0x1  }
0xa9: {  	[sflag:s23] =	ssyncset.done $0x0  }
0xaa: {  	s25 =	simm.s32 $0x1B8E;
	s24 =	sld [smem:$0x3FFE];
	[sflag:s23] =	ssyncadd.s32 $0xFFFFFFFF  }
0xab: {  	s26 =	simm.s32 $execute0_lowered;
	[smem:$0x3FD2] =	sst s25  }
0xac: {  	s5 =	sshll.u32 s26, $0x1;
	_ =	strace $0x8000004C;
	[dreg:$0x1] =	wrdreg $0xFFFFFFFF  }
0xad: {  	s28 =	simm.s32 $_size_execute0_lowered;
	s3 =	sadd.s32 s3, s5;
	[dreg:$0x0] =	wrdreg $0x0  }
0xae: {  	s5 =	sshll.u32 s28, $0x1;
	[dreg:$0x2] =	wrdreg s3  }
0xaf: {  	[dreg:$0x3] =	wrdreg s5  }
0xb0: {  	[dreg:$0x4] =	wrdreg $0xC0  }
0xb1: {  	_ =	task [dreg:s7], $0x5FFFF  }
0xb2: {  	[dreg:$0x1] =	wrdreg $0xFFFFFFFF  }
0xb3: {  	[dreg:$0x0] =	wrdreg $0x60  }
0xb4: {  	[dreg:$0x2] =	wrdreg s24  }
0xb5: {  	[dreg:$0x3] =	wrdreg s16  }
0xb6: {  	[dreg:$0x4] =	wrdreg $0x9  }
0xb7: {  	_ =	task.clear_ibuf [dreg:s7], $0x5FFFF;
	_ =	strace $0x9000004C  }
0xb8: {  	s29 =	simm.s32 $0x9;
	_ =	strace $0x8000004E  }
0xb9: {  	_ =	swait.ge [sflag:s29], $0x1  }
0xba: {  	[sflag:s29] =	ssyncadd.s32 $0xFFFFFFFF  }
0xbb: {  	_ =	strace $0x9000004E  }
0xbc: {  	_ =	sfence  }
0xbd: {  	s30 =	sld [smem:$0x0];
	_ =	sdelay $0x2  }
0xbe: {  	s31 =	sshll.u32 s1, $0xD;
	s1 =	sshrl.u32 s1, $0x2  }
0xbf: {  	s3 =	sand.u32 $0x4000, s31;
	s1 =	sadd.s32 s1, s30  }
0xc0: {  	s0 =	sor.u32 s3, s0;
	s1 =	sshll.u32 s1, $0x11  }
0xc1: {  	s0 =	sor.u32 s1, s0  }
0xc2: {  	s0 =	sadd.s32 $0x8F2B, s0  }
0xc3: {  	[sflag:s0] =	ssyncadd.remote.s32 $0x1  }
0xc4: {  	_ =	sfence.sel $0xFFFF  }
0xc5: {  	[dreg:$0x0] =	wrdreg $0xFFFFFFFF;
	(pc) =	sbr.abs _section_cstart, $3  }
0xc6: {  	[dreg:$0x1] =	wrdreg $0xFFFFFFFF  }
0xc7: {  	_ =	task.clear_ibuf [dreg:s7], $0x2FFFF;
	_ =	strace $0x9FFFFFFF  }
0xc8: {  	(tm) =	ssettm $0x7FFFFFFF  }
0xc9: {  	_ =	shalt  }
tec
execute0_lowered:
.L_overlay_start_1:
0x0: {  	(tag) =	ssettag $0x1  }
0x1: {  	s0 =	rddreg [dreg:$0x0]  }
0x2: {  	s1 =	rddreg [dreg:$0x1]  }
0x3: {  	s2 =	srdreg.scid;
	s4 =	stileid.u32;
	s14 =	simm.s32 $0x7  }
0x4: {  	s15 =	simm.s32 $0x3;
	s10 =	simm.s32 $0x7900;
	s11 =	simm.s32 $0xC900  }
0x5: {  	s12 =	simm.s32 $0xD900;
	s13 =	simm.s32 $0xE900;
	s28 =	simm.s32 $0x2  }
0x6: {  	s29 =	simm.s32 $0x4;
	s30 =	simm.s32 $0x14100;
	s31 =	simm.s32 $0x5  }
0x7: {  	s3 =	sand.u32 $0x1, s2;
	s2 =	simm.s32 $0x0;
	s4 =	sshll.u32 s4, $0x7  }
0x8: {  	s9 =	sadd.s32 $0xF2700, s0;
	s5 =	sshll.u32 s3, $0x6;
	[smem:$0x7FF] =	sst s2  }
0x9: {  	s19 =	ssub.s32 $0x2, s3;
	s3 =	sadd.s32 $0xF2400, s0;
	s4 =	sor.u32 s5, s4  }
0xa: {  	_ =	strace $0x8000004D;
	s6 =	sshrl.u32 s19, $0x1;
	s20 =	sshrl.u32 s4, $0x3  }
0xb: {  	s5 =	ssub.s32 s19, s6;
	s4 =	sshll.u32 s4, $0x7;
	s6 =	sadd.s32 $0xF2500, s0  }
0xc: {  	s7 =	sadd.s32 s20, s0;
	s8 =	sadd.s32 s1, s4;
	s26 =	smax.u32 s5, $0x1  }
0xd: {  	s1 =	simm.s32 $0x1;
	s21 =	sadd.s32 $0x1A00, s7;
	[dreg:$0x8] =	wrdreg s26  }
0xe: {  	s4 =	simm.s32 $0x0;
	s22 =	sadd.s32 $0x1800, s7;
	[dreg:$0x3] =	wrdreg s21  }
0xf: {  	s7 =	sadd.s32 $0xF2600, s0;
	s23 =	sadd.s32 $0x800, s8;
	[dreg:$0x4] =	wrdreg s22  }
0x10: {  	s24 =	sadd.s32 $0x1000, s8;
	s25 =	sadd.s32 $0x1800, s8;
	[dreg:$0x5] =	wrdreg s23  }
0x11: {  	v2 =	vlaneseq.u32;
	s26 =	simm.s32 $0x10100;
	s0 =	simm.s32 $0x6;
	[dreg:$0x6] =	wrdreg s24  }
0x12: {  	vm0 =	vmmov $0xffff;
	v1 =	vshrl.u32 v2, $0x3;
	[dreg:$0x7] =	wrdreg s25;
	s21 =	simm.s32 $0xC100;
	s22 =	simm.s32 $0xD100  }
0x13: {  	v0 =	vand.u32 $0x7, v2;
	v2 =	vor.u32 $0x8, v2;
	v1 =	vmul.u32 $0x8, v1;
	s23 =	simm.s32 $0xE100;
	s24 =	simm.s32 $0xF100;
	s25 =	simm.s32 $0xF900  }
.LBB2_1:
0x14: {  	s5 =	rddreg [dreg:$0x3]  }
0x15: {  	[tilespmem:s2], [sflag:$0x7] =	stream.linear.gather [hbm4b:s5+s2], $0x40, $0x38;
	[tilespmem:$0x18100] =	vst v63  }
0x16: {  	_ =	swait.ge [sflag:s14], $0x40  }
0x17: {  	[sflag:s14] =	ssyncset.done $0x0  }
0x18: {  	s16 =	simm.s32 $0x80;
	s19 =	rddreg [dreg:$0x4];
	[sflag:s14] =	ssyncadd.s32 $0xFFFFFFC0  }
0x19: {  	[tilespmem:s16], [sflag:$0x7] =	stream.linear.gather [hbm4b:s19+s2], $0x40, $0x38;
	[tilespmem:$0x18100] =	vst v63  }
0x1a: {  	_ =	swait.ge [sflag:s14], $0x40  }
0x1b: {  	[sflag:s14] =	ssyncset.done $0x0  }
0x1c: {  	[sflag:s14] =	ssyncadd.s32 $0xFFFFFFC0  }
0x1d: {  	v3 =	vld [tilespmem:$0x0];
	_ =	sdelay $0x4  }
0x1e: {  	v4 =	vshll.u32 v3, $0x3  }
0x1f: {  	v3 =	vand.u32 $0x7, v3;
	v4 =	vand.u32 $0xFFFFFFC0, v4  }
0x20: {  	v3 =	vor.u32 v3, v4  }
0x21: {  	v4 =	vperm.xlane v3, v0;
	_ =	sdelay $0x1  }
0x22: {  	v4 =	vadd.s32 v1, v4;
	_ =	sdelay $0x3  }
0x23: {  	s20 =	simm.s32 $0x100  }
0x24: {  	[tilespmem:s20], [sflag:$0x1] =	stream.indirect_vreg.gather [hbm4b:s3+s2], $0x80, v4, vm0, $0xb8;
	[tilespmem:$0x18100] =	vst v63  }
0x25: {  	s16 =	simm.s32 $0x900;
	v3 =	vperm.xlane v3, v2  }
0x26: {  	[tilespmem:s16], [sflag:$0x1] =	stream.indirect_vreg.gather [hbm4b:s6+s2], $0x80, v4, vm0, $0xb8;
	[tilespmem:$0x18100] =	vst v63  }
0x27: {  	s17 =	simm.s32 $0x1100;
	v3 =	vadd.s32 v1, v3  }
0x28: {  	[tilespmem:s17], [sflag:$0x1] =	stream.indirect_vreg.gather [hbm4b:s7+s2], $0x80, v4, vm0, $0xb8;
	[tilespmem:$0x18100] =	vst v63  }
0x29: {  	s18 =	simm.s32 $0x1900  }
0x2a: {  	[tilespmem:s18], [sflag:$0x1] =	stream.indirect_vreg.gather [hbm4b:s9+s2], $0x80, v4, vm0, $0xb8;
	[tilespmem:$0x18100] =	vst v63  }
0x2b: {  	s19 =	simm.s32 $0x2100  }
0x2c: {  	[tilespmem:s19], [sflag:$0x1] =	stream.indirect_vreg.gather [hbm4b:s3+s2], $0x80, v3, vm0, $0xb8;
	[tilespmem:$0x18100] =	vst v63  }
0x2d: {  	s20 =	simm.s32 $0x2900  }
0x2e: {  	[tilespmem:s20], [sflag:$0x1] =	stream.indirect_vreg.gather [hbm4b:s6+s2], $0x80, v3, vm0, $0xb8;
	[tilespmem:$0x18100] =	vst v63  }
0x2f: {  	s16 =	simm.s32 $0x3100  }
0x30: {  	[tilespmem:s16], [sflag:$0x1] =	stream.indirect_vreg.gather [hbm4b:s7+s2], $0x80, v3, vm0, $0xb8;
	[tilespmem:$0x18100] =	vst v63  }
0x31: {  	s17 =	simm.s32 $0x3900  }
0x32: {  	[tilespmem:s17], [sflag:$0x1] =	stream.indirect_vreg.gather [hbm4b:s9+s2], $0x80, v3, vm0, $0xb8;
	[tilespmem:$0x18100] =	vst v63  }
0x33: {  	v3 =	vld [tilespmem:$0x80];
	_ =	sdelay $0x4  }
0x34: {  	v4 =	vshll.u32 v3, $0x3  }
0x35: {  	v3 =	vand.u32 $0x7, v3;
	v4 =	vand.u32 $0xFFFFFFC0, v4  }
0x36: {  	v3 =	vor.u32 v3, v4  }
0x37: {  	v4 =	vperm.xlane v3, v0;
	_ =	sdelay $0x1  }
0x38: {  	v4 =	vadd.s32 v1, v4;
	_ =	sdelay $0x3  }
0x39: {  	s18 =	simm.s32 $0x8100  }
0x3a: {  	[tilespmem:s18], [sflag:$0x3] =	stream.indirect_vreg.gather [hbm4b:s3+s2], $0x80, v4, vm0, $0xb8;
	[tilespmem:$0x18100] =	vst v63  }
0x3b: {  	s19 =	simm.s32 $0x8900;
	v3 =	vperm.xlane v3, v2  }
0x3c: {  	[tilespmem:s19], [sflag:$0x3] =	stream.indirect_vreg.gather [hbm4b:s6+s2], $0x80, v4, vm0, $0xb8;
	[tilespmem:$0x18100] =	vst v63  }
0x3d: {  	s20 =	simm.s32 $0x9100;
	v3 =	vadd.s32 v1, v3  }
0x3e: {  	[tilespmem:s20], [sflag:$0x3] =	stream.indirect_vreg.gather [hbm4b:s7+s2], $0x80, v4, vm0, $0xb8;
	[tilespmem:$0x18100] =	vst v63  }
0x3f: {  	s16 =	simm.s32 $0x9900  }
0x40: {  	[tilespmem:s16], [sflag:$0x3] =	stream.indirect_vreg.gather [hbm4b:s9+s2], $0x80, v4, vm0, $0xb8;
	[tilespmem:$0x18100] =	vst v63  }
0x41: {  	s17 =	simm.s32 $0xA100  }
0x42: {  	[tilespmem:s17], [sflag:$0x3] =	stream.indirect_vreg.gather [hbm4b:s3+s2], $0x80, v3, vm0, $0xb8;
	[tilespmem:$0x18100] =	vst v63  }
0x43: {  	s18 =	simm.s32 $0xA900  }
0x44: {  	[tilespmem:s18], [sflag:$0x3] =	stream.indirect_vreg.gather [hbm4b:s6+s2], $0x80, v3, vm0, $0xb8;
	[tilespmem:$0x18100] =	vst v63  }
0x45: {  	s19 =	simm.s32 $0xB100  }
0x46: {  	[tilespmem:s19], [sflag:$0x3] =	stream.indirect_vreg.gather [hbm4b:s7+s2], $0x80, v3, vm0, $0xb8;
	[tilespmem:$0x18100] =	vst v63  }
0x47: {  	s20 =	simm.s32 $0xB900  }
0x48: {  	[tilespmem:s20], [sflag:$0x3] =	stream.indirect_vreg.gather [hbm4b:s9+s2], $0x80, v3, vm0, $0xb8;
	[tilespmem:$0x18100] =	vst v63  }
0x49: {  	_ =	swait.ge [sflag:s1], $0x4000  }
0x4a: {  	[sflag:s1] =	ssyncset.done $0x0  }
0x4b: {  	[sflag:s1] =	ssyncadd.s32 $0xFFFFC000  }
0x4c: {  	_ =	swait.ge [sflag:s15], $0x4000  }
0x4d: {  	[sflag:s15] =	ssyncset.done $0x0  }
0x4e: {  	[sflag:s15] =	ssyncadd.s32 $0xFFFFC000  }
0x4f: {  	v3 =	vld [tilespmem:$0x10];
	_ =	sdelay $0x4  }
0x50: {  	v4 =	vshll.u32 v3, $0x3  }
0x51: {  	v3 =	vand.u32 $0x7, v3;
	v4 =	vand.u32 $0xFFFFFFC0, v4  }
0x52: {  	v3 =	vor.u32 v3, v4  }
0x53: {  	v4 =	vperm.xlane v3, v0;
	_ =	sdelay $0x1  }
0x54: {  	v4 =	vadd.s32 v1, v4;
	_ =	sdelay $0x3  }
0x55: {  	s16 =	simm.s32 $0x4100  }
0x56: {  	[tilespmem:s16], [sflag:$0x2] =	stream.indirect_vreg.gather [hbm4b:s3+s2], $0x80, v4, vm0, $0xb8;
	[tilespmem:$0x18100] =	vst v63  }
0x57: {  	s17 =	simm.s32 $0x4900;
	v3 =	vperm.xlane v3, v2  }
0x58: {  	[tilespmem:s17], [sflag:$0x2] =	stream.indirect_vreg.gather [hbm4b:s6+s2], $0x80, v4, vm0, $0xb8;
	[tilespmem:$0x18100] =	vst v63  }
0x59: {  	s18 =	simm.s32 $0x5100;
	v3 =	vadd.s32 v1, v3  }
0x5a: {  	[tilespmem:s18], [sflag:$0x2] =	stream.indirect_vreg.gather [hbm4b:s7+s2], $0x80, v4, vm0, $0xb8;
	[tilespmem:$0x18100] =	vst v63  }
0x5b: {  	s19 =	simm.s32 $0x5900  }
0x5c: {  	[tilespmem:s19], [sflag:$0x2] =	stream.indirect_vreg.gather [hbm4b:s9+s2], $0x80, v4, vm0, $0xb8;
	[tilespmem:$0x18100] =	vst v63  }
0x5d: {  	s20 =	simm.s32 $0x6100  }
0x5e: {  	[tilespmem:s20], [sflag:$0x2] =	stream.indirect_vreg.gather [hbm4b:s3+s2], $0x80, v3, vm0, $0xb8;
	[tilespmem:$0x18100] =	vst v63  }
0x5f: {  	s16 =	simm.s32 $0x6900  }
0x60: {  	[tilespmem:s16], [sflag:$0x2] =	stream.indirect_vreg.gather [hbm4b:s6+s2], $0x80, v3, vm0, $0xb8;
	[tilespmem:$0x18100] =	vst v63  }
0x61: {  	s17 =	simm.s32 $0x7100  }
0x62: {  	[tilespmem:s17], [sflag:$0x2] =	stream.indirect_vreg.gather [hbm4b:s7+s2], $0x80, v3, vm0, $0xb8;
	[tilespmem:$0x18100] =	vst v63  }
0x63: {  	_ = 	snop  }
0x64: {  	[tilespmem:s10], [sflag:$0x2] =	stream.indirect_vreg.gather [hbm4b:s9+s2], $0x80, v3, vm0, $0xb8;
	[tilespmem:$0x18100] =	vst v63  }
0x65: {  	v3 =	vld [tilespmem:$0x90];
	_ =	sdelay $0x4  }
0x66: {  	v4 =	vshll.u32 v3, $0x3  }
0x67: {  	v3 =	vand.u32 $0x7, v3;
	v4 =	vand.u32 $0xFFFFFFC0, v4  }
0x68: {  	v3 =	vor.u32 v3, v4  }
0x69: {  	v4 =	vperm.xlane v3, v0;
	_ =	sdelay $0x1  }
0x6a: {  	v4 =	vadd.s32 v1, v4;
	_ =	sdelay $0x4  }
0x6b: {  	[tilespmem:s21], [sflag:$0x4] =	stream.indirect_vreg.gather [hbm4b:s3+s2], $0x80, v4, vm0, $0xb8;
	[tilespmem:$0x18100] =	vst v63  }
0x6c: {  	v3 =	vperm.xlane v3, v2  }
0x6d: {  	[tilespmem:s11], [sflag:$0x4] =	stream.indirect_vreg.gather [hbm4b:s6+s2], $0x80, v4, vm0, $0xb8;
	[tilespmem:$0x18100] =	vst v63  }
0x6e: {  	v3 =	vadd.s32 v1, v3  }
0x6f: {  	[tilespmem:s22], [sflag:$0x4] =	stream.indirect_vreg.gather [hbm4b:s7+s2], $0x80, v4, vm0, $0xb8;
	[tilespmem:$0x18100] =	vst v63  }
0x70: {  	_ = 	snop  }
0x71: {  	[tilespmem:s12], [sflag:$0x4] =	stream.indirect_vreg.gather [hbm4b:s9+s2], $0x80, v4, vm0, $0xb8;
	[tilespmem:$0x18100] =	vst v63  }
0x72: {  	s18 =	simm.s32 $0x0  }
0x73: {  	[tilespmem:s23], [sflag:$0x4] =	stream.indirect_vreg.gather [hbm4b:s3+s2], $0x80, v3, vm0, $0xb8;
	[tilespmem:$0x18100] =	vst v63  }
0x74: {  	s5 =	sand.u32 $0x2000, s18;
	s19 =	sand.u32 $0x1C00, s2;
	s17 =	simm.s32 $0x0  }
0x75: {  	[tilespmem:s13], [sflag:$0x4] =	stream.indirect_vreg.gather [hbm4b:s6+s2], $0x80, v3, vm0, $0xb8;
	[tilespmem:$0x18100] =	vst v63  }
0x76: {  	s5 =	sor.u32 s19, s5;
	s20 =	sand.u32 $0x380, s17  }
0x77: {  	[tilespmem:s24], [sflag:$0x4] =	stream.indirect_vreg.gather [hbm4b:s7+s2], $0x80, v3, vm0, $0xb8;
	[tilespmem:$0x18100] =	vst v63  }
0x78: {  	s5 =	sor.u32 s20, s5  }
0x79: {  	[tilespmem:s25], [sflag:$0x4] =	stream.indirect_vreg.gather [hbm4b:s9+s2], $0x80, v3, vm0, $0xb8;
	[tilespmem:$0x18100] =	vst v63  }
0x7a: {  	v3 =	vld [tilespmem:s5+$0x170]  }
0x7b: {  	v5 =	vld [tilespmem:s5+$0x8170]  }
0x7c: {  	v6 =	vld [tilespmem:s5+$0x100]  }
0x7d: {  	v8 =	vld [tilespmem:s5+$0x8100]  }
0x7e: {  	v9 =	vld [tilespmem:s5+$0x110]  }
0x7f: {  	v10 =	vld [tilespmem:s5+$0x8110]  }
0x80: {  	v4 =	vld [tilespmem:s5+$0x120]  }
0x81: {  	v7 =	vld [tilespmem:s5+$0x8120];
	v5 =	vadd.f32 v5, v3  }
0x82: {  	v8 =	vadd.f32 v8, v6;
	v3 =	vld [tilespmem:s5+$0x130]  }
0x83: {  	v6 =	vld [tilespmem:s5+$0x8130];
	[tilespmem:s5+$0x10170] =	vst v5  }
0x84: {  	s16 =	simm.s32 $0x0;
	s17 =	simm.s32 $0x0;
	[tilespmem:s5+$0x10100] =	vst v8;
	v8 =	vadd.f32 v10, v9;
	v5 =	vld [tilespmem:s5+$0x140]  }
.LBB2_2:
0x85: {  	s16 =	sadd.s32 $0x8, s16;
	v9 =	vld [tilespmem:s5+$0x8140]  }
0x86: {  	s17 =	sadd.s32 $0x400, s17;
	s18 =	sshll.u32 s16, $0x4;
	p0 =	slt.u32 s16, $0x3F8;
	[tilespmem:s5+$0x10110] =	vst v8;
	v4 =	vadd.f32 v7, v4;
	v7 =	vld [tilespmem:s5+$0x150]  }
0x87: {  	s19 =	sand.u32 $0x1C00, s17;
	s20 =	sshll.u32 s16, $0x1;
	s18 =	sand.u32 $0x2000, s18;
	v8 =	vld [tilespmem:s5+$0x8150]  }
0x88: {  	s18 =	sor.u32 s19, s18;
	s19 =	sand.u32 $0x380, s20;
	[tilespmem:s5+$0x10120] =	vst v4;
	v3 =	vadd.f32 v6, v3;
	v4 =	vld [tilespmem:s5+$0x160]  }
0x89: {  	s18 =	sor.u32 s19, s18;
	v6 =	vld [tilespmem:s5+$0x8160]  }
0x8a: {  	v10 =	vld [tilespmem:s18+$0x170];
	[tilespmem:s5+$0x10130] =	vst v3;
	v3 =	vadd.f32 v9, v5  }
0x8b: {  	v5 =	vld [tilespmem:s18+$0x8170]  }
0x8c: {  	v9 =	vld [tilespmem:s18+$0x100];
	[tilespmem:s5+$0x10140] =	vst v3;
	v3 =	vadd.f32 v8, v7  }
0x8d: {  	v8 =	vld [tilespmem:s18+$0x8100]  }
0x8e: {  	v11 =	vld [tilespmem:s18+$0x110];
	[tilespmem:s5+$0x10150] =	vst v3;
	v3 =	vadd.f32 v6, v4  }
0x8f: {  	v12 =	vld [tilespmem:s18+$0x8110]  }
.Ltmp0:
0x90: {  	v4 =	vld [tilespmem:s18+$0x120];
	v5 =	vadd.f32 v5, v10;
	[tilespmem:s5+$0x10160] =	vst v3;
	s5 =	smov.u32 s18;
	(pc) =	sbr.rel @p0 .LBB2_2-.Ltmp0, $4  }
0x91: {  	v7 =	vld [tilespmem:s5+$0x8120]  }
0x92: {  	v8 =	vadd.f32 v8, v9;
	v3 =	vld [tilespmem:s5+$0x130];
	[tilespmem:s5+$0x10170] =	vst v5  }
0x93: {  	v6 =	vld [tilespmem:s5+$0x8130]  }
0x94: {  	[tilespmem:s5+$0x10100] =	vst v8;
	v8 =	vadd.f32 v12, v11;
	v5 =	vld [tilespmem:s5+$0x140]  }
0x95: {  	v9 =	vld [tilespmem:s5+$0x8140]  }
0x96: {  	v10 =	vld [tilespmem:s5+$0x150]  }
0x97: {  	v11 =	vld [tilespmem:s5+$0x8150]  }
0x98: {  	v12 =	vld [tilespmem:s5+$0x160]  }
0x99: {  	v13 =	vld [tilespmem:s5+$0x8160]  }
0x9a: {  	v4 =	vadd.f32 v7, v4  }
0x9b: {  	[tilespmem:s5+$0x10110] =	vst v8;
	v3 =	vadd.f32 v6, v3  }
0x9c: {  	[tilespmem:s5+$0x10120] =	vst v4;
	v4 =	vadd.f32 v9, v5  }
0x9d: {  	[tilespmem:s5+$0x10130] =	vst v3;
	v3 =	vadd.f32 v11, v10  }
0x9e: {  	[tilespmem:s5+$0x10140] =	vst v4;
	v4 =	vadd.f32 v13, v12  }
0x9f: {  	[tilespmem:s5+$0x10150] =	vst v3  }
0xa0: {  	[tilespmem:s5+$0x10160] =	vst v4;
	s5 =	simm.s32 $0x0  }
0xa1: {  	[hbm4b:s8+s5] =	stream.linear.scatter [tilespmem:s26], [sflag:$0x5], $0x4000, $0x38;
	[tilespmem:$0x18100] =	vst v63  }
0xa2: {  	_ =	swait.ge [sflag:s28], $0x4000  }
0xa3: {  	[sflag:s28] =	ssyncset.done $0x0  }
0xa4: {  	[sflag:s28] =	ssyncadd.s32 $0xFFFFC000  }
0xa5: {  	_ =	swait.ge [sflag:s29], $0x4000  }
0xa6: {  	[sflag:s29] =	ssyncset.done $0x0  }
0xa7: {  	[sflag:s29] =	ssyncadd.s32 $0xFFFFC000  }
0xa8: {  	v3 =	vld [tilespmem:$0x20];
	_ =	sdelay $0x4  }
0xa9: {  	v4 =	vshll.u32 v3, $0x3  }
0xaa: {  	v3 =	vand.u32 $0x7, v3;
	v4 =	vand.u32 $0xFFFFFFC0, v4  }
0xab: {  	v3 =	vor.u32 v3, v4  }
0xac: {  	v4 =	vperm.xlane v3, v0;
	_ =	sdelay $0x1  }
0xad: {  	v4 =	vadd.s32 v1, v4;
	_ =	sdelay $0x3  }
0xae: {  	s16 =	simm.s32 $0x100  }
0xaf: {  	[tilespmem:s16], [sflag:$0x1] =	stream.indirect_vreg.gather [hbm4b:s3+s5], $0x80, v4, vm0, $0xb8;
	[tilespmem:$0x18100] =	vst v63  }
0xb0: {  	s20 =	simm.s32 $0x900;
	v3 =	vperm.xlane v3, v2  }
0xb1: {  	[tilespmem:s20], [sflag:$0x1] =	stream.indirect_vreg.gather [hbm4b:s6+s5], $0x80, v4, vm0, $0xb8;
	[tilespmem:$0x18100] =	vst v63  }
0xb2: {  	s17 =	simm.s32 $0x1100;
	v3 =	vadd.s32 v1, v3  }
0xb3: {  	[tilespmem:s17], [sflag:$0x1] =	stream.indirect_vreg.gather [hbm4b:s7+s5], $0x80, v4, vm0, $0xb8;
	[tilespmem:$0x18100] =	vst v63  }
0xb4: {  	s18 =	simm.s32 $0x1900  }
0xb5: {  	[tilespmem:s18], [sflag:$0x1] =	stream.indirect_vreg.gather [hbm4b:s9+s5], $0x80, v4, vm0, $0xb8;
	[tilespmem:$0x18100] =	vst v63  }
0xb6: {  	s19 =	simm.s32 $0x2100  }
0xb7: {  	[tilespmem:s19], [sflag:$0x1] =	stream.indirect_vreg.gather [hbm4b:s3+s5], $0x80, v3, vm0, $0xb8;
	[tilespmem:$0x18100] =	vst v63  }
0xb8: {  	s20 =	simm.s32 $0x2900  }
0xb9: {  	[tilespmem:s20], [sflag:$0x1] =	stream.indirect_vreg.gather [hbm4b:s6+s5], $0x80, v3, vm0, $0xb8;
	[tilespmem:$0x18100] =	vst v63  }
0xba: {  	s17 =	simm.s32 $0x3100  }
0xbb: {  	[tilespmem:s17], [sflag:$0x1] =	stream.indirect_vreg.gather [hbm4b:s7+s5], $0x80, v3, vm0, $0xb8;
	[tilespmem:$0x18100] =	vst v63  }
0xbc: {  	s18 =	simm.s32 $0x3900  }
0xbd: {  	[tilespmem:s18], [sflag:$0x1] =	stream.indirect_vreg.gather [hbm4b:s9+s5], $0x80, v3, vm0, $0xb8;
	[tilespmem:$0x18100] =	vst v63  }
0xbe: {  	v3 =	vld [tilespmem:$0xA0];
	_ =	sdelay $0x4  }
0xbf: {  	v4 =	vshll.u32 v3, $0x3  }
0xc0: {  	v3 =	vand.u32 $0x7, v3;
	v4 =	vand.u32 $0xFFFFFFC0, v4  }
0xc1: {  	v3 =	vor.u32 v3, v4  }
0xc2: {  	v4 =	vperm.xlane v3, v0;
	_ =	sdelay $0x1  }
0xc3: {  	v4 =	vadd.s32 v1, v4;
	_ =	sdelay $0x3  }
0xc4: {  	s19 =	simm.s32 $0x8100  }
0xc5: {  	[tilespmem:s19], [sflag:$0x3] =	stream.indirect_vreg.gather [hbm4b:s3+s5], $0x80, v4, vm0, $0xb8;
	[tilespmem:$0x18100] =	vst v63  }
0xc6: {  	s20 =	simm.s32 $0x8900;
	v3 =	vperm.xlane v3, v2  }
0xc7: {  	[tilespmem:s20], [sflag:$0x3] =	stream.indirect_vreg.gather [hbm4b:s6+s5], $0x80, v4, vm0, $0xb8;
	[tilespmem:$0x18100] =	vst v63  }
0xc8: {  	s17 =	simm.s32 $0x9100;
	v3 =	vadd.s32 v1, v3  }
0xc9: {  	[tilespmem:s17], [sflag:$0x3] =	stream.indirect_vreg.gather [hbm4b:s7+s5], $0x80, v4, vm0, $0xb8;
	[tilespmem:$0x18100] =	vst v63  }
0xca: {  	s18 =	simm.s32 $0x9900  }
0xcb: {  	[tilespmem:s18], [sflag:$0x3] =	stream.indirect_vreg.gather [hbm4b:s9+s5], $0x80, v4, vm0, $0xb8;
	[tilespmem:$0x18100] =	vst v63  }
0xcc: {  	s19 =	simm.s32 $0xA100  }
0xcd: {  	[tilespmem:s19], [sflag:$0x3] =	stream.indirect_vreg.gather [hbm4b:s3+s5], $0x80, v3, vm0, $0xb8;
	[tilespmem:$0x18100] =	vst v63  }
0xce: {  	s20 =	simm.s32 $0xA900  }
0xcf: {  	[tilespmem:s20], [sflag:$0x3] =	stream.indirect_vreg.gather [hbm4b:s6+s5], $0x80, v3, vm0, $0xb8;
	[tilespmem:$0x18100] =	vst v63  }
0xd0: {  	s17 =	simm.s32 $0xB100  }
0xd1: {  	[tilespmem:s17], [sflag:$0x3] =	stream.indirect_vreg.gather [hbm4b:s7+s5], $0x80, v3, vm0, $0xb8;
	[tilespmem:$0x18100] =	vst v63  }
0xd2: {  	s18 =	simm.s32 $0xB900;
	s19 =	simm.s32 $0x0  }
0xd3: {  	[tilespmem:s18], [sflag:$0x3] =	stream.indirect_vreg.gather [hbm4b:s9+s5], $0x80, v3, vm0, $0xb8;
	[tilespmem:$0x18100] =	vst v63  }
0xd4: {  	s16 =	sand.u32 $0x2000, s19;
	s17 =	sand.u32 $0x1C00, s5;
	s18 =	simm.s32 $0x0  }
0xd5: {  	s16 =	sor.u32 s17, s16;
	s20 =	sand.u32 $0x380, s18  }
0xd6: {  	s16 =	sor.u32 s20, s16  }
0xd7: {  	v3 =	vld [tilespmem:s16+$0x4170]  }
0xd8: {  	v5 =	vld [tilespmem:s16+$0xC170]  }
0xd9: {  	v6 =	vld [tilespmem:s16+$0x4100]  }
0xda: {  	v8 =	vld [tilespmem:s16+$0xC100]  }
0xdb: {  	v9 =	vld [tilespmem:s16+$0x4110]  }
0xdc: {  	v10 =	vld [tilespmem:s16+$0xC110]  }
0xdd: {  	v4 =	vld [tilespmem:s16+$0x4120]  }
0xde: {  	v7 =	vld [tilespmem:s16+$0xC120];
	v5 =	vadd.f32 v5, v3  }
0xdf: {  	v8 =	vadd.f32 v8, v6;
	v3 =	vld [tilespmem:s16+$0x4130]  }
0xe0: {  	v6 =	vld [tilespmem:s16+$0xC130];
	[tilespmem:s16+$0x14170] =	vst v5  }
0xe1: {  	s17 =	simm.s32 $0x0;
	[tilespmem:s16+$0x14100] =	vst v8;
	v8 =	vadd.f32 v10, v9;
	v5 =	vld [tilespmem:s16+$0x4140]  }
.LBB2_4:
0xe2: {  	s17 =	sadd.s32 $0x8, s17;
	v9 =	vld [tilespmem:s16+$0xC140]  }
0xe3: {  	s5 =	sadd.s32 $0x400, s5;
	s18 =	sshll.u32 s17, $0x4;
	p0 =	slt.u32 s17, $0x3F8;
	[tilespmem:s16+$0x14110] =	vst v8;
	v4 =	vadd.f32 v7, v4;
	v7 =	vld [tilespmem:s16+$0x4150]  }
0xe4: {  	s19 =	sand.u32 $0x1C00, s5;
	s20 =	sshll.u32 s17, $0x1;
	s18 =	sand.u32 $0x2000, s18;
	v8 =	vld [tilespmem:s16+$0xC150]  }
0xe5: {  	s18 =	sor.u32 s19, s18;
	s19 =	sand.u32 $0x380, s20;
	[tilespmem:s16+$0x14120] =	vst v4;
	v3 =	vadd.f32 v6, v3;
	v4 =	vld [tilespmem:s16+$0x4160]  }
0xe6: {  	s18 =	sor.u32 s19, s18;
	v6 =	vld [tilespmem:s16+$0xC160]  }
0xe7: {  	v10 =	vld [tilespmem:s18+$0x4170];
	[tilespmem:s16+$0x14130] =	vst v3;
	v3 =	vadd.f32 v9, v5  }
0xe8: {  	v5 =	vld [tilespmem:s18+$0xC170]  }
0xe9: {  	v9 =	vld [tilespmem:s18+$0x4100];
	[tilespmem:s16+$0x14140] =	vst v3;
	v3 =	vadd.f32 v8, v7  }
0xea: {  	v8 =	vld [tilespmem:s18+$0xC100]  }
0xeb: {  	v11 =	vld [tilespmem:s18+$0x4110];
	[tilespmem:s16+$0x14150] =	vst v3;
	v3 =	vadd.f32 v6, v4  }
0xec: {  	v12 =	vld [tilespmem:s18+$0xC110]  }
.Ltmp1:
0xed: {  	v4 =	vld [tilespmem:s18+$0x4120];
	v5 =	vadd.f32 v5, v10;
	[tilespmem:s16+$0x14160] =	vst v3;
	s16 =	smov.u32 s18;
	(pc) =	sbr.rel @p0 .LBB2_4-.Ltmp1, $4  }
0xee: {  	v7 =	vld [tilespmem:s16+$0xC120]  }
0xef: {  	v8 =	vadd.f32 v8, v9;
	v3 =	vld [tilespmem:s16+$0x4130];
	[tilespmem:s16+$0x14170] =	vst v5  }
0xf0: {  	v6 =	vld [tilespmem:s16+$0xC130]  }
0xf1: {  	[tilespmem:s16+$0x14100] =	vst v8;
	v8 =	vadd.f32 v12, v11;
	v5 =	vld [tilespmem:s16+$0x4140]  }
0xf2: {  	v9 =	vld [tilespmem:s16+$0xC140]  }
0xf3: {  	v10 =	vld [tilespmem:s16+$0x4150]  }
0xf4: {  	v11 =	vld [tilespmem:s16+$0xC150]  }
0xf5: {  	v12 =	vld [tilespmem:s16+$0x4160]  }
0xf6: {  	v13 =	vld [tilespmem:s16+$0xC160]  }
0xf7: {  	v4 =	vadd.f32 v7, v4  }
0xf8: {  	[tilespmem:s16+$0x14110] =	vst v8;
	v3 =	vadd.f32 v6, v3  }
0xf9: {  	[tilespmem:s16+$0x14120] =	vst v4;
	v4 =	vadd.f32 v9, v5  }
0xfa: {  	[tilespmem:s16+$0x14130] =	vst v3;
	v3 =	vadd.f32 v11, v10  }
0xfb: {  	[tilespmem:s16+$0x14140] =	vst v4;
	v4 =	vadd.f32 v13, v12  }
0xfc: {  	[tilespmem:s16+$0x14150] =	vst v3  }
0xfd: {  	[tilespmem:s16+$0x14160] =	vst v4  }
0xfe: {  	s5 =	simm.s32 $0x0;
	s16 =	rddreg [dreg:$0x5]  }
0xff: {  	[hbm4b:s16+s5] =	stream.linear.scatter [tilespmem:s30], [sflag:$0x6], $0x4000, $0x38;
	[tilespmem:$0x18100] =	vst v63  }
0x100: {  	_ =	swait.ge [sflag:s1], $0x4000  }
0x101: {  	[sflag:s1] =	ssyncset.done $0x0  }
0x102: {  	[sflag:s1] =	ssyncadd.s32 $0xFFFFC000  }
0x103: {  	_ =	swait.ge [sflag:s15], $0x4000  }
0x104: {  	[sflag:s15] =	ssyncset.done $0x0  }
0x105: {  	[sflag:s15] =	ssyncadd.s32 $0xFFFFC000  }
0x106: {  	v3 =	vld [tilespmem:$0x30];
	_ =	sdelay $0x4  }
0x107: {  	v4 =	vshll.u32 v3, $0x3  }
0x108: {  	v3 =	vand.u32 $0x7, v3;
	v4 =	vand.u32 $0xFFFFFFC0, v4  }
0x109: {  	v3 =	vor.u32 v3, v4  }
0x10a: {  	v4 =	vperm.xlane v3, v0;
	_ =	sdelay $0x1  }
0x10b: {  	v4 =	vadd.s32 v1, v4;
	_ =	sdelay $0x3  }
0x10c: {  	s20 =	simm.s32 $0x4100  }
0x10d: {  	[tilespmem:s20], [sflag:$0x2] =	stream.indirect_vreg.gather [hbm4b:s3+s5], $0x80, v4, vm0, $0xb8;
	[tilespmem:$0x18100] =	vst v63  }
0x10e: {  	s17 =	simm.s32 $0x4900;
	v3 =	vperm.xlane v3, v2  }
0x10f: {  	[tilespmem:s17], [sflag:$0x2] =	stream.indirect_vreg.gather [hbm4b:s6+s5], $0x80, v4, vm0, $0xb8;
	[tilespmem:$0x18100] =	vst v63  }
0x110: {  	s18 =	simm.s32 $0x5100;
	v3 =	vadd.s32 v1, v3  }
0x111: {  	[tilespmem:s18], [sflag:$0x2] =	stream.indirect_vreg.gather [hbm4b:s7+s5], $0x80, v4, vm0, $0xb8;
	[tilespmem:$0x18100] =	vst v63  }
0x112: {  	s19 =	simm.s32 $0x5900  }
0x113: {  	[tilespmem:s19], [sflag:$0x2] =	stream.indirect_vreg.gather [hbm4b:s9+s5], $0x80, v4, vm0, $0xb8;
	[tilespmem:$0x18100] =	vst v63  }
0x114: {  	s20 =	simm.s32 $0x6100  }
0x115: {  	[tilespmem:s20], [sflag:$0x2] =	stream.indirect_vreg.gather [hbm4b:s3+s5], $0x80, v3, vm0, $0xb8;
	[tilespmem:$0x18100] =	vst v63  }
0x116: {  	s17 =	simm.s32 $0x6900  }
0x117: {  	[tilespmem:s17], [sflag:$0x2] =	stream.indirect_vreg.gather [hbm4b:s6+s5], $0x80, v3, vm0, $0xb8;
	[tilespmem:$0x18100] =	vst v63  }
0x118: {  	s18 =	simm.s32 $0x7100  }
0x119: {  	[tilespmem:s18], [sflag:$0x2] =	stream.indirect_vreg.gather [hbm4b:s7+s5], $0x80, v3, vm0, $0xb8;
	[tilespmem:$0x18100] =	vst v63  }
0x11a: {  	_ = 	snop  }
0x11b: {  	[tilespmem:s10], [sflag:$0x2] =	stream.indirect_vreg.gather [hbm4b:s9+s5], $0x80, v3, vm0, $0xb8;
	[tilespmem:$0x18100] =	vst v63  }
0x11c: {  	v3 =	vld [tilespmem:$0xB0];
	_ =	sdelay $0x4  }
0x11d: {  	v4 =	vshll.u32 v3, $0x3  }
0x11e: {  	v3 =	vand.u32 $0x7, v3;
	v4 =	vand.u32 $0xFFFFFFC0, v4  }
0x11f: {  	v3 =	vor.u32 v3, v4  }
0x120: {  	v4 =	vperm.xlane v3, v0;
	_ =	sdelay $0x1  }
0x121: {  	v4 =	vadd.s32 v1, v4;
	_ =	sdelay $0x4  }
0x122: {  	[tilespmem:s21], [sflag:$0x4] =	stream.indirect_vreg.gather [hbm4b:s3+s5], $0x80, v4, vm0, $0xb8;
	[tilespmem:$0x18100] =	vst v63  }
0x123: {  	v3 =	vperm.xlane v3, v2  }
0x124: {  	[tilespmem:s11], [sflag:$0x4] =	stream.indirect_vreg.gather [hbm4b:s6+s5], $0x80, v4, vm0, $0xb8;
	[tilespmem:$0x18100] =	vst v63  }
0x125: {  	v3 =	vadd.s32 v1, v3  }
0x126: {  	[tilespmem:s22], [sflag:$0x4] =	stream.indirect_vreg.gather [hbm4b:s7+s5], $0x80, v4, vm0, $0xb8;
	[tilespmem:$0x18100] =	vst v63  }
0x127: {  	_ = 	snop  }
0x128: {  	[tilespmem:s12], [sflag:$0x4] =	stream.indirect_vreg.gather [hbm4b:s9+s5], $0x80, v4, vm0, $0xb8;
	[tilespmem:$0x18100] =	vst v63  }
0x129: {  	_ = 	snop  }
0x12a: {  	[tilespmem:s23], [sflag:$0x4] =	stream.indirect_vreg.gather [hbm4b:s3+s5], $0x80, v3, vm0, $0xb8;
	[tilespmem:$0x18100] =	vst v63  }
0x12b: {  	_ = 	snop  }
0x12c: {  	[tilespmem:s13], [sflag:$0x4] =	stream.indirect_vreg.gather [hbm4b:s6+s5], $0x80, v3, vm0, $0xb8;
	[tilespmem:$0x18100] =	vst v63  }
0x12d: {  	s19 =	simm.s32 $0x0  }
0x12e: {  	[tilespmem:s24], [sflag:$0x4] =	stream.indirect_vreg.gather [hbm4b:s7+s5], $0x80, v3, vm0, $0xb8;
	[tilespmem:$0x18100] =	vst v63  }
0x12f: {  	s16 =	sand.u32 $0x2000, s19  }
0x130: {  	[tilespmem:s25], [sflag:$0x4] =	stream.indirect_vreg.gather [hbm4b:s9+s5], $0x80, v3, vm0, $0xb8;
	[tilespmem:$0x18100] =	vst v63  }
0x131: {  	s17 =	sand.u32 $0x1C00, s5;
	s18 =	simm.s32 $0x0;
	_ =	swait.ge [sflag:s31], $0x4000  }
0x132: {  	s16 =	sor.u32 s17, s16;
	s20 =	sand.u32 $0x380, s18;
	[sflag:s31] =	ssyncset.done $0x0  }
0x133: {  	s16 =	sor.u32 s20, s16;
	[sflag:s31] =	ssyncadd.s32 $0xFFFFC000  }
0x134: {  	v3 =	vld [tilespmem:s16+$0x170]  }
0x135: {  	v5 =	vld [tilespmem:s16+$0x8170]  }
0x136: {  	v6 =	vld [tilespmem:s16+$0x100]  }
0x137: {  	v8 =	vld [tilespmem:s16+$0x8100]  }
0x138: {  	v9 =	vld [tilespmem:s16+$0x110]  }
0x139: {  	v10 =	vld [tilespmem:s16+$0x8110]  }
0x13a: {  	v4 =	vld [tilespmem:s16+$0x120]  }
0x13b: {  	v7 =	vld [tilespmem:s16+$0x8120];
	v5 =	vadd.f32 v5, v3  }
0x13c: {  	v8 =	vadd.f32 v8, v6;
	v3 =	vld [tilespmem:s16+$0x130]  }
0x13d: {  	v6 =	vld [tilespmem:s16+$0x8130];
	[tilespmem:s16+$0x10170] =	vst v5  }
0x13e: {  	s17 =	simm.s32 $0x0;
	[tilespmem:s16+$0x10100] =	vst v8;
	v8 =	vadd.f32 v10, v9;
	v5 =	vld [tilespmem:s16+$0x140]  }
.LBB2_6:
0x13f: {  	s17 =	sadd.s32 $0x8, s17;
	v9 =	vld [tilespmem:s16+$0x8140]  }
0x140: {  	s5 =	sadd.s32 $0x400, s5;
	s18 =	sshll.u32 s17, $0x4;
	p0 =	slt.u32 s17, $0x3F8;
	[tilespmem:s16+$0x10110] =	vst v8;
	v4 =	vadd.f32 v7, v4;
	v7 =	vld [tilespmem:s16+$0x150]  }
0x141: {  	s19 =	sand.u32 $0x1C00, s5;
	s20 =	sshll.u32 s17, $0x1;
	s18 =	sand.u32 $0x2000, s18;
	v8 =	vld [tilespmem:s16+$0x8150]  }
0x142: {  	s18 =	sor.u32 s19, s18;
	s19 =	sand.u32 $0x380, s20;
	[tilespmem:s16+$0x10120] =	vst v4;
	v3 =	vadd.f32 v6, v3;
	v4 =	vld [tilespmem:s16+$0x160]  }
0x143: {  	s18 =	sor.u32 s19, s18;
	v6 =	vld [tilespmem:s16+$0x8160]  }
0x144: {  	v10 =	vld [tilespmem:s18+$0x170];
	[tilespmem:s16+$0x10130] =	vst v3;
	v3 =	vadd.f32 v9, v5  }
0x145: {  	v5 =	vld [tilespmem:s18+$0x8170]  }
0x146: {  	v9 =	vld [tilespmem:s18+$0x100];
	[tilespmem:s16+$0x10140] =	vst v3;
	v3 =	vadd.f32 v8, v7  }
0x147: {  	v8 =	vld [tilespmem:s18+$0x8100]  }
0x148: {  	v11 =	vld [tilespmem:s18+$0x110];
	[tilespmem:s16+$0x10150] =	vst v3;
	v3 =	vadd.f32 v6, v4  }
0x149: {  	v12 =	vld [tilespmem:s18+$0x8110]  }
.Ltmp2:
0x14a: {  	v4 =	vld [tilespmem:s18+$0x120];
	v5 =	vadd.f32 v5, v10;
	[tilespmem:s16+$0x10160] =	vst v3;
	s16 =	smov.u32 s18;
	(pc) =	sbr.rel @p0 .LBB2_6-.Ltmp2, $4  }
0x14b: {  	v7 =	vld [tilespmem:s16+$0x8120]  }
0x14c: {  	v8 =	vadd.f32 v8, v9;
	v3 =	vld [tilespmem:s16+$0x130];
	[tilespmem:s16+$0x10170] =	vst v5  }
0x14d: {  	v6 =	vld [tilespmem:s16+$0x8130]  }
0x14e: {  	[tilespmem:s16+$0x10100] =	vst v8;
	v8 =	vadd.f32 v12, v11;
	v5 =	vld [tilespmem:s16+$0x140]  }
0x14f: {  	v9 =	vld [tilespmem:s16+$0x8140]  }
0x150: {  	v10 =	vld [tilespmem:s16+$0x150]  }
0x151: {  	v11 =	vld [tilespmem:s16+$0x8150]  }
0x152: {  	v12 =	vld [tilespmem:s16+$0x160]  }
0x153: {  	v13 =	vld [tilespmem:s16+$0x8160]  }
0x154: {  	v4 =	vadd.f32 v7, v4  }
0x155: {  	[tilespmem:s16+$0x10110] =	vst v8;
	v3 =	vadd.f32 v6, v3  }
0x156: {  	[tilespmem:s16+$0x10120] =	vst v4;
	v4 =	vadd.f32 v9, v5  }
0x157: {  	[tilespmem:s16+$0x10130] =	vst v3;
	v3 =	vadd.f32 v11, v10  }
0x158: {  	[tilespmem:s16+$0x10140] =	vst v4;
	v4 =	vadd.f32 v13, v12  }
0x159: {  	[tilespmem:s16+$0x10150] =	vst v3  }
0x15a: {  	[tilespmem:s16+$0x10160] =	vst v4  }
0x15b: {  	s5 =	simm.s32 $0x0;
	s16 =	rddreg [dreg:$0x6]  }
0x15c: {  	[hbm4b:s16+s5] =	stream.linear.scatter [tilespmem:s26], [sflag:$0x5], $0x4000, $0x38;
	[tilespmem:$0x18100] =	vst v63  }
0x15d: {  	_ =	swait.ge [sflag:s28], $0x4000  }
0x15e: {  	[sflag:s28] =	ssyncset.done $0x0  }
0x15f: {  	[sflag:s28] =	ssyncadd.s32 $0xFFFFC000  }
0x160: {  	_ =	swait.ge [sflag:s29], $0x4000  }
0x161: {  	[sflag:s29] =	ssyncset.done $0x0  }
0x162: {  	s19 =	simm.s32 $0x0;
	s18 =	simm.s32 $0x0;
	[sflag:s29] =	ssyncadd.s32 $0xFFFFC000  }
0x163: {  	s17 =	sand.u32 $0x1C00, s5;
	s16 =	sand.u32 $0x2000, s19;
	_ =	swait.ge [sflag:s0], $0x4000  }
0x164: {  	s20 =	sand.u32 $0x380, s18;
	s16 =	sor.u32 s17, s16;
	[sflag:s0] =	ssyncset.done $0x0  }
0x165: {  	s16 =	sor.u32 s20, s16;
	[sflag:s0] =	ssyncadd.s32 $0xFFFFC000  }
0x166: {  	v3 =	vld [tilespmem:s16+$0x4170]  }
0x167: {  	v5 =	vld [tilespmem:s16+$0xC170]  }
0x168: {  	v6 =	vld [tilespmem:s16+$0x4100]  }
0x169: {  	v8 =	vld [tilespmem:s16+$0xC100]  }
0x16a: {  	v9 =	vld [tilespmem:s16+$0x4110]  }
0x16b: {  	v10 =	vld [tilespmem:s16+$0xC110]  }
0x16c: {  	v4 =	vld [tilespmem:s16+$0x4120]  }
0x16d: {  	v7 =	vld [tilespmem:s16+$0xC120];
	v5 =	vadd.f32 v5, v3  }
0x16e: {  	v8 =	vadd.f32 v8, v6;
	v3 =	vld [tilespmem:s16+$0x4130]  }
0x16f: {  	v6 =	vld [tilespmem:s16+$0xC130];
	[tilespmem:s16+$0x14170] =	vst v5  }
0x170: {  	s17 =	simm.s32 $0x0;
	[tilespmem:s16+$0x14100] =	vst v8;
	v8 =	vadd.f32 v10, v9;
	v5 =	vld [tilespmem:s16+$0x4140]  }
.LBB2_8:
0x171: {  	s17 =	sadd.s32 $0x8, s17;
	v9 =	vld [tilespmem:s16+$0xC140]  }
0x172: {  	s5 =	sadd.s32 $0x400, s5;
	s18 =	sshll.u32 s17, $0x4;
	p0 =	slt.u32 s17, $0x3F8;
	[tilespmem:s16+$0x14110] =	vst v8;
	v4 =	vadd.f32 v7, v4;
	v7 =	vld [tilespmem:s16+$0x4150]  }
0x173: {  	s19 =	sand.u32 $0x1C00, s5;
	s20 =	sshll.u32 s17, $0x1;
	s18 =	sand.u32 $0x2000, s18;
	v8 =	vld [tilespmem:s16+$0xC150]  }
0x174: {  	s18 =	sor.u32 s19, s18;
	s19 =	sand.u32 $0x380, s20;
	[tilespmem:s16+$0x14120] =	vst v4;
	v3 =	vadd.f32 v6, v3;
	v4 =	vld [tilespmem:s16+$0x4160]  }
0x175: {  	s18 =	sor.u32 s19, s18;
	v6 =	vld [tilespmem:s16+$0xC160]  }
0x176: {  	v10 =	vld [tilespmem:s18+$0x4170];
	[tilespmem:s16+$0x14130] =	vst v3;
	v3 =	vadd.f32 v9, v5  }
0x177: {  	v5 =	vld [tilespmem:s18+$0xC170]  }
0x178: {  	v9 =	vld [tilespmem:s18+$0x4100];
	[tilespmem:s16+$0x14140] =	vst v3;
	v3 =	vadd.f32 v8, v7  }
0x179: {  	v8 =	vld [tilespmem:s18+$0xC100]  }
0x17a: {  	v11 =	vld [tilespmem:s18+$0x4110];
	[tilespmem:s16+$0x14150] =	vst v3;
	v3 =	vadd.f32 v6, v4  }
0x17b: {  	v12 =	vld [tilespmem:s18+$0xC110]  }
.Ltmp3:
0x17c: {  	v4 =	vld [tilespmem:s18+$0x4120];
	v5 =	vadd.f32 v5, v10;
	[tilespmem:s16+$0x14160] =	vst v3;
	s16 =	smov.u32 s18;
	(pc) =	sbr.rel @p0 .LBB2_8-.Ltmp3, $4  }
0x17d: {  	v7 =	vld [tilespmem:s16+$0xC120]  }
0x17e: {  	v8 =	vadd.f32 v8, v9;
	v3 =	vld [tilespmem:s16+$0x4130];
	[tilespmem:s16+$0x14170] =	vst v5  }
0x17f: {  	v6 =	vld [tilespmem:s16+$0xC130]  }
0x180: {  	[tilespmem:s16+$0x14100] =	vst v8;
	v8 =	vadd.f32 v12, v11;
	v5 =	vld [tilespmem:s16+$0x4140]  }
0x181: {  	v9 =	vld [tilespmem:s16+$0xC140]  }
0x182: {  	v10 =	vld [tilespmem:s16+$0x4150]  }
0x183: {  	v11 =	vld [tilespmem:s16+$0xC150]  }
0x184: {  	v12 =	vld [tilespmem:s16+$0x4160]  }
0x185: {  	v13 =	vld [tilespmem:s16+$0xC160]  }
0x186: {  	v4 =	vadd.f32 v7, v4  }
0x187: {  	[tilespmem:s16+$0x14110] =	vst v8;
	v3 =	vadd.f32 v6, v3  }
0x188: {  	[tilespmem:s16+$0x14120] =	vst v4;
	v62 =	vadd.f32 v9, v5  }
0x189: {  	[tilespmem:s16+$0x14130] =	vst v3;
	v3 =	vadd.f32 v11, v10  }
0x18a: {  	v63 =	vadd.f32 v13, v12;
	[tilespmem:s16+$0x14140] =	vst v62  }
0x18b: {  	[tilespmem:s16+$0x14150] =	vst v3  }
0x18c: {  	[tilespmem:s16+$0x14160] =	vst v63  }
0x18d: {  	s5 =	rddreg [dreg:$0x7]  }
0x18e: {  	[hbm4b:s5+s2] =	stream.linear.scatter [tilespmem:s30], [sflag:$0x6], $0x4000, $0x38;
	[tilespmem:$0x18100] =	vst v63  }
0x18f: {  	_ =	swait.ge [sflag:s31], $0x4000  }
0x190: {  	[sflag:s31] =	ssyncset.done $0x0  }
0x191: {  	[sflag:s31] =	ssyncadd.s32 $0xFFFFC000  }
0x192: {  	_ =	swait.ge [sflag:s0], $0x4000  }
0x193: {  	s4 =	sadd.s32 $0x1, s4;
	s20 =	rddreg [dreg:$0x8]  }
0x194: {  	p0 =	sne.s32 s4, s20  }
.Ltmp4:
0x195: {  	_ = 	snop;
	(pc) =	sbr.rel @p0 .LBB2_1-.Ltmp4, $3  }
0x196: {  	_ =	sdelay $0x1  }
0x197: {  	[sflag:s0] =	ssyncset.done $0x0  }
0x198: {  	[sflag:s0] =	ssyncadd.s32 $0xFFFFC000  }
0x199: {  	_ =	sfence.sel $0x180000  }
0x19a: {  	[bflag:$0x0] =	sbarrier.arrive $0xFFFF  }
0x19b: {  	_ =	strace $0x9000004D  }
0x19c: {  	s0 =	stileid.u32;
	[bflag:$0x2] =	sbarrier.arrive $0xFFFF  }
0x19d: {  	p0 =	sne.s32 s0, $0x0;
	s0 =	rddreg [dreg:$0x2]  }
0x19e: {  	s0 =	sadd.s32 @!p0 $0x100000, s0  }
0x19f: {  	[sflag:s0] =	ssyncadd.tile.s32 @!p0 $0x1;
	_ =	shalt  }
.Lfunc_end2:
_tile_overlayer_lowered:
.L_overlay_start_2:
0x1a0: {  	(tag) =	ssettag $0x2  }
0x1a1: {  	s0 =	rddreg [dreg:$0x0];
	s2 =	stileid.u32  }
0x1a2: {  	s1 =	rddreg [dreg:$0x1];
	p0 =	sne.s32 s2, $0x0  }
0x1a3: {  	s3 =	rddreg [dreg:$0x2];
	[bflag:$0x3] =	sbarrier.arrive $0xFFFF;
	s2 =	simm.s32 @!p0 $0x1C07  }
0x1a4: {  	[timem:s3], [sflag:s2] =	dma.local @!p0 [hbm:s0], s1  }
0x1a5: {  	s0 =	simm.s32 @!p0 $0x7  }
0x1a6: {  	_ =	swait.ge @!p0 [sflag:s0], s1  }
0x1a7: {  	s1 =	ssub.s32 @!p0 $0x0, s1;
	[sflag:s0] =	ssyncset.done @!p0 $0x0  }
0x1a8: {  	[sflag:s0] =	ssyncadd.s32 @!p0 s1  }
0x1a9: {  	[bflag:$0x3] =	sbarrier.arrive $0xFFFF  }
0x1aa: {  	_ =	shalt  }

// kernel: kernel.8.cloned.1.call-start
scs
__scs_entry_jumppad:
0x0: {  	(pc) =	sbr.rel $0x88, $3  }
0x1: {  	(tag) =	ssettag $0x0;
	lr =	simm.s32 $0x1  }
0x2: {  	[smem:$0x3F95] =	sst lr;
	_ =	strace $0xD0000000  }
0x3: {  	_ = 	snop  }
0x4: {  	_ = 	snop  }
0x5: {  	_ = 	snop  }
0x6: {  	_ = 	snop  }
0x7: {  	_ = 	snop  }
__scs_overlays_trampoline_lowered:
0x8: {  	[smem:$0x3FA4] =	sst s0  }
0x9: {  	[smem:$0x3FA5] =	sst s1  }
0xa: {  	[smem:$0x3FA6] =	sst s2  }
0xb: {  	[smem:$0x3FA7] =	sst s3  }
0xc: {  	[smem:$0x3FA8] =	sst s4  }
0xd: {  	[smem:$0x3FA9] =	sst s5  }
0xe: {  	[smem:$0x3FAA] =	sst s6  }
0xf: {  	[smem:$0x3FAB] =	sst s7  }
0x10: {  	[smem:$0x3FAC] =	sst s8  }
0x11: {  	[smem:$0x3FAD] =	sst s9;
	s0 =	simm.s32 @!p0 $0x0  }
0x12: {  	s1 =	sld [smem:$0x3F93];
	s0 =	simm.s32 @p0 $0x1  }
0x13: {  	[smem:$0x3FAE] =	sst s0;
	s0 =	simm.s32 @!p1 $0x0  }
0x14: {  	s2 =	sld [smem:$0x3F92];
	s0 =	simm.s32 @p1 $0x1  }
0x15: {  	[smem:$0x3FAF] =	sst s0;
	s0 =	simm.s32 @!p2 $0x0  }
0x16: {  	s3 =	sld [smem:$0x3FDB];
	s0 =	simm.s32 @p2 $0x1  }
0x17: {  	s4 =	simm.s32 $0x1BF5;
	[smem:$0x3FB1] =	sst s0  }
0x18: {  	s0 =	sld [smem:$0x3F94];
	_ =	swait.ge [sflag:s4], $0x0  }
0x19: {  	s7 =	sld [smem:$0x3F95]  }
0x1a: {  	s8 =	sadd.s32 $0xFFFFE003, lr  }
0x1b: {  	s9 =	sadd.s32 $0xFFFFFEF7, lr;
	s5 =	simm.s32 $0xFFFFFFFF;
	p2 =	slt.u32 s8, $0xFFFFF086  }
0x1c: {  	p1 =	slt.u32 s9, $0xF7A;
	s5 =	simm.s32 @!p2 $0x0  }
0x1d: {  	s5 =	simm.s32 @p1 $0x1;
	p0 =	seq.s32 s7, s2  }
0x1e: {  	s7 =	smul.u32 @!p0 $0xF7A, s2;
	p2 =	seq.s32 @!p0 s5, $0x0  }
0x1f: {  	s9 =	smul.u32 $0xF7A, s1;
	s8 =	simm.s32 @!p0 $0x1BF5;
	p2 =	por !p2, p0  }
0x20: {  	[sflag:s8] =	ssyncset.s32 @!p0 $0xFFFFF086;
	s6 =	sadd.s32 @!p0 s3, s7;
	s7 =	simm.s32 @!p0 $0x108  }
0x21: {  	s3 =	sadd.s32 s3, s9;
	s6 =	sadd.s32 @!p0 $0x88, s6;
	s7 =	simm.s32 @p2 $0x1082  }
0x22: {  	[simem:s7], [sflag:s8] =	dma.local @!p0 [hbm:s6], $0xF7A  }
0x23: {  	s9 =	sor.u32 $0xD0000000, s2;
	s6 =	simm.s32 $0x108;
	_ =	swait.ge @!p0 [sflag:s8], $0x0  }
0x24: {  	s3 =	sadd.s32 $0x88, s3;
	s6 =	simm.s32 @!p1 $0x1082;
	[sflag:s4] =	ssyncset.s32 $0xFFFFF086  }
0x25: {  	[simem:s6], [sflag:s4] =	dma.local [hbm:s3], $0xF7A  }
0x26: {  	[smem:$0x3F95] =	sst s1;
	(tag) =	ssettag s2;
	_ =	strace s9  }
0x27: {  	s1 =	sld [smem:$0x3FA5]  }
0x28: {  	s2 =	sld [smem:$0x3FA6]  }
0x29: {  	s4 =	sld [smem:$0x3FA8]  }
0x2a: {  	p0 =	seq.s32 s5, $0x0;
	s5 =	sld [smem:$0x3FA9]  }
0x2b: {  	s6 =	sld [smem:$0x3FAA]  }
0x2c: {  	s7 =	sld [smem:$0x3FAB]  }
0x2d: {  	s3 =	simm.s32 $0x108;
	s8 =	sld [smem:$0x3FAC]  }
0x2e: {  	s3 =	simm.s32 @!p0 $0x1082;
	s9 =	sld [smem:$0x3FAD]  }
0x2f: {  	lr =	sadd.s32 s0, s3;
	s0 =	sld [smem:$0x3FA4]  }
0x30: {  	s3 =	sld [smem:$0x3FA7]  }
0x31: {  	[smem:$0x3FB0] =	sst s10  }
0x32: {  	s10 =	sld [smem:$0x3FAE];
	_ =	sdelay $0x3  }
0x33: {  	p0 =	seq.s32 s10, $0x1;
	s10 =	sld [smem:$0x3FB0];
	_ =	sdelay $0x3  }
0x34: {  	[smem:$0x3FB0] =	sst s10  }
0x35: {  	s10 =	sld [smem:$0x3FAF];
	_ =	sdelay $0x3  }
0x36: {  	p1 =	seq.s32 s10, $0x1;
	s10 =	sld [smem:$0x3FB0];
	_ =	sdelay $0x3  }
0x37: {  	[smem:$0x3FB0] =	sst s10  }
0x38: {  	s10 =	sld [smem:$0x3FB1]  }
0x39: {  	_ = 	snop;
	(pc) =	sbr.ind lr, $3  }
0x3a: {  	_ = 	snop  }
0x3b: {  	_ = 	snop  }
0x3c: {  	p2 =	seq.s32 s10, $0x1;
	s10 =	sld [smem:$0x3FB0]  }
0x3d: {  	_ =	shalt  }
0x3e: {  	_ =	shalt  }
0x3f: {  	_ =	shalt  }
0x40: {  	_ =	shalt  }
0x41: {  	_ =	shalt  }
0x42: {  	_ =	shalt  }
0x43: {  	_ =	shalt  }
0x44: {  	_ =	shalt  }
0x45: {  	_ =	shalt  }
0x46: {  	_ =	shalt  }
0x47: {  	_ =	shalt  }
0x48: {  	_ =	shalt  }
0x49: {  	_ =	shalt  }
0x4a: {  	_ =	shalt  }
0x4b: {  	_ =	shalt  }
0x4c: {  	_ =	shalt  }
0x4d: {  	_ =	shalt  }
0x4e: {  	_ =	shalt  }
0x4f: {  	_ =	shalt  }
0x50: {  	_ =	shalt  }
0x51: {  	_ =	shalt  }
0x52: {  	_ =	shalt  }
0x53: {  	_ =	shalt  }
0x54: {  	_ =	shalt  }
0x55: {  	_ =	shalt  }
0x56: {  	_ =	shalt  }
0x57: {  	_ =	shalt  }
0x58: {  	_ =	shalt  }
0x59: {  	_ =	shalt  }
0x5a: {  	_ =	shalt  }
0x5b: {  	_ =	shalt  }
0x5c: {  	_ =	shalt  }
0x5d: {  	_ =	shalt  }
0x5e: {  	_ =	shalt  }
0x5f: {  	_ =	shalt  }
0x60: {  	_ =	shalt  }
0x61: {  	_ =	shalt  }
0x62: {  	_ =	shalt  }
0x63: {  	_ =	shalt  }
0x64: {  	_ =	shalt  }
0x65: {  	_ =	shalt  }
0x66: {  	_ =	shalt  }
0x67: {  	_ =	shalt  }
0x68: {  	_ =	shalt  }
0x69: {  	_ =	shalt  }
0x6a: {  	_ =	shalt  }
0x6b: {  	_ =	shalt  }
0x6c: {  	_ =	shalt  }
0x6d: {  	_ =	shalt  }
0x6e: {  	_ =	shalt  }
0x6f: {  	_ =	shalt  }
0x70: {  	_ =	shalt  }
0x71: {  	_ =	shalt  }
0x72: {  	_ =	shalt  }
0x73: {  	_ =	shalt  }
0x74: {  	_ =	shalt  }
0x75: {  	_ =	shalt  }
0x76: {  	_ =	shalt  }
0x77: {  	_ =	shalt  }
0x78: {  	_ =	shalt  }
0x79: {  	_ =	shalt  }
0x7a: {  	_ =	shalt  }
0x7b: {  	_ =	shalt  }
0x7c: {  	_ =	shalt  }
0x7d: {  	_ =	shalt  }
0x7e: {  	_ =	shalt  }
0x7f: {  	_ =	shalt  }
0x80: {  	_ =	shalt  }
0x81: {  	_ =	shalt  }
0x82: {  	_ =	shalt  }
0x83: {  	_ =	shalt  }
0x84: {  	_ =	shalt  }
0x85: {  	_ =	shalt  }
0x86: {  	_ =	shalt  }
0x87: {  	_ =	shalt  }
.Lfunc_end0:
.L_simem_size_0:
called_computation_lowered:
.L_overlay_start_0:
0x88: {  	s2 =	sld [smem:$0x3FD9]  }
0x89: {  	s3 =	sld [smem:$0x3FFE];
	_ =	sdelay $0x1  }
0x8a: {  	s1 =	srdreg.scid  }
0x8b: {  	s0 =	sand.u32 $0x1, s1  }
0x8c: {  	s14 =	sshll.u32 s0, $0xA;
	s2 =	sadd.s32 s3, s2  }
0x8d: {  	s2 =	sadd.s32 s2, s14  }
0x8e: {  	[smem:$0x3FBC] =	sst s2  }
0x8f: {  	_ = 	snop  }
0x90: {  	s2 =	sld [smem:$0x3FD0];
	_ =	sdelay $0x2  }
0x91: {  	s15 =	simm.s32 $0xA;
	s4 =	simm.s32 $0x10  }
0x92: {  	[smem:s4], [sflag:s15] =	dma.local [hbm:s2], $0x1  }
0x93: {  	_ =	swait.eq [sflag:s15], $0x1  }
0x94: {  	[sflag:s15] =	ssyncset.done $0x0  }
0x95: {  	[sflag:s15] =	ssyncadd.s32 $0xFFFFFFFF  }
0x96: {  	s16 =	sld [smem:$0x11];
	(tm) =	ssettm $0x1  }
0x97: {  	s17 =	sld [smem:$0x3FFB];
	_ =	sdelay $0x3  }
0x98: {  	_ =	strace s17  }
0x99: {  	s3 =	sld [smem:$0x3FFC];
	_ =	sdelay $0x3  }
0x9a: {  	_ =	strace s3  }
0x9b: {  	s3 =	sld [smem:$0x3FFD];
	_ =	sdelay $0x3  }
0x9c: {  	_ =	strace s3  }
0x9d: {  	_ =	strace $0x8FFFFFFF  }
0x9e: {  	s18 =	sld [smem:$0x3FDB];
	_ =	sdelay $0x1  }
0x9f: {  	s19 =	simm.s32 $_scs_section_size  }
0xa0: {  	s5 =	simm.s32 $_size__tile_overlayer_lowered;
	s6 =	simm.s32 $_tile_overlayer_lowered  }
0xa1: {  	s22 =	simm.s32 $0x1BFF;
	s21 =	sshll.u32 s6, $0x1;
	s3 =	sadd.s32 s19, s18  }
0xa2: {  	s7 =	simm.s32 $0x0;
	s20 =	sshll.u32 s5, $0x1;
	s5 =	sadd.s32 s21, s3  }
0xa3: {  	[timem:s7], [sflag:s22] =	dma.local [hbm:s5], s20  }
0xa4: {  	_ =	swait.ge [sflag:s22], s20  }
0xa5: {  	s4 =	ssub.s32 $0x0, s20;
	[sflag:s22] =	ssyncset.done $0x0  }
0xa6: {  	[sflag:s22] =	ssyncadd.s32 s4;
	_ =	sdelay $0x1  }
0xa7: {  	s23 =	simm.s32 $0x1B8B  }
0xa8: {  	_ =	swait.ge [sflag:s23], $0x1  }
0xa9: {  	[sflag:s23] =	ssyncset.done $0x0  }
0xaa: {  	s25 =	simm.s32 $0x1B8E;
	s24 =	sld [smem:$0x3FFE];
	[sflag:s23] =	ssyncadd.s32 $0xFFFFFFFF  }
0xab: {  	s26 =	simm.s32 $execute0_lowered;
	[smem:$0x3FD2] =	sst s25  }
0xac: {  	s5 =	sshll.u32 s26, $0x1;
	_ =	strace $0x80000046;
	[dreg:$0x1] =	wrdreg $0xFFFFFFFF  }
0xad: {  	s28 =	simm.s32 $_size_execute0_lowered;
	s3 =	sadd.s32 s3, s5;
	[dreg:$0x0] =	wrdreg $0x0  }
0xae: {  	s5 =	sshll.u32 s28, $0x1;
	[dreg:$0x2] =	wrdreg s3  }
0xaf: {  	[dreg:$0x3] =	wrdreg s5  }
0xb0: {  	[dreg:$0x4] =	wrdreg $0xC0  }
0xb1: {  	_ =	task [dreg:s7], $0x5FFFF  }
0xb2: {  	[dreg:$0x1] =	wrdreg $0xFFFFFFFF  }
0xb3: {  	[dreg:$0x0] =	wrdreg $0x60  }
0xb4: {  	[dreg:$0x2] =	wrdreg s24  }
0xb5: {  	[dreg:$0x3] =	wrdreg s16  }
0xb6: {  	[dreg:$0x4] =	wrdreg $0x9  }
0xb7: {  	_ =	task.clear_ibuf [dreg:s7], $0x5FFFF;
	_ =	strace $0x90000046  }
0xb8: {  	s29 =	simm.s32 $0x9;
	_ =	strace $0x80000048  }
0xb9: {  	_ =	swait.ge [sflag:s29], $0x1  }
0xba: {  	[sflag:s29] =	ssyncadd.s32 $0xFFFFFFFF  }
0xbb: {  	_ =	strace $0x90000048  }
0xbc: {  	_ =	sfence  }
0xbd: {  	s30 =	sld [smem:$0x0];
	_ =	sdelay $0x2  }
0xbe: {  	s31 =	sshll.u32 s1, $0xD;
	s1 =	sshrl.u32 s1, $0x2  }
0xbf: {  	s3 =	sand.u32 $0x4000, s31;
	s1 =	sadd.s32 s1, s30  }
0xc0: {  	s0 =	sor.u32 s3, s0;
	s1 =	sshll.u32 s1, $0x11  }
0xc1: {  	s0 =	sor.u32 s1, s0  }
0xc2: {  	s0 =	sadd.s32 $0x8F2B, s0  }
0xc3: {  	[sflag:s0] =	ssyncadd.remote.s32 $0x1  }
0xc4: {  	_ =	sfence.sel $0xFFFF  }
0xc5: {  	[dreg:$0x0] =	wrdreg $0xFFFFFFFF;
	(pc) =	sbr.abs _section_cstart, $3  }
0xc6: {  	[dreg:$0x1] =	wrdreg $0xFFFFFFFF  }
0xc7: {  	_ =	task.clear_ibuf [dreg:s7], $0x2FFFF;
	_ =	strace $0x9FFFFFFF  }
0xc8: {  	(tm) =	ssettm $0x7FFFFFFF  }
0xc9: {  	_ =	shalt  }
tec
execute0_lowered:
.L_overlay_start_1:
0x0: {  	(tag) =	ssettag $0x1  }
0x1: {  	s0 =	srdreg.scid  }
0x2: {  	s4 =	sand.u32 $0x1, s0;
	s0 =	stileid.u32  }
0x3: {  	s3 =	sshll.u32 s0, $0x1;
	s5 =	ssub.s32 $0x0, s4  }
0x4: {  	p0 =	sne.s32 s3, s5  }
.Ltmp0:
0x5: {  	_ = 	snop;
	(pc) =	sbr.rel @p0 .LBB2_7-.Ltmp0, $4  }
0x6: {  	_ = 	snop  }
0x7: {  	s7 =	rddreg [dreg:$0x0]  }
0x8: {  	s2 =	rddreg [dreg:$0x1]  }
0x9: {  	s1 =	rddreg [dreg:$0x2];
	_ =	strace $0x80000047  }
0xa: {  	s3 =	sadd.s32 $0x1A00, s7;
	s8 =	ssub.s32 $0x2, s4  }
0xb: {  	s4 =	sadd.s32 $0x1800, s7;
	s5 =	sadd.s32 $0x1E00, s7;
	s6 =	sadd.s32 $0x1C00, s7  }
0xc: {  	s7 =	sadd.s32 $0x2000, s7;
	s10 =	simm.s32 $0x1;
	s11 =	simm.s32 $0x800  }
0xd: {  	s12 =	simm.s32 $0x1000;
	s13 =	simm.s32 $0x1800;
	s9 =	sshrl.u32 s8, $0x1  }
0xe: {  	s14 =	simm.s32 $0x2000;
	s15 =	simm.s32 $0x3E00;
	s8 =	ssub.s32 s8, s9  }
0xf: {  	v0 =	vimm.s32 $0x0;
	v1 =	vimm.f32 $0.0e+00;
	v2 =	vlaneseq.u32;
	s16 =	simm.s32 $0x0;
	s9 =	simm.s32 $0x0;
	s8 =	smax.u32 s8, $0x1  }
.LBB2_2:
0x10: {  	[tilespmem:s9], [sflag:$0x1] =	stream.linear.gather [hbm4b:s3+s9], $0x800, $0x38;
	[tilespmem:$0x5C00] =	vst v63  }
0x11: {  	_ =	swait.ge [sflag:s10], $0x800  }
0x12: {  	[sflag:s10] =	ssyncset.done $0x0  }
0x13: {  	[sflag:s10] =	ssyncadd.s32 $0xFFFFF800  }
0x14: {  	[tilespmem:s11], [sflag:$0x1] =	stream.linear.gather [hbm4b:s4+s9], $0x800, $0x38;
	[tilespmem:$0x5C00] =	vst v63  }
0x15: {  	_ =	swait.ge [sflag:s10], $0x800  }
0x16: {  	[sflag:s10] =	ssyncset.done $0x0  }
0x17: {  	[sflag:s10] =	ssyncadd.s32 $0xFFFFF800  }
0x18: {  	[tilespmem:s12], [sflag:$0x1] =	stream.linear.gather [hbm4b:s5+s9], $0x800, $0x38;
	[tilespmem:$0x5C00] =	vst v63  }
0x19: {  	_ =	swait.ge [sflag:s10], $0x800  }
0x1a: {  	[sflag:s10] =	ssyncset.done $0x0  }
0x1b: {  	[sflag:s10] =	ssyncadd.s32 $0xFFFFF800  }
0x1c: {  	[tilespmem:s13], [sflag:$0x1] =	stream.linear.gather [hbm4b:s6+s9], $0x800, $0x38;
	[tilespmem:$0x5C00] =	vst v63  }
0x1d: {  	_ =	swait.ge [sflag:s10], $0x800  }
0x1e: {  	[sflag:s10] =	ssyncset.done $0x0  }
0x1f: {  	s17 =	simm.s32 $0x0;
	[sflag:s10] =	ssyncadd.s32 $0xFFFFF800  }
.LBB2_3:
0x20: {  	p0 =	sne.s32 s17, $0x77C0  }
.Ltmp1:
0x21: {  	_ = 	snop;
	(pc) =	sbr.rel @p0 .LBB2_3-.Ltmp1, $4  }
0x22: {  	_ = 	snop  }
0x23: {  	s18 =	sshra.s32 s17, $0x2  }
0x24: {  	[tilespmem:s18+$0x2000] =	vst v0  }
0x25: {  	s17 =	sadd.s32 $0x40, s17;
	[tilespmem:s18+$0x3E00] =	vst v1  }
0x26: {  	s17 =	simm.s32 $0x0;
	s18 =	simm.s32 $0x1000  }
0x27: {  	s19 =	simm.s32 $0x800;
	s20 =	simm.s32 $0x1800;
	s21 =	simm.s32 $0x0  }
.LBB2_5:
0x28: {  	v3 =	vld [tilespmem:s17+$0x0];
	_ =	sdelay $0x6  }
0x29: {  	v4 =	vor.u32 s21, v2  }
0x2a: {  	[tilespmem:v3+s14+$0x0] =	vst.idx.msk $0xffff, v4  }
0x2b: {  	v5 =	vld [tilespmem:s18+$0x0];
	_ =	sdelay $0x4  }
0x2c: {  	[tilespmem:v3+s15+$0x0] =	vst.idx.msk $0xffff, v5  }
0x2d: {  	v3 =	vld [tilespmem:s19+$0x0];
	_ =	sdelay $0x7  }
0x2e: {  	[tilespmem:v3+s14+$0x0] =	vst.idx.msk $0xffff, v4  }
0x2f: {  	p0 =	sne.s32 s21, $0x7F0;
	v4 =	vld [tilespmem:s20+$0x0]  }
.Ltmp2:
0x30: {  	_ = 	snop;
	(pc) =	sbr.rel @p0 .LBB2_5-.Ltmp2, $3  }
0x31: {  	_ =	sdelay $0x1  }
0x32: {  	s17 =	sadd.s32 $0x10, s17;
	s21 =	sadd.s32 $0x10, s21  }
0x33: {  	s18 =	sadd.s32 $0x10, s18;
	s19 =	sadd.s32 $0x10, s19;
	s20 =	sadd.s32 $0x10, s20;
	[tilespmem:v3+s15+$0x0] =	vst.idx.msk $0xffff, v4  }
0x34: {  	[hbm4b:s2+s9] =	stream.linear.scatter [tilespmem:s14], [sflag:$0x1], $0x1E00, $0x38;
	[tilespmem:$0x5C00] =	vst v63  }
0x35: {  	s16 =	sadd.s32 $0x1, s16;
	_ =	swait.ge [sflag:s10], $0x1E00  }
0x36: {  	p0 =	sne.s32 s16, s8;
	[sflag:s10] =	ssyncset.done $0x0  }
.Ltmp3:
0x37: {  	[sflag:s10] =	ssyncadd.s32 $0xFFFFE200;
	(pc) =	sbr.rel @p0 .LBB2_2-.Ltmp3, $4  }
0x38: {  	[hbm4b:s7+s9] =	stream.linear.scatter [tilespmem:s15], [sflag:$0x1], $0x1E00, $0x38;
	[tilespmem:$0x5C00] =	vst v63  }
0x39: {  	_ =	swait.ge [sflag:s10], $0x1E00  }
0x3a: {  	[sflag:s10] =	ssyncset.done $0x0  }
0x3b: {  	[sflag:s10] =	ssyncadd.s32 $0xFFFFE200  }
.LBB2_7:
0x3c: {  	_ =	sfence.sel $0x180000  }
0x3d: {  	[bflag:$0x0] =	sbarrier.arrive $0xFFFF  }
0x3e: {  	p0 =	sne.s32 s0, $0x0;
	_ =	strace $0x90000047  }
0x3f: {  	s0 =	sadd.s32 @!p0 $0x100000, s1;
	[bflag:$0x2] =	sbarrier.arrive $0xFFFF  }
0x40: {  	[sflag:s0] =	ssyncadd.tile.s32 @!p0 $0x1;
	_ =	shalt  }
.Lfunc_end2:
_tile_overlayer_lowered:
.L_overlay_start_2:
0x41: {  	(tag) =	ssettag $0x2  }
0x42: {  	s0 =	rddreg [dreg:$0x0];
	s2 =	stileid.u32  }
0x43: {  	s1 =	rddreg [dreg:$0x1];
	p0 =	sne.s32 s2, $0x0  }
0x44: {  	s3 =	rddreg [dreg:$0x2];
	[bflag:$0x3] =	sbarrier.arrive $0xFFFF;
	s2 =	simm.s32 @!p0 $0x1C01  }
0x45: {  	[timem:s3], [sflag:s2] =	dma.local @!p0 [hbm:s0], s1  }
0x46: {  	s0 =	simm.s32 @!p0 $0x1  }
0x47: {  	_ =	swait.ge @!p0 [sflag:s0], s1  }
0x48: {  	s1 =	ssub.s32 @!p0 $0x0, s1;
	[sflag:s0] =	ssyncset.done @!p0 $0x0  }
0x49: {  	[sflag:s0] =	ssyncadd.s32 @!p0 s1  }
0x4a: {  	[bflag:$0x3] =	sbarrier.arrive $0xFFFF  }
0x4b: {  	_ =	shalt  }

</sc_bundles>
